<compile_context>
chip_gen: v7x
topology: tpu7x:2x2x1
jax: 0.10.2.dev20260603
libtpu: 0.0.44.dev20260713+nightly
codegen_flags: <defaults>
</compile_context>

<pallas_src>
import functools

import jax
import jax.numpy as jnp
import numpy as np
from jax.experimental import pallas as pl
from jax.experimental.pallas import tpu as pltpu
from jax.experimental.pallas import tpu_sc as plsc

S, H = 2048, 1024
NH, NKV, HD = 16, 8, 64
I, E = 2048, 8
EPS = 1e-6
EP = 16
NA = 2 * S
BT = 256
NBE = NA // BT + E
NBS = S // BT
NBLK = NBE + NBS
NPADE = NBE * BT
NPAD = NBLK * BT
HW = H // 2


def _rms_mm_kernel(x_ref, ln_ref, w_ref, o_ref):
    x = x_ref[...]
    h = x * jax.lax.rsqrt(jnp.mean(x * x, axis=-1, keepdims=True) + EPS)
    h = h * ln_ref[...]
    o_ref[...] = jnp.dot(h.astype(jnp.bfloat16), w_ref[...],
                         preferred_element_type=jnp.float32).astype(jnp.bfloat16)


BQ = 512
BK = 512
NC = S // BQ


def _flash_kernel(q_ref, k_ref, v_ref, wo_ref, x_ref, o_ref,
                  m_scr, l_scr, acc_scr, oall_scr, mask_scr):
    ci = pl.program_id(0)
    hp = pl.program_id(1)
    cj = pl.program_id(2)
    scale = 1.0 / np.sqrt(HD)
    B2 = 2 * BQ

    @pl.when((ci == 0) & (hp == 0) & (cj == 0))
    def _():
        rl = jax.lax.broadcasted_iota(jnp.int32, (B2, BK), 0) % BQ
        cl = jax.lax.broadcasted_iota(jnp.int32, (B2, BK), 1)
        mask_scr[...] = jnp.where(cl <= rl, 0.0, -1e30)

    @pl.when(cj == 0)
    def _():
        m_scr[...] = jnp.full((B2, 128), -1e30, jnp.float32)
        l_scr[...] = jnp.zeros((B2, 128), jnp.float32)
        acc_scr[...] = jnp.zeros((B2, HD), jnp.float32)

    @pl.when(cj <= ci)
    def _():
        q2 = jnp.concatenate([q_ref[0], q_ref[1]], axis=0)
        s = jax.lax.dot_general(q2, k_ref[0], (((1,), (1,)), ((), ())),
                                preferred_element_type=jnp.float32) * scale
        s = jax.lax.cond(cj == ci, lambda: s + mask_scr[...], lambda: s)
        m_old = m_scr[:, 0:1]
        m_new = jnp.maximum(m_old, jnp.max(s, axis=-1, keepdims=True))
        p = jnp.exp(s - m_new)
        corr = jnp.exp(m_old - m_new)
        l_new = l_scr[:, 0:1] * corr + jnp.sum(p, axis=-1, keepdims=True)
        m_scr[...] = jnp.broadcast_to(m_new, (B2, 128))
        l_scr[...] = jnp.broadcast_to(l_new, (B2, 128))
        pv = jax.lax.dot_general(p.astype(jnp.bfloat16), v_ref[0],
                                 (((1,), (0,)), ((), ())),
                                 preferred_element_type=jnp.float32)
        acc_scr[...] = acc_scr[...] * corr + pv

    @pl.when(cj == ci)
    def _():
        o_h = acc_scr[...] / l_scr[:, 0:1]
        o_pair = jnp.concatenate([o_h[:BQ], o_h[BQ:]], axis=1)
        oall_scr[:, pl.ds(hp * 2 * HD, 2 * HD)] = o_pair.astype(jnp.bfloat16)

    @pl.when((hp == NKV - 1) & (cj == ci))
    def _():
        o_ref[...] = x_ref[...] + jax.lax.dot_general(
            oall_scr[...], wo_ref[...], (((1,), (0,)), ((), ())),
            preferred_element_type=jnp.float32)


def _router_kernel(x_ref, ln_ref, gw_ref, h_ref, p_ref, v1_ref, v2_ref,
                   meta_ref, aux_ref):
    x = x_ref[...]
    h = x * jax.lax.rsqrt(jnp.mean(x * x, axis=-1, keepdims=True) + EPS)
    h = h * ln_ref[...]
    h_ref[...] = h.astype(jnp.bfloat16)
    logits = jax.lax.dot_general(h, gw_ref[...], (((1,), (0,)), ((), ())),
                                 precision=jax.lax.Precision.HIGHEST,
                                 preferred_element_type=jnp.float32)
    lane = jax.lax.broadcasted_iota(jnp.int32, (S, EP), 1)
    logits = jnp.where(lane < E, logits, -jnp.inf)
    lm = jnp.max(logits, axis=-1, keepdims=True)
    ex = jnp.exp(logits - lm)
    probs = ex / jnp.sum(ex, axis=-1, keepdims=True)
    m1 = jnp.max(probs, axis=-1, keepdims=True)
    i1 = jnp.min(jnp.where(probs == m1, lane, EP), axis=-1, keepdims=True)
    mask1 = lane == i1
    pr2 = jnp.where(mask1, -jnp.inf, probs)
    m2 = jnp.max(pr2, axis=-1, keepdims=True)
    i2 = jnp.min(jnp.where(pr2 == m2, lane, EP), axis=-1, keepdims=True)
    mask2 = lane == i2
    v1_ref[...] = m1
    v2_ref[...] = m2
    counts = jnp.sum(jnp.where(mask1 | mask2, 1.0, 0.0), axis=0, keepdims=True)
    importance = jnp.mean(probs, axis=0, keepdims=True)
    aux = jnp.sum(importance * counts) * (E / (NA * 1.0))
    aux_ref[...] = jnp.full((1, 128), aux, jnp.float32)
    O = jnp.concatenate([jnp.where(mask1, 1.0, 0.0),
                         jnp.where(mask2, 1.0, 0.0)], axis=0)
    CB = 512
    rl = jax.lax.broadcasted_iota(jnp.int32, (CB, CB), 0)
    cl = jax.lax.broadcasted_iota(jnp.int32, (CB, CB), 1)
    ltri = jnp.where(cl < rl, 1.0, 0.0)
    carry = jnp.zeros((1, EP), jnp.float32)
    ranks = []
    for i in range(NA // CB):
        ob = O[i * CB:(i + 1) * CB]
        cb = jax.lax.dot_general(ltri, ob, (((1,), (0,)), ((), ())),
                                 preferred_element_type=jnp.float32) + carry
        ranks.append(jnp.sum(cb * ob, axis=-1, keepdims=True))
        carry = carry + jnp.sum(ob, axis=0, keepdims=True)
    rank = jnp.concatenate(ranks, axis=0)
    nb_row = jnp.floor((carry + (BT - 1.0)) * (1.0 / BT))
    er = jax.lax.broadcasted_iota(jnp.int32, (EP, EP), 0)
    ec = jax.lax.broadcasted_iota(jnp.int32, (EP, EP), 1)
    ustrict = jnp.where(er < ec, 1.0, 0.0)
    pad_off = jax.lax.dot_general(nb_row, ustrict, (((1,), (0,)), ((), ())),
                                  preferred_element_type=jnp.float32) * BT
    off = jnp.sum(O * pad_off, axis=-1, keepdims=True)
    p_ref[...] = (rank + off).astype(jnp.int32)
    ones_col = jnp.ones((NA, 1), jnp.float32)
    counts_col = jax.lax.dot_general(O, ones_col, (((0,), (0,)), ((), ())),
                                     preferred_element_type=jnp.float32)
    nb_col = jnp.floor((counts_col + (BT - 1.0)) * (1.0 / BT))
    lincl = jnp.where(er >= ec, 1.0, 0.0)
    cum_col = jax.lax.dot_general(lincl, nb_col, (((1,), (0,)), ((), ())),
                                  preferred_element_type=jnp.float32)
    e_col = jax.lax.broadcasted_iota(jnp.int32, (EP, 1), 0)
    b_iota = jax.lax.broadcasted_iota(jnp.int32, (1, 64), 1)
    mat = jnp.where((b_iota >= cum_col.astype(jnp.int32)) & (e_col < E),
                    1.0, 0.0)
    eob = jnp.sum(mat, axis=0, keepdims=True)
    nused = jnp.sum(jnp.where(e_col < E, nb_col, 0.0))
    meta_ref[...] = jnp.where(b_iota == 32, nused, eob).astype(jnp.int32)


NW = 32


def _make_sc_dispatch(mesh):
    @functools.partial(
        pl.kernel, mesh=mesh,
        out_type=jax.ShapeDtypeStruct((NPAD,), jnp.int32),
        scratch_types=[
            pltpu.VMEM((NA // NW,), jnp.int32),
            pltpu.VMEM((NA // NW,), jnp.int32),
            pltpu.VMEM((S // NW,), jnp.int32),
            pltpu.SemaphoreType.DMA,
        ])
    def _sc_dispatch(p_hbm, out_hbm, idx_v, val_v, sh_v, sem):
        wid = jax.lax.axis_index("s") * 2 + jax.lax.axis_index("c")
        na_w = NA // NW
        base = wid * na_w
        pltpu.sync_copy(p_hbm.at[pl.ds(base, na_w)], idx_v)
        lane = jax.lax.broadcasted_iota(jnp.int32, (16,), 0)
        for i in range(na_w // 16):
            v = base + i * 16 + lane
            val_v[pl.ds(i * 16, 16)] = jnp.where(v < S, v, v - S)
        pltpu.async_copy(val_v, out_hbm.at[idx_v], sem).wait()
        s_w = S // NW
        sbase = wid * s_w
        for i in range(s_w // 16):
            sh_v[pl.ds(i * 16, 16)] = sbase + i * 16 + lane
        pltpu.sync_copy(sh_v, out_hbm.at[pl.ds(NPADE + sbase, s_w)])

    return _sc_dispatch


def _make_sc_gather(mesh, V, B):
    nper = B // NW
    CH = min(nper, 128)
    nch = nper // CH

    @functools.partial(
        pl.kernel, mesh=mesh,
        out_type=jax.ShapeDtypeStruct((B, HW), jnp.int32),
        scratch_types=[
            pltpu.VMEM((nper,), jnp.int32),
            pltpu.VMEM((CH, HW), jnp.int32),
            pltpu.SemaphoreType.DMA,
        ])
    def _g(tab_hbm, idx_hbm, out_hbm, idx_v, rows_v, sem):
        wid = jax.lax.axis_index("s") * 2 + jax.lax.axis_index("c")
        base = wid * nper
        pltpu.sync_copy(idx_hbm.at[pl.ds(base, nper)], idx_v)
        for i in range(nper // 16):
            x = idx_v[pl.ds(i * 16, 16)]
            idx_v[pl.ds(i * 16, 16)] = jnp.clip(x, 0, V - 1)
        for ci in range(nch):
            pltpu.async_copy(tab_hbm.at[idx_v.at[pl.ds(ci * CH, CH)]],
                             rows_v, sem).wait()
            pltpu.sync_copy(rows_v, out_hbm.at[pl.ds(base + ci * CH, CH)])

    return _g


@functools.cache
def _get_sc_fns():
    mesh = plsc.VectorSubcoreMesh(core_axis_name="c", subcore_axis_name="s")
    return (_make_sc_dispatch(mesh),
            _make_sc_gather(mesh, S, NPAD),
            _make_sc_gather(mesh, NPAD, NA))


def _gmm_kernel(eob_ref, nused_ref, xs_ref, w1_ref, w2_ref, o_ref):
    b = pl.program_id(0)

    @pl.when((b < nused_ref[0]) | (b >= NBE))
    def _():
        h1 = jax.lax.dot_general(xs_ref[...], w1_ref[0],
                                 (((1,), (1,)), ((), ())),
                                 preferred_element_type=jnp.float32)
        h1 = (h1 * jax.nn.sigmoid(h1)).astype(jnp.bfloat16)
        o_ref[...] = jax.lax.dot_general(
            h1, w2_ref[0], (((1,), (1,)), ((), ())),
            preferred_element_type=jnp.float32).astype(jnp.bfloat16)


def _combine_kernel(x_ref, es_ref, g1_ref, g2_ref, v1_ref, v2_ref, o_ref):
    o_ref[...] = (x_ref[...] + es_ref[...].astype(jnp.float32)
                  + v1_ref[...] * g1_ref[...].astype(jnp.float32)
                  + v2_ref[...] * g2_ref[...].astype(jnp.float32))


def kernel(x, wq, wk, wv, wo, gate_w, w1, w2, sw1, sw2, ln1, ln2):
    xf = x[0]
    wqkv_t = jnp.concatenate([wq, wk, wv], axis=0).T.astype(jnp.bfloat16)
    wo_t = wo.T.astype(jnp.bfloat16)
    gw_t = jnp.pad(gate_w, ((0, EP - E), (0, 0))).T
    w1s = jnp.concatenate([w1, sw1[None]], axis=0).astype(jnp.bfloat16)
    w2s = jnp.concatenate([w2, sw2[None]], axis=0).astype(jnp.bfloat16)

    qkv = pl.pallas_call(
        _rms_mm_kernel,
        out_shape=jax.ShapeDtypeStruct((S, NH * HD + 2 * NKV * HD),
                                       jnp.bfloat16),
    )(xf, ln1.reshape(1, H), wqkv_t)

    q3 = qkv[:, :NH * HD].reshape(S, NH, HD).transpose(1, 0, 2)
    k3 = qkv[:, NH * HD:(NH + NKV) * HD].reshape(S, NKV, HD).transpose(1, 0, 2)
    v3 = qkv[:, (NH + NKV) * HD:].reshape(S, NKV, HD).transpose(1, 0, 2)

    x2 = pl.pallas_call(
        _flash_kernel,
        grid=(NC, NKV, S // BK),
        in_specs=[
            pl.BlockSpec((2, BQ, HD), lambda ci, hp, cj: (hp, ci, 0)),
            pl.BlockSpec((1, BK, HD), lambda ci, hp, cj: (hp, cj, 0)),
            pl.BlockSpec((1, BK, HD), lambda ci, hp, cj: (hp, cj, 0)),
            pl.BlockSpec((NH * HD, H), lambda ci, hp, cj: (0, 0)),
            pl.BlockSpec((BQ, H), lambda ci, hp, cj: (ci, 0)),
        ],
        out_specs=pl.BlockSpec((BQ, H), lambda ci, hp, cj: (ci, 0)),
        out_shape=jax.ShapeDtypeStruct((S, H), jnp.float32),
        scratch_shapes=[
            pltpu.VMEM((2 * BQ, 128), jnp.float32),
            pltpu.VMEM((2 * BQ, 128), jnp.float32),
            pltpu.VMEM((2 * BQ, HD), jnp.float32),
            pltpu.VMEM((BQ, NH * HD), jnp.bfloat16),
            pltpu.VMEM((2 * BQ, BK), jnp.float32),
        ],
        compiler_params=pltpu.CompilerParams(
            dimension_semantics=("arbitrary", "arbitrary", "arbitrary")),
    )(q3, k3, v3, wo_t, xf)

    h2, p_pos, v1, v2, meta, aux = pl.pallas_call(
        _router_kernel,
        out_shape=[
            jax.ShapeDtypeStruct((S, H), jnp.bfloat16),
            jax.ShapeDtypeStruct((NA, 1), jnp.int32),
            jax.ShapeDtypeStruct((S, 1), jnp.float32),
            jax.ShapeDtypeStruct((S, 1), jnp.float32),
            jax.ShapeDtypeStruct((1, 64), jnp.int32),
            jax.ShapeDtypeStruct((1, 128), jnp.float32),
        ],
    )(x2, ln2.reshape(1, H), gw_t)

    sc_dispatch, sc_gather_xs, sc_gather_eo = _get_sc_fns()
    p_flat = p_pos.reshape(NA)
    tok_sorted = sc_dispatch(p_flat)

    h32 = jax.lax.bitcast_convert_type(h2.reshape(S, HW, 2), jnp.int32)
    xs32 = sc_gather_xs(h32, tok_sorted)
    xs = jax.lax.bitcast_convert_type(xs32, jnp.bfloat16).reshape(NPAD, H)

    eob = meta[0, :32]
    nused = meta[0, 32:33]
    eo = pl.pallas_call(
        _gmm_kernel,
        grid_spec=pltpu.PrefetchScalarGridSpec(
            num_scalar_prefetch=2,
            grid=(NBLK,),
            in_specs=[
                pl.BlockSpec((BT, H), lambda b, eob, nu: (b, 0)),
                pl.BlockSpec((1, I, H), lambda b, eob, nu: (eob[b], 0, 0)),
                pl.BlockSpec((1, H, I), lambda b, eob, nu: (eob[b], 0, 0)),
            ],
            out_specs=pl.BlockSpec((BT, H), lambda b, eob, nu: (b, 0)),
        ),
        out_shape=jax.ShapeDtypeStruct((NPAD, H), jnp.bfloat16),
        compiler_params=pltpu.CompilerParams(
            dimension_semantics=("arbitrary",)),
    )(eob, nused, xs, w1s, w2s)

    eo32 = jax.lax.bitcast_convert_type(eo.reshape(NPAD, HW, 2), jnp.int32)
    g32 = sc_gather_eo(eo32, p_flat)
    g = jax.lax.bitcast_convert_type(g32, jnp.bfloat16).reshape(NA, H)

    y = pl.pallas_call(
        _combine_kernel,
        grid=(NC,),
        in_specs=[
            pl.BlockSpec((BQ, H), lambda i: (i, 0)),
            pl.BlockSpec((BQ, H), lambda i: (i, 0)),
            pl.BlockSpec((BQ, H), lambda i: (i, 0)),
            pl.BlockSpec((BQ, H), lambda i: (i, 0)),
            pl.BlockSpec((BQ, 1), lambda i: (i, 0)),
            pl.BlockSpec((BQ, 1), lambda i: (i, 0)),
        ],
        out_specs=pl.BlockSpec((BQ, H), lambda i: (i, 0)),
        out_shape=jax.ShapeDtypeStruct((S, H), jnp.float32),
    )(x2, eo[NPADE:], g[:S], g[S:], v1, v2)

    return y.reshape(1, S, H), aux[0, 0]

# --- scband reference (transcript-rebuilt; emitter-appended) ---
"""Pipeline reference for scband-tensor-parallel-thinker-decoder-layer-14233521619264 (READ-ONLY COPY).

The authoritative reference and input builder live on the scoring server;
editing this copy changes nothing except your own understanding.
"""

import jax, jax.numpy as jnp
import numpy as np

B, S, H = 1, 2048, 1024
NH, NKV, HD = 16, 8, 64
I, E, K = 2048, 8, 2
EPS = 1e-6


def setup_inputs(seed: int = 0):
    key = jax.random.key(seed)
    ks = jax.random.split(key, 12)
    x = jax.random.normal(ks[0], (B, S, H), jnp.float32)
    wq = jax.random.normal(ks[1], (NH * HD, H), jnp.float32) * 0.02
    wk = jax.random.normal(ks[2], (NKV * HD, H), jnp.float32) * 0.02
    wv = jax.random.normal(ks[3], (NKV * HD, H), jnp.float32) * 0.02
    wo = jax.random.normal(ks[4], (H, NH * HD), jnp.float32) * 0.02
    gw = jax.random.normal(ks[5], (E, H), jnp.float32) * 0.001
    gw = gw / (jnp.linalg.norm(gw, axis=-1, keepdims=True) + 1e-6)
    w1 = jax.random.normal(ks[6], (E, I, H), jnp.float32) * 0.02
    w2 = jax.random.normal(ks[7], (E, H, I), jnp.float32) * 0.02
    sw1 = jax.random.normal(ks[8], (I, H), jnp.float32) * 0.02
    sw2 = jax.random.normal(ks[9], (H, I), jnp.float32) * 0.02
    ln1 = jnp.ones((H,), jnp.float32)
    ln2 = jnp.ones((H,), jnp.float32)
    return {"x": x, "wq": wq, "wk": wk, "wv": wv, "wo": wo, "gate_w": gw,
            "w1": w1, "w2": w2, "sw1": sw1, "sw2": sw2, "ln1": ln1, "ln2": ln2}


def _rmsnorm(x, w):
    return x * jax.lax.rsqrt(jnp.mean(x * x, axis=-1, keepdims=True) + EPS) * w


def _silu(x):
    return x * jax.nn.sigmoid(x)


def _attention(x, wq, wk, wv, wo):
    b, s, _ = x.shape
    q = (x @ wq.T).reshape(b, s, NH, HD).transpose(0, 2, 1, 3)
    k = (x @ wk.T).reshape(b, s, NKV, HD)
    v = (x @ wv.T).reshape(b, s, NKV, HD)
    rep = NH // NKV
    # GQA repeat_kv: each kv head repeated rep times contiguously
    k = jnp.repeat(k, rep, axis=2).transpose(0, 2, 1, 3)
    v = jnp.repeat(v, rep, axis=2).transpose(0, 2, 1, 3)
    scores = (q @ k.transpose(0, 1, 3, 2)) / np.sqrt(HD)
    mask = jnp.tril(jnp.ones((s, s), dtype=bool))
    scores = jnp.where(mask[None, None, :, :], scores, jnp.finfo(scores.dtype).min)
    attn = jax.nn.softmax(scores, axis=-1)
    out = (attn @ v).transpose(0, 2, 1, 3).reshape(b, s, NH * HD)
    return out @ wo.T


def _moe(x_flat, gate_w, w1, w2, sw1, sw2):
    logits = x_flat @ gate_w.T
    probs = jax.nn.softmax(logits.astype(jnp.float32), axis=-1)
    vals, idx = jax.lax.top_k(probs, K)
    importance = probs.mean(axis=0)
    counts = jnp.zeros((E,), probs.dtype).at[idx.reshape(-1)].add(1.0)
    load = counts / idx.size
    aux = (importance * load).sum() * E
    # dense combine weights [nt, E]; mathematically identical to the masked
    # per-expert gather/index_add loop in the torch code
    comb = (jax.nn.one_hot(idx, E, dtype=probs.dtype) * vals[..., None]).sum(axis=1)
    h1 = _silu(jnp.einsum('th,eih->eti', x_flat, w1))
    eo = jnp.einsum('eti,ehi->eth', h1, w2)
    y = jnp.einsum('eth,te->th', eo, comb)
    y = y + (_silu(x_flat @ sw1.T) @ sw2.T)
    return y, aux


def reference(x, wq, wk, wv, wo, gate_w, w1, w2, sw1, sw2, ln1, ln2):
    h = _rmsnorm(x, ln1)
    x = x + _attention(h, wq, wk, wv, wo)
    h = _rmsnorm(x, ln2)
    b, s, hh = x.shape
    moe_y, aux = _moe(h.reshape(b * s, hh), gate_w, w1, w2, sw1, sw2)
    y = x + moe_y.reshape(b, s, hh)
    return y, aux

if __name__ == "__main__":
    import jax
    _d = setup_inputs()
    print(jax.jit(kernel)(*tuple(_d.values())))

</pallas_src>

<mosaic_0001>
#map = affine_map<(d0, d1) -> (0)>
module attributes {stable_mosaic.version = 14 : i64} {
  func.func @_sc_dispatch(%arg0: i32, %arg1: i32, %arg2: memref<4096xi32, #tpu.memory_space<hbm>>, %arg3: memref<8192xi32, #tpu.memory_space<hbm>>, %arg4: memref<128xi32, #tpu.memory_space<vmem>>, %arg5: memref<128xi32, #tpu.memory_space<vmem>>, %arg6: memref<64xi32, #tpu.memory_space<vmem>>, %arg7: memref<!tpu.dma_semaphore, #tpu.memory_space<semaphore_mem>>) attributes {dimension_semantics = [#tpu.dimension_semantics<core_parallel>, #tpu.dimension_semantics<subcore_parallel>], iteration_bounds = array<i64: 2, 16>, scalar_prefetch = 0 : i64, scratch_operands = 4 : i64, tpu.core_type = #tpu.core_type<sc_vector_subcore>, window_params = [{transform_indices = #map}, {transform_indices = #map}]} {
    %mul3A = arith.constant 2 : i32
    %mul3A_0 = arith.muli %arg1, %mul3A : i32
    %add3A = arith.addi %mul3A_0, %arg0 : i32
    %mul3A_1 = arith.constant 128 : i32
    %mul3A_2 = arith.muli %add3A, %mul3A_1 : i32
    "tpu.region"() ({
      %run_scoped3A = tpu.sem_alloc : memref<!tpu.dma_semaphore, #tpu.memory_space<semaphore_mem>>
      %dma_start3A_157 = tpu.memref_slice %arg2[%mul3A_2] : memref<4096xi32, #tpu.memory_space<hbm>> -> memref<128xi32, #tpu.memory_space<hbm>>
      %dma_start3A_158 = tpu.memref_slice %arg2[%mul3A_2] : memref<4096xi32, #tpu.memory_space<hbm>> -> memref<128xi32, #tpu.memory_space<hbm>>
      tpu.enqueue_dma source(%dma_start3A_158 : memref<128xi32, #tpu.memory_space<hbm>>) target(%arg4 : memref<128xi32, #tpu.memory_space<vmem>>) target_semaphore(%run_scoped3A : memref<!tpu.dma_semaphore, #tpu.memory_space<semaphore_mem>>)
      %dma_wait3A_159 = tpu.memref_slice %arg2[%mul3A_2] : memref<4096xi32, #tpu.memory_space<hbm>> -> memref<128xi32, #tpu.memory_space<hbm>>
      %dma_wait3A_160 = tpu.memref_slice %arg2[%mul3A_2] : memref<4096xi32, #tpu.memory_space<hbm>> -> memref<128xi32, #tpu.memory_space<hbm>>
      tpu.wait_dma2 semaphore(%run_scoped3A : memref<!tpu.dma_semaphore, #tpu.memory_space<semaphore_mem>>) src(%dma_wait3A_160 : memref<128xi32, #tpu.memory_space<hbm>>) dst(%arg4 : memref<128xi32, #tpu.memory_space<vmem>>)
      tpu.yield
    }) : () -> ()
    %iota3A = tpu.iota {dimensions = array<i32: 0>} : vector<16xi32>
    %add3A_3 = arith.constant 0 : i32
    %add3A_4 = arith.addi %mul3A_2, %add3A_3 : i32
    %add3A_5 = vector.broadcast %add3A_4 : i32 to vector<16xi32>
    %add3A_6 = arith.addi %add3A_5, %iota3A : vector<16xi32>
    %lt3A = arith.constant 2048 : i32
    %lt3A_7 = vector.broadcast %lt3A : i32 to vector<16xi32>
    %lt3A_8 = arith.cmpi slt, %add3A_6, %lt3A_7 : vector<16xi32>
    %sub3A = arith.constant 2048 : i32
    %sub3A_9 = vector.broadcast %sub3A : i32 to vector<16xi32>
    %sub3A_10 = arith.subi %add3A_6, %sub3A_9 : vector<16xi32>
    %select_n3A = arith.select %lt3A_8, %add3A_6, %sub3A_10 : vector<16xi1>, vector<16xi32>
    %swap3A = arith.constant 0 : index
    %swap3A_11 = tpu.vector_load %arg5[%swap3A] {strides = array<i32>} : memref<128xi32, #tpu.memory_space<vmem>>, vector<16xi32>,
    %swap3A_12 = vector.shape_cast %swap3A_11 : vector<16xi32> to vector<16xi32>
    %swap3A_13 = vector.shape_cast %select_n3A : vector<16xi32> to vector<16xi32>
    tpu.vector_store %arg5[%swap3A], %swap3A_13 {strides = array<i32>} : memref<128xi32, #tpu.memory_space<vmem>>, vector<16xi32>,
    %add3A_14 = arith.constant 16 : i32
    %add3A_15 = arith.addi %mul3A_2, %add3A_14 : i32
    %add3A_16 = vector.broadcast %add3A_15 : i32 to vector<16xi32>
    %add3A_17 = arith.addi %add3A_16, %iota3A : vector<16xi32>
    %lt3A_18 = arith.constant 2048 : i32
    %lt3A_19 = vector.broadcast %lt3A_18 : i32 to vector<16xi32>
    %lt3A_20 = arith.cmpi slt, %add3A_17, %lt3A_19 : vector<16xi32>
    %sub3A_21 = arith.constant 2048 : i32
    %sub3A_22 = vector.broadcast %sub3A_21 : i32 to vector<16xi32>
    %sub3A_23 = arith.subi %add3A_17, %sub3A_22 : vector<16xi32>
    %select_n3A_24 = arith.select %lt3A_20, %add3A_17, %sub3A_23 : vector<16xi1>, vector<16xi32>
    %swap3A_25 = arith.constant 16 : index
    %swap3A_26 = tpu.vector_load %arg5[%swap3A_25] {strides = array<i32>} : memref<128xi32, #tpu.memory_space<vmem>>, vector<16xi32>,
    %swap3A_27 = vector.shape_cast %swap3A_26 : vector<16xi32> to vector<16xi32>
    %swap3A_28 = vector.shape_cast %select_n3A_24 : vector<16xi32> to vector<16xi32>
    tpu.vector_store %arg5[%swap3A_25], %swap3A_28 {strides = array<i32>} : memref<128xi32, #tpu.memory_space<vmem>>, vector<16xi32>,
    %add3A_29 = arith.constant 32 : i32
    %add3A_30 = arith.addi %mul3A_2, %add3A_29 : i32
    %add3A_31 = vector.broadcast %add3A_30 : i32 to vector<16xi32>
    %add3A_32 = arith.addi %add3A_31, %iota3A : vector<16xi32>
    %lt3A_33 = arith.constant 2048 : i32
    %lt3A_34 = vector.broadcast %lt3A_33 : i32 to vector<16xi32>
    %lt3A_35 = arith.cmpi slt, %add3A_32, %lt3A_34 : vector<16xi32>
    %sub3A_36 = arith.constant 2048 : i32
    %sub3A_37 = vector.broadcast %sub3A_36 : i32 to vector<16xi32>
    %sub3A_38 = arith.subi %add3A_32, %sub3A_37 : vector<16xi32>
    %select_n3A_39 = arith.select %lt3A_35, %add3A_32, %sub3A_38 : vector<16xi1>, vector<16xi32>
    %swap3A_40 = arith.constant 32 : index
    %swap3A_41 = tpu.vector_load %arg5[%swap3A_40] {strides = array<i32>} : memref<128xi32, #tpu.memory_space<vmem>>, vector<16xi32>,
    %swap3A_42 = vector.shape_cast %swap3A_41 : vector<16xi32> to vector<16xi32>
    %swap3A_43 = vector.shape_cast %select_n3A_39 : vector<16xi32> to vector<16xi32>
    tpu.vector_store %arg5[%swap3A_40], %swap3A_43 {strides = array<i32>} : memref<128xi32, #tpu.memory_space<vmem>>, vector<16xi32>,
    %add3A_44 = arith.constant 48 : i32
    %add3A_45 = arith.addi %mul3A_2, %add3A_44 : i32
    %add3A_46 = vector.broadcast %add3A_45 : i32 to vector<16xi32>
    %add3A_47 = arith.addi %add3A_46, %iota3A : vector<16xi32>
    %lt3A_48 = arith.constant 2048 : i32
    %lt3A_49 = vector.broadcast %lt3A_48 : i32 to vector<16xi32>
    %lt3A_50 = arith.cmpi slt, %add3A_47, %lt3A_49 : vector<16xi32>
    %sub3A_51 = arith.constant 2048 : i32
    %sub3A_52 = vector.broadcast %sub3A_51 : i32 to vector<16xi32>
    %sub3A_53 = arith.subi %add3A_47, %sub3A_52 : vector<16xi32>
    %select_n3A_54 = arith.select %lt3A_50, %add3A_47, %sub3A_53 : vector<16xi1>, vector<16xi32>
    %swap3A_55 = arith.constant 48 : index
    %swap3A_56 = tpu.vector_load %arg5[%swap3A_55] {strides = array<i32>} : memref<128xi32, #tpu.memory_space<vmem>>, vector<16xi32>,
    %swap3A_57 = vector.shape_cast %swap3A_56 : vector<16xi32> to vector<16xi32>
    %swap3A_58 = vector.shape_cast %select_n3A_54 : vector<16xi32> to vector<16xi32>
    tpu.vector_store %arg5[%swap3A_55], %swap3A_58 {strides = array<i32>} : memref<128xi32, #tpu.memory_space<vmem>>, vector<16xi32>,
    %add3A_59 = arith.constant 64 : i32
    %add3A_60 = arith.addi %mul3A_2, %add3A_59 : i32
    %add3A_61 = vector.broadcast %add3A_60 : i32 to vector<16xi32>
    %add3A_62 = arith.addi %add3A_61, %iota3A : vector<16xi32>
    %lt3A_63 = arith.constant 2048 : i32
    %lt3A_64 = vector.broadcast %lt3A_63 : i32 to vector<16xi32>
    %lt3A_65 = arith.cmpi slt, %add3A_62, %lt3A_64 : vector<16xi32>
    %sub3A_66 = arith.constant 2048 : i32
    %sub3A_67 = vector.broadcast %sub3A_66 : i32 to vector<16xi32>
    %sub3A_68 = arith.subi %add3A_62, %sub3A_67 : vector<16xi32>
    %select_n3A_69 = arith.select %lt3A_65, %add3A_62, %sub3A_68 : vector<16xi1>, vector<16xi32>
    %swap3A_70 = arith.constant 64 : index
    %swap3A_71 = tpu.vector_load %arg5[%swap3A_70] {strides = array<i32>} : memref<128xi32, #tpu.memory_space<vmem>>, vector<16xi32>,
    %swap3A_72 = vector.shape_cast %swap3A_71 : vector<16xi32> to vector<16xi32>
    %swap3A_73 = vector.shape_cast %select_n3A_69 : vector<16xi32> to vector<16xi32>
    tpu.vector_store %arg5[%swap3A_70], %swap3A_73 {strides = array<i32>} : memref<128xi32, #tpu.memory_space<vmem>>, vector<16xi32>,
    %add3A_74 = arith.constant 80 : i32
    %add3A_75 = arith.addi %mul3A_2, %add3A_74 : i32
    %add3A_76 = vector.broadcast %add3A_75 : i32 to vector<16xi32>
    %add3A_77 = arith.addi %add3A_76, %iota3A : vector<16xi32>
    %lt3A_78 = arith.constant 2048 : i32
    %lt3A_79 = vector.broadcast %lt3A_78 : i32 to vector<16xi32>
    %lt3A_80 = arith.cmpi slt, %add3A_77, %lt3A_79 : vector<16xi32>
    %sub3A_81 = arith.constant 2048 : i32
    %sub3A_82 = vector.broadcast %sub3A_81 : i32 to vector<16xi32>
    %sub3A_83 = arith.subi %add3A_77, %sub3A_82 : vector<16xi32>
    %select_n3A_84 = arith.select %lt3A_80, %add3A_77, %sub3A_83 : vector<16xi1>, vector<16xi32>
    %swap3A_85 = arith.constant 80 : index
    %swap3A_86 = tpu.vector_load %arg5[%swap3A_85] {strides = array<i32>} : memref<128xi32, #tpu.memory_space<vmem>>, vector<16xi32>,
    %swap3A_87 = vector.shape_cast %swap3A_86 : vector<16xi32> to vector<16xi32>
    %swap3A_88 = vector.shape_cast %select_n3A_84 : vector<16xi32> to vector<16xi32>
    tpu.vector_store %arg5[%swap3A_85], %swap3A_88 {strides = array<i32>} : memref<128xi32, #tpu.memory_space<vmem>>, vector<16xi32>,
    %add3A_89 = arith.constant 96 : i32
    %add3A_90 = arith.addi %mul3A_2, %add3A_89 : i32
    %add3A_91 = vector.broadcast %add3A_90 : i32 to vector<16xi32>
    %add3A_92 = arith.addi %add3A_91, %iota3A : vector<16xi32>
    %lt3A_93 = arith.constant 2048 : i32
    %lt3A_94 = vector.broadcast %lt3A_93 : i32 to vector<16xi32>
    %lt3A_95 = arith.cmpi slt, %add3A_92, %lt3A_94 : vector<16xi32>
    %sub3A_96 = arith.constant 2048 : i32
    %sub3A_97 = vector.broadcast %sub3A_96 : i32 to vector<16xi32>
    %sub3A_98 = arith.subi %add3A_92, %sub3A_97 : vector<16xi32>
    %select_n3A_99 = arith.select %lt3A_95, %add3A_92, %sub3A_98 : vector<16xi1>, vector<16xi32>
    %swap3A_100 = arith.constant 96 : index
    %swap3A_101 = tpu.vector_load %arg5[%swap3A_100] {strides = array<i32>} : memref<128xi32, #tpu.memory_space<vmem>>, vector<16xi32>,
    %swap3A_102 = vector.shape_cast %swap3A_101 : vector<16xi32> to vector<16xi32>
    %swap3A_103 = vector.shape_cast %select_n3A_99 : vector<16xi32> to vector<16xi32>
    tpu.vector_store %arg5[%swap3A_100], %swap3A_103 {strides = array<i32>} : memref<128xi32, #tpu.memory_space<vmem>>, vector<16xi32>,
    %add3A_104 = arith.constant 112 : i32
    %add3A_105 = arith.addi %mul3A_2, %add3A_104 : i32
    %add3A_106 = vector.broadcast %add3A_105 : i32 to vector<16xi32>
    %add3A_107 = arith.addi %add3A_106, %iota3A : vector<16xi32>
    %lt3A_108 = arith.constant 2048 : i32
    %lt3A_109 = vector.broadcast %lt3A_108 : i32 to vector<16xi32>
    %lt3A_110 = arith.cmpi slt, %add3A_107, %lt3A_109 : vector<16xi32>
    %sub3A_111 = arith.constant 2048 : i32
    %sub3A_112 = vector.broadcast %sub3A_111 : i32 to vector<16xi32>
    %sub3A_113 = arith.subi %add3A_107, %sub3A_112 : vector<16xi32>
    %select_n3A_114 = arith.select %lt3A_110, %add3A_107, %sub3A_113 : vector<16xi1>, vector<16xi32>
    %swap3A_115 = arith.constant 112 : index
    %swap3A_116 = tpu.vector_load %arg5[%swap3A_115] {strides = array<i32>} : memref<128xi32, #tpu.memory_space<vmem>>, vector<16xi32>,
    %swap3A_117 = vector.shape_cast %swap3A_116 : vector<16xi32> to vector<16xi32>
    %swap3A_118 = vector.shape_cast %select_n3A_114 : vector<16xi32> to vector<16xi32>
    tpu.vector_store %arg5[%swap3A_115], %swap3A_118 {strides = array<i32>} : memref<128xi32, #tpu.memory_space<vmem>>, vector<16xi32>,
    %dma_start3A = arith.constant 0 : i32
    %dma_start3A_119 = tpu.memref_slice %arg3[%dma_start3A] : memref<8192xi32, #tpu.memory_space<hbm>> -> memref<8192xi32, #tpu.memory_space<hbm>>
    tpu.enqueue_indirect_dma source(%arg5 : memref<128xi32, #tpu.memory_space<vmem>>) target(%dma_start3A_119 : memref<8192xi32, #tpu.memory_space<hbm>>) offsets(%arg4 : memref<128xi32, #tpu.memory_space<vmem>>) semaphore(%arg7 : memref<!tpu.dma_semaphore, #tpu.memory_space<semaphore_mem>>)
    %dma_wait3A = arith.constant 0 : i32
    %dma_wait3A_120 = tpu.memref_slice %arg3[%dma_wait3A] : memref<8192xi32, #tpu.memory_space<hbm>> -> memref<8192xi32, #tpu.memory_space<hbm>>
    tpu.wait_indirect_dma semaphore(%arg7 : memref<!tpu.dma_semaphore, #tpu.memory_space<semaphore_mem>>) src(%arg5 : memref<128xi32, #tpu.memory_space<vmem>>) dst(%dma_wait3A_120 : memref<8192xi32, #tpu.memory_space<hbm>>)
    %mul3A_121 = arith.constant 64 : i32
    %mul3A_122 = arith.muli %add3A, %mul3A_121 : i32
    %add3A_123 = arith.constant 0 : i32
    %add3A_124 = arith.addi %mul3A_122, %add3A_123 : i32
    %add3A_125 = vector.broadcast %add3A_124 : i32 to vector<16xi32>
    %add3A_126 = arith.addi %add3A_125, %iota3A : vector<16xi32>
    %swap3A_127 = arith.constant 0 : index
    %swap3A_128 = tpu.vector_load %arg6[%swap3A_127] {strides = array<i32>} : memref<64xi32, #tpu.memory_space<vmem>>, vector<16xi32>,
    %swap3A_129 = vector.shape_cast %swap3A_128 : vector<16xi32> to vector<16xi32>
    %swap3A_130 = vector.shape_cast %add3A_126 : vector<16xi32> to vector<16xi32>
    tpu.vector_store %arg6[%swap3A_127], %swap3A_130 {strides = array<i32>} : memref<64xi32, #tpu.memory_space<vmem>>, vector<16xi32>,
    %add3A_131 = arith.constant 16 : i32
    %add3A_132 = arith.addi %mul3A_122, %add3A_131 : i32
    %add3A_133 = vector.broadcast %add3A_132 : i32 to vector<16xi32>
    %add3A_134 = arith.addi %add3A_133, %iota3A : vector<16xi32>
    %swap3A_135 = arith.constant 16 : index
    %swap3A_136 = tpu.vector_load %arg6[%swap3A_135] {strides = array<i32>} : memref<64xi32, #tpu.memory_space<vmem>>, vector<16xi32>,
    %swap3A_137 = vector.shape_cast %swap3A_136 : vector<16xi32> to vector<16xi32>
    %swap3A_138 = vector.shape_cast %add3A_134 : vector<16xi32> to vector<16xi32>
    tpu.vector_store %arg6[%swap3A_135], %swap3A_138 {strides = array<i32>} : memref<64xi32, #tpu.memory_space<vmem>>, vector<16xi32>,
    %add3A_139 = arith.constant 32 : i32
    %add3A_140 = arith.addi %mul3A_122, %add3A_139 : i32
    %add3A_141 = vector.broadcast %add3A_140 : i32 to vector<16xi32>
    %add3A_142 = arith.addi %add3A_141, %iota3A : vector<16xi32>
    %swap3A_143 = arith.constant 32 : index
    %swap3A_144 = tpu.vector_load %arg6[%swap3A_143] {strides = array<i32>} : memref<64xi32, #tpu.memory_space<vmem>>, vector<16xi32>,
    %swap3A_145 = vector.shape_cast %swap3A_144 : vector<16xi32> to vector<16xi32>
    %swap3A_146 = vector.shape_cast %add3A_142 : vector<16xi32> to vector<16xi32>
    tpu.vector_store %arg6[%swap3A_143], %swap3A_146 {strides = array<i32>} : memref<64xi32, #tpu.memory_space<vmem>>, vector<16xi32>,
    %add3A_147 = arith.constant 48 : i32
    %add3A_148 = arith.addi %mul3A_122, %add3A_147 : i32
    %add3A_149 = vector.broadcast %add3A_148 : i32 to vector<16xi32>
    %add3A_150 = arith.addi %add3A_149, %iota3A : vector<16xi32>
    %swap3A_151 = arith.constant 48 : index
    %swap3A_152 = tpu.vector_load %arg6[%swap3A_151] {strides = array<i32>} : memref<64xi32, #tpu.memory_space<vmem>>, vector<16xi32>,
    %swap3A_153 = vector.shape_cast %swap3A_152 : vector<16xi32> to vector<16xi32>
    %swap3A_154 = vector.shape_cast %add3A_150 : vector<16xi32> to vector<16xi32>
    tpu.vector_store %arg6[%swap3A_151], %swap3A_154 {strides = array<i32>} : memref<64xi32, #tpu.memory_space<vmem>>, vector<16xi32>,
    %add3A_155 = arith.constant 6144 : i32
    %add3A_156 = arith.addi %add3A_155, %mul3A_122 : i32
    "tpu.region"() ({
      %run_scoped3A = tpu.sem_alloc : memref<!tpu.dma_semaphore, #tpu.memory_space<semaphore_mem>>
      %dma_start3A_157 = tpu.memref_slice %arg3[%add3A_156] : memref<8192xi32, #tpu.memory_space<hbm>> -> memref<64xi32, #tpu.memory_space<hbm>>
      %dma_start3A_158 = tpu.memref_slice %arg3[%add3A_156] : memref<8192xi32, #tpu.memory_space<hbm>> -> memref<64xi32, #tpu.memory_space<hbm>>
      tpu.enqueue_dma source(%arg6 : memref<64xi32, #tpu.memory_space<vmem>>) target(%dma_start3A_158 : memref<64xi32, #tpu.memory_space<hbm>>) target_semaphore(%run_scoped3A : memref<!tpu.dma_semaphore, #tpu.memory_space<semaphore_mem>>)
      %dma_wait3A_159 = tpu.memref_slice %arg3[%add3A_156] : memref<8192xi32, #tpu.memory_space<hbm>> -> memref<64xi32, #tpu.memory_space<hbm>>
      %dma_wait3A_160 = tpu.memref_slice %arg3[%add3A_156] : memref<8192xi32, #tpu.memory_space<hbm>> -> memref<64xi32, #tpu.memory_space<hbm>>
      tpu.wait_dma2 semaphore(%run_scoped3A : memref<!tpu.dma_semaphore, #tpu.memory_space<semaphore_mem>>) src(%arg6 : memref<64xi32, #tpu.memory_space<vmem>>) dst(%dma_wait3A_160 : memref<64xi32, #tpu.memory_space<hbm>>)
      tpu.yield
    }) : () -> ()
    return
  }
}

#map = affine_map<(d0, d1) -> (0, 0)>
#map1 = affine_map<(d0, d1) -> (0)>
module attributes {stable_mosaic.version = 14 : i64} {
  func.func @_g(%arg0: i32, %arg1: i32, %arg2: memref<2048x512xi32, #tpu.memory_space<hbm>>, %arg3: memref<8192xi32, #tpu.memory_space<hbm>>, %arg4: memref<8192x512xi32, #tpu.memory_space<hbm>>, %arg5: memref<256xi32, #tpu.memory_space<vmem>>, %arg6: memref<128x512xi32, #tpu.memory_space<vmem>>, %arg7: memref<!tpu.dma_semaphore, #tpu.memory_space<semaphore_mem>>) attributes {dimension_semantics = [#tpu.dimension_semantics<core_parallel>, #tpu.dimension_semantics<subcore_parallel>], iteration_bounds = array<i64: 2, 16>, scalar_prefetch = 0 : i64, scratch_operands = 3 : i64, tpu.core_type = #tpu.core_type<sc_vector_subcore>, window_params = [{transform_indices = #map}, {transform_indices = #map1}, {transform_indices = #map}]} {
    %mul3A = arith.constant 2 : i32
    %mul3A_0 = arith.muli %arg1, %mul3A : i32
    %add3A = arith.addi %mul3A_0, %arg0 : i32
    %mul3A_1 = arith.constant 256 : i32
    %mul3A_2 = arith.muli %add3A, %mul3A_1 : i32
    "tpu.region"() ({
      %run_scoped3A = tpu.sem_alloc : memref<!tpu.dma_semaphore, #tpu.memory_space<semaphore_mem>>
      %dma_start3A_228 = tpu.memref_slice %arg3[%mul3A_2] : memref<8192xi32, #tpu.memory_space<hbm>> -> memref<256xi32, #tpu.memory_space<hbm>>
      %dma_start3A_229 = tpu.memref_slice %arg3[%mul3A_2] : memref<8192xi32, #tpu.memory_space<hbm>> -> memref<256xi32, #tpu.memory_space<hbm>>
      tpu.enqueue_dma source(%dma_start3A_229 : memref<256xi32, #tpu.memory_space<hbm>>) target(%arg5 : memref<256xi32, #tpu.memory_space<vmem>>) target_semaphore(%run_scoped3A : memref<!tpu.dma_semaphore, #tpu.memory_space<semaphore_mem>>)
      %dma_wait3A_230 = tpu.memref_slice %arg3[%mul3A_2] : memref<8192xi32, #tpu.memory_space<hbm>> -> memref<256xi32, #tpu.memory_space<hbm>>
      %dma_wait3A_231 = tpu.memref_slice %arg3[%mul3A_2] : memref<8192xi32, #tpu.memory_space<hbm>> -> memref<256xi32, #tpu.memory_space<hbm>>
      tpu.wait_dma2 semaphore(%run_scoped3A : memref<!tpu.dma_semaphore, #tpu.memory_space<semaphore_mem>>) src(%dma_wait3A_231 : memref<256xi32, #tpu.memory_space<hbm>>) dst(%arg5 : memref<256xi32, #tpu.memory_space<vmem>>)
      tpu.yield
    }) : () -> ()
    %get3A = arith.constant 0 : index
    %get3A_3 = tpu.vector_load %arg5[%get3A] {strides = array<i32>} : memref<256xi32, #tpu.memory_space<vmem>>, vector<16xi32>,
    %get3A_4 = vector.shape_cast %get3A_3 : vector<16xi32> to vector<16xi32>
    %jit3A = arith.constant 0 : i32
    %jit3A_5 = arith.constant 2047 : i32
    %max3A = vector.broadcast %jit3A : i32 to vector<16xi32>
    %max3A_6 = arith.maxsi %max3A, %get3A_4 : vector<16xi32>
    %min3A = vector.broadcast %jit3A_5 : i32 to vector<16xi32>
    %min3A_7 = arith.minsi %min3A, %max3A_6 : vector<16xi32>
    %swap3A = arith.constant 0 : index
    %swap3A_8 = tpu.vector_load %arg5[%swap3A] {strides = array<i32>} : memref<256xi32, #tpu.memory_space<vmem>>, vector<16xi32>,
    %swap3A_9 = vector.shape_cast %swap3A_8 : vector<16xi32> to vector<16xi32>
    %swap3A_10 = vector.shape_cast %min3A_7 : vector<16xi32> to vector<16xi32>
    tpu.vector_store %arg5[%swap3A], %swap3A_10 {strides = array<i32>} : memref<256xi32, #tpu.memory_space<vmem>>, vector<16xi32>,
    %get3A_11 = arith.constant 16 : index
    %get3A_12 = tpu.vector_load %arg5[%get3A_11] {strides = array<i32>} : memref<256xi32, #tpu.memory_space<vmem>>, vector<16xi32>,
    %get3A_13 = vector.shape_cast %get3A_12 : vector<16xi32> to vector<16xi32>
    %jit3A_14 = arith.constant 0 : i32
    %jit3A_15 = arith.constant 2047 : i32
    %max3A_16 = vector.broadcast %jit3A_14 : i32 to vector<16xi32>
    %max3A_17 = arith.maxsi %max3A_16, %get3A_13 : vector<16xi32>
    %min3A_18 = vector.broadcast %jit3A_15 : i32 to vector<16xi32>
    %min3A_19 = arith.minsi %min3A_18, %max3A_17 : vector<16xi32>
    %swap3A_20 = arith.constant 16 : index
    %swap3A_21 = tpu.vector_load %arg5[%swap3A_20] {strides = array<i32>} : memref<256xi32, #tpu.memory_space<vmem>>, vector<16xi32>,
    %swap3A_22 = vector.shape_cast %swap3A_21 : vector<16xi32> to vector<16xi32>
    %swap3A_23 = vector.shape_cast %min3A_19 : vector<16xi32> to vector<16xi32>
    tpu.vector_store %arg5[%swap3A_20], %swap3A_23 {strides = array<i32>} : memref<256xi32, #tpu.memory_space<vmem>>, vector<16xi32>,
    %get3A_24 = arith.constant 32 : index
    %get3A_25 = tpu.vector_load %arg5[%get3A_24] {strides = array<i32>} : memref<256xi32, #tpu.memory_space<vmem>>, vector<16xi32>,
    %get3A_26 = vector.shape_cast %get3A_25 : vector<16xi32> to vector<16xi32>
    %jit3A_27 = arith.constant 0 : i32
    %jit3A_28 = arith.constant 2047 : i32
    %max3A_29 = vector.broadcast %jit3A_27 : i32 to vector<16xi32>
    %max3A_30 = arith.maxsi %max3A_29, %get3A_26 : vector<16xi32>
    %min3A_31 = vector.broadcast %jit3A_28 : i32 to vector<16xi32>
    %min3A_32 = arith.minsi %min3A_31, %max3A_30 : vector<16xi32>
    %swap3A_33 = arith.constant 32 : index
    %swap3A_34 = tpu.vector_load %arg5[%swap3A_33] {strides = array<i32>} : memref<256xi32, #tpu.memory_space<vmem>>, vector<16xi32>,
    %swap3A_35 = vector.shape_cast %swap3A_34 : vector<16xi32> to vector<16xi32>
    %swap3A_36 = vector.shape_cast %min3A_32 : vector<16xi32> to vector<16xi32>
    tpu.vector_store %arg5[%swap3A_33], %swap3A_36 {strides = array<i32>} : memref<256xi32, #tpu.memory_space<vmem>>, vector<16xi32>,
    %get3A_37 = arith.constant 48 : index
    %get3A_38 = tpu.vector_load %arg5[%get3A_37] {strides = array<i32>} : memref<256xi32, #tpu.memory_space<vmem>>, vector<16xi32>,
    %get3A_39 = vector.shape_cast %get3A_38 : vector<16xi32> to vector<16xi32>
    %jit3A_40 = arith.constant 0 : i32
    %jit3A_41 = arith.constant 2047 : i32
    %max3A_42 = vector.broadcast %jit3A_40 : i32 to vector<16xi32>
    %max3A_43 = arith.maxsi %max3A_42, %get3A_39 : vector<16xi32>
    %min3A_44 = vector.broadcast %jit3A_41 : i32 to vector<16xi32>
    %min3A_45 = arith.minsi %min3A_44, %max3A_43 : vector<16xi32>
    %swap3A_46 = arith.constant 48 : index
    %swap3A_47 = tpu.vector_load %arg5[%swap3A_46] {strides = array<i32>} : memref<256xi32, #tpu.memory_space<vmem>>, vector<16xi32>,
    %swap3A_48 = vector.shape_cast %swap3A_47 : vector<16xi32> to vector<16xi32>
    %swap3A_49 = vector.shape_cast %min3A_45 : vector<16xi32> to vector<16xi32>
    tpu.vector_store %arg5[%swap3A_46], %swap3A_49 {strides = array<i32>} : memref<256xi32, #tpu.memory_space<vmem>>, vector<16xi32>,
    %get3A_50 = arith.constant 64 : index
    %get3A_51 = tpu.vector_load %arg5[%get3A_50] {strides = array<i32>} : memref<256xi32, #tpu.memory_space<vmem>>, vector<16xi32>,
    %get3A_52 = vector.shape_cast %get3A_51 : vector<16xi32> to vector<16xi32>
    %jit3A_53 = arith.constant 0 : i32
    %jit3A_54 = arith.constant 2047 : i32
    %max3A_55 = vector.broadcast %jit3A_53 : i32 to vector<16xi32>
    %max3A_56 = arith.maxsi %max3A_55, %get3A_52 : vector<16xi32>
    %min3A_57 = vector.broadcast %jit3A_54 : i32 to vector<16xi32>
    %min3A_58 = arith.minsi %min3A_57, %max3A_56 : vector<16xi32>
    %swap3A_59 = arith.constant 64 : index
    %swap3A_60 = tpu.vector_load %arg5[%swap3A_59] {strides = array<i32>} : memref<256xi32, #tpu.memory_space<vmem>>, vector<16xi32>,
    %swap3A_61 = vector.shape_cast %swap3A_60 : vector<16xi32> to vector<16xi32>
    %swap3A_62 = vector.shape_cast %min3A_58 : vector<16xi32> to vector<16xi32>
    tpu.vector_store %arg5[%swap3A_59], %swap3A_62 {strides = array<i32>} : memref<256xi32, #tpu.memory_space<vmem>>, vector<16xi32>,
    %get3A_63 = arith.constant 80 : index
    %get3A_64 = tpu.vector_load %arg5[%get3A_63] {strides = array<i32>} : memref<256xi32, #tpu.memory_space<vmem>>, vector<16xi32>,
    %get3A_65 = vector.shape_cast %get3A_64 : vector<16xi32> to vector<16xi32>
    %jit3A_66 = arith.constant 0 : i32
    %jit3A_67 = arith.constant 2047 : i32
    %max3A_68 = vector.broadcast %jit3A_66 : i32 to vector<16xi32>
    %max3A_69 = arith.maxsi %max3A_68, %get3A_65 : vector<16xi32>
    %min3A_70 = vector.broadcast %jit3A_67 : i32 to vector<16xi32>
    %min3A_71 = arith.minsi %min3A_70, %max3A_69 : vector<16xi32>
    %swap3A_72 = arith.constant 80 : index
    %swap3A_73 = tpu.vector_load %arg5[%swap3A_72] {strides = array<i32>} : memref<256xi32, #tpu.memory_space<vmem>>, vector<16xi32>,
    %swap3A_74 = vector.shape_cast %swap3A_73 : vector<16xi32> to vector<16xi32>
    %swap3A_75 = vector.shape_cast %min3A_71 : vector<16xi32> to vector<16xi32>
    tpu.vector_store %arg5[%swap3A_72], %swap3A_75 {strides = array<i32>} : memref<256xi32, #tpu.memory_space<vmem>>, vector<16xi32>,
    %get3A_76 = arith.constant 96 : index
    %get3A_77 = tpu.vector_load %arg5[%get3A_76] {strides = array<i32>} : memref<256xi32, #tpu.memory_space<vmem>>, vector<16xi32>,
    %get3A_78 = vector.shape_cast %get3A_77 : vector<16xi32> to vector<16xi32>
    %jit3A_79 = arith.constant 0 : i32
    %jit3A_80 = arith.constant 2047 : i32
    %max3A_81 = vector.broadcast %jit3A_79 : i32 to vector<16xi32>
    %max3A_82 = arith.maxsi %max3A_81, %get3A_78 : vector<16xi32>
    %min3A_83 = vector.broadcast %jit3A_80 : i32 to vector<16xi32>
    %min3A_84 = arith.minsi %min3A_83, %max3A_82 : vector<16xi32>
    %swap3A_85 = arith.constant 96 : index
    %swap3A_86 = tpu.vector_load %arg5[%swap3A_85] {strides = array<i32>} : memref<256xi32, #tpu.memory_space<vmem>>, vector<16xi32>,
    %swap3A_87 = vector.shape_cast %swap3A_86 : vector<16xi32> to vector<16xi32>
    %swap3A_88 = vector.shape_cast %min3A_84 : vector<16xi32> to vector<16xi32>
    tpu.vector_store %arg5[%swap3A_85], %swap3A_88 {strides = array<i32>} : memref<256xi32, #tpu.memory_space<vmem>>, vector<16xi32>,
    %get3A_89 = arith.constant 112 : index
    %get3A_90 = tpu.vector_load %arg5[%get3A_89] {strides = array<i32>} : memref<256xi32, #tpu.memory_space<vmem>>, vector<16xi32>,
    %get3A_91 = vector.shape_cast %get3A_90 : vector<16xi32> to vector<16xi32>
    %jit3A_92 = arith.constant 0 : i32
    %jit3A_93 = arith.constant 2047 : i32
    %max3A_94 = vector.broadcast %jit3A_92 : i32 to vector<16xi32>
    %max3A_95 = arith.maxsi %max3A_94, %get3A_91 : vector<16xi32>
    %min3A_96 = vector.broadcast %jit3A_93 : i32 to vector<16xi32>
    %min3A_97 = arith.minsi %min3A_96, %max3A_95 : vector<16xi32>
    %swap3A_98 = arith.constant 112 : index
    %swap3A_99 = tpu.vector_load %arg5[%swap3A_98] {strides = array<i32>} : memref<256xi32, #tpu.memory_space<vmem>>, vector<16xi32>,
    %swap3A_100 = vector.shape_cast %swap3A_99 : vector<16xi32> to vector<16xi32>
    %swap3A_101 = vector.shape_cast %min3A_97 : vector<16xi32> to vector<16xi32>
    tpu.vector_store %arg5[%swap3A_98], %swap3A_101 {strides = array<i32>} : memref<256xi32, #tpu.memory_space<vmem>>, vector<16xi32>,
    %get3A_102 = arith.constant 128 : index
    %get3A_103 = tpu.vector_load %arg5[%get3A_102] {strides = array<i32>} : memref<256xi32, #tpu.memory_space<vmem>>, vector<16xi32>,
    %get3A_104 = vector.shape_cast %get3A_103 : vector<16xi32> to vector<16xi32>
    %jit3A_105 = arith.constant 0 : i32
    %jit3A_106 = arith.constant 2047 : i32
    %max3A_107 = vector.broadcast %jit3A_105 : i32 to vector<16xi32>
    %max3A_108 = arith.maxsi %max3A_107, %get3A_104 : vector<16xi32>
    %min3A_109 = vector.broadcast %jit3A_106 : i32 to vector<16xi32>
    %min3A_110 = arith.minsi %min3A_109, %max3A_108 : vector<16xi32>
    %swap3A_111 = arith.constant 128 : index
    %swap3A_112 = tpu.vector_load %arg5[%swap3A_111] {strides = array<i32>} : memref<256xi32, #tpu.memory_space<vmem>>, vector<16xi32>,
    %swap3A_113 = vector.shape_cast %swap3A_112 : vector<16xi32> to vector<16xi32>
    %swap3A_114 = vector.shape_cast %min3A_110 : vector<16xi32> to vector<16xi32>
    tpu.vector_store %arg5[%swap3A_111], %swap3A_114 {strides = array<i32>} : memref<256xi32, #tpu.memory_space<vmem>>, vector<16xi32>,
    %get3A_115 = arith.constant 144 : index
    %get3A_116 = tpu.vector_load %arg5[%get3A_115] {strides = array<i32>} : memref<256xi32, #tpu.memory_space<vmem>>, vector<16xi32>,
    %get3A_117 = vector.shape_cast %get3A_116 : vector<16xi32> to vector<16xi32>
    %jit3A_118 = arith.constant 0 : i32
    %jit3A_119 = arith.constant 2047 : i32
    %max3A_120 = vector.broadcast %jit3A_118 : i32 to vector<16xi32>
    %max3A_121 = arith.maxsi %max3A_120, %get3A_117 : vector<16xi32>
    %min3A_122 = vector.broadcast %jit3A_119 : i32 to vector<16xi32>
    %min3A_123 = arith.minsi %min3A_122, %max3A_121 : vector<16xi32>
    %swap3A_124 = arith.constant 144 : index
    %swap3A_125 = tpu.vector_load %arg5[%swap3A_124] {strides = array<i32>} : memref<256xi32, #tpu.memory_space<vmem>>, vector<16xi32>,
    %swap3A_126 = vector.shape_cast %swap3A_125 : vector<16xi32> to vector<16xi32>
    %swap3A_127 = vector.shape_cast %min3A_123 : vector<16xi32> to vector<16xi32>
    tpu.vector_store %arg5[%swap3A_124], %swap3A_127 {strides = array<i32>} : memref<256xi32, #tpu.memory_space<vmem>>, vector<16xi32>,
    %get3A_128 = arith.constant 160 : index
    %get3A_129 = tpu.vector_load %arg5[%get3A_128] {strides = array<i32>} : memref<256xi32, #tpu.memory_space<vmem>>, vector<16xi32>,
    %get3A_130 = vector.shape_cast %get3A_129 : vector<16xi32> to vector<16xi32>
    %jit3A_131 = arith.constant 0 : i32
    %jit3A_132 = arith.constant 2047 : i32
    %max3A_133 = vector.broadcast %jit3A_131 : i32 to vector<16xi32>
    %max3A_134 = arith.maxsi %max3A_133, %get3A_130 : vector<16xi32>
    %min3A_135 = vector.broadcast %jit3A_132 : i32 to vector<16xi32>
    %min3A_136 = arith.minsi %min3A_135, %max3A_134 : vector<16xi32>
    %swap3A_137 = arith.constant 160 : index
    %swap3A_138 = tpu.vector_load %arg5[%swap3A_137] {strides = array<i32>} : memref<256xi32, #tpu.memory_space<vmem>>, vector<16xi32>,
    %swap3A_139 = vector.shape_cast %swap3A_138 : vector<16xi32> to vector<16xi32>
    %swap3A_140 = vector.shape_cast %min3A_136 : vector<16xi32> to vector<16xi32>
    tpu.vector_store %arg5[%swap3A_137], %swap3A_140 {strides = array<i32>} : memref<256xi32, #tpu.memory_space<vmem>>, vector<16xi32>,
    %get3A_141 = arith.constant 176 : index
    %get3A_142 = tpu.vector_load %arg5[%get3A_141] {strides = array<i32>} : memref<256xi32, #tpu.memory_space<vmem>>, vector<16xi32>,
    %get3A_143 = vector.shape_cast %get3A_142 : vector<16xi32> to vector<16xi32>
    %jit3A_144 = arith.constant 0 : i32
    %jit3A_145 = arith.constant 2047 : i32
    %max3A_146 = vector.broadcast %jit3A_144 : i32 to vector<16xi32>
    %max3A_147 = arith.maxsi %max3A_146, %get3A_143 : vector<16xi32>
    %min3A_148 = vector.broadcast %jit3A_145 : i32 to vector<16xi32>
    %min3A_149 = arith.minsi %min3A_148, %max3A_147 : vector<16xi32>
    %swap3A_150 = arith.constant 176 : index
    %swap3A_151 = tpu.vector_load %arg5[%swap3A_150] {strides = array<i32>} : memref<256xi32, #tpu.memory_space<vmem>>, vector<16xi32>,
    %swap3A_152 = vector.shape_cast %swap3A_151 : vector<16xi32> to vector<16xi32>
    %swap3A_153 = vector.shape_cast %min3A_149 : vector<16xi32> to vector<16xi32>
    tpu.vector_store %arg5[%swap3A_150], %swap3A_153 {strides = array<i32>} : memref<256xi32, #tpu.memory_space<vmem>>, vector<16xi32>,
    %get3A_154 = arith.constant 192 : index
    %get3A_155 = tpu.vector_load %arg5[%get3A_154] {strides = array<i32>} : memref<256xi32, #tpu.memory_space<vmem>>, vector<16xi32>,
    %get3A_156 = vector.shape_cast %get3A_155 : vector<16xi32> to vector<16xi32>
    %jit3A_157 = arith.constant 0 : i32
    %jit3A_158 = arith.constant 2047 : i32
    %max3A_159 = vector.broadcast %jit3A_157 : i32 to vector<16xi32>
    %max3A_160 = arith.maxsi %max3A_159, %get3A_156 : vector<16xi32>
    %min3A_161 = vector.broadcast %jit3A_158 : i32 to vector<16xi32>
    %min3A_162 = arith.minsi %min3A_161, %max3A_160 : vector<16xi32>
    %swap3A_163 = arith.constant 192 : index
    %swap3A_164 = tpu.vector_load %arg5[%swap3A_163] {strides = array<i32>} : memref<256xi32, #tpu.memory_space<vmem>>, vector<16xi32>,
    %swap3A_165 = vector.shape_cast %swap3A_164 : vector<16xi32> to vector<16xi32>
    %swap3A_166 = vector.shape_cast %min3A_162 : vector<16xi32> to vector<16xi32>
    tpu.vector_store %arg5[%swap3A_163], %swap3A_166 {strides = array<i32>} : memref<256xi32, #tpu.memory_space<vmem>>, vector<16xi32>,
    %get3A_167 = arith.constant 208 : index
    %get3A_168 = tpu.vector_load %arg5[%get3A_167] {strides = array<i32>} : memref<256xi32, #tpu.memory_space<vmem>>, vector<16xi32>,
    %get3A_169 = vector.shape_cast %get3A_168 : vector<16xi32> to vector<16xi32>
    %jit3A_170 = arith.constant 0 : i32
    %jit3A_171 = arith.constant 2047 : i32
    %max3A_172 = vector.broadcast %jit3A_170 : i32 to vector<16xi32>
    %max3A_173 = arith.maxsi %max3A_172, %get3A_169 : vector<16xi32>
    %min3A_174 = vector.broadcast %jit3A_171 : i32 to vector<16xi32>
    %min3A_175 = arith.minsi %min3A_174, %max3A_173 : vector<16xi32>
    %swap3A_176 = arith.constant 208 : index
    %swap3A_177 = tpu.vector_load %arg5[%swap3A_176] {strides = array<i32>} : memref<256xi32, #tpu.memory_space<vmem>>, vector<16xi32>,
    %swap3A_178 = vector.shape_cast %swap3A_177 : vector<16xi32> to vector<16xi32>
    %swap3A_179 = vector.shape_cast %min3A_175 : vector<16xi32> to vector<16xi32>
    tpu.vector_store %arg5[%swap3A_176], %swap3A_179 {strides = array<i32>} : memref<256xi32, #tpu.memory_space<vmem>>, vector<16xi32>,
    %get3A_180 = arith.constant 224 : index
    %get3A_181 = tpu.vector_load %arg5[%get3A_180] {strides = array<i32>} : memref<256xi32, #tpu.memory_space<vmem>>, vector<16xi32>,
    %get3A_182 = vector.shape_cast %get3A_181 : vector<16xi32> to vector<16xi32>
    %jit3A_183 = arith.constant 0 : i32
    %jit3A_184 = arith.constant 2047 : i32
    %max3A_185 = vector.broadcast %jit3A_183 : i32 to vector<16xi32>
    %max3A_186 = arith.maxsi %max3A_185, %get3A_182 : vector<16xi32>
    %min3A_187 = vector.broadcast %jit3A_184 : i32 to vector<16xi32>
    %min3A_188 = arith.minsi %min3A_187, %max3A_186 : vector<16xi32>
    %swap3A_189 = arith.constant 224 : index
    %swap3A_190 = tpu.vector_load %arg5[%swap3A_189] {strides = array<i32>} : memref<256xi32, #tpu.memory_space<vmem>>, vector<16xi32>,
    %swap3A_191 = vector.shape_cast %swap3A_190 : vector<16xi32> to vector<16xi32>
    %swap3A_192 = vector.shape_cast %min3A_188 : vector<16xi32> to vector<16xi32>
    tpu.vector_store %arg5[%swap3A_189], %swap3A_192 {strides = array<i32>} : memref<256xi32, #tpu.memory_space<vmem>>, vector<16xi32>,
    %get3A_193 = arith.constant 240 : index
    %get3A_194 = tpu.vector_load %arg5[%get3A_193] {strides = array<i32>} : memref<256xi32, #tpu.memory_space<vmem>>, vector<16xi32>,
    %get3A_195 = vector.shape_cast %get3A_194 : vector<16xi32> to vector<16xi32>
    %jit3A_196 = arith.constant 0 : i32
    %jit3A_197 = arith.constant 2047 : i32
    %max3A_198 = vector.broadcast %jit3A_196 : i32 to vector<16xi32>
    %max3A_199 = arith.maxsi %max3A_198, %get3A_195 : vector<16xi32>
    %min3A_200 = vector.broadcast %jit3A_197 : i32 to vector<16xi32>
    %min3A_201 = arith.minsi %min3A_200, %max3A_199 : vector<16xi32>
    %swap3A_202 = arith.constant 240 : index
    %swap3A_203 = tpu.vector_load %arg5[%swap3A_202] {strides = array<i32>} : memref<256xi32, #tpu.memory_space<vmem>>, vector<16xi32>,
    %swap3A_204 = vector.shape_cast %swap3A_203 : vector<16xi32> to vector<16xi32>
    %swap3A_205 = vector.shape_cast %min3A_201 : vector<16xi32> to vector<16xi32>
    tpu.vector_store %arg5[%swap3A_202], %swap3A_205 {strides = array<i32>} : memref<256xi32, #tpu.memory_space<vmem>>, vector<16xi32>,
    %dma_start3A = arith.constant 0 : i32
    %dma_start3A_206 = tpu.memref_slice %arg5[%dma_start3A] : memref<256xi32, #tpu.memory_space<vmem>> -> memref<128xi32, #tpu.memory_space<vmem>>
    %dma_start3A_207 = arith.constant 0 : i32
    %dma_start3A_208 = arith.constant 0 : i32
    %dma_start3A_209 = tpu.memref_slice %arg2[%dma_start3A_207, %dma_start3A_208] : memref<2048x512xi32, #tpu.memory_space<hbm>> -> memref<2048x512xi32, #tpu.memory_space<hbm>>
    tpu.enqueue_indirect_dma source(%dma_start3A_209 : memref<2048x512xi32, #tpu.memory_space<hbm>>) target(%arg6 : memref<128x512xi32, #tpu.memory_space<vmem>>) offsets(%dma_start3A_206 : memref<128xi32, #tpu.memory_space<vmem>>) semaphore(%arg7 : memref<!tpu.dma_semaphore, #tpu.memory_space<semaphore_mem>>)
    %dma_wait3A = arith.constant 0 : i32
    %dma_wait3A_210 = tpu.memref_slice %arg5[%dma_wait3A] : memref<256xi32, #tpu.memory_space<vmem>> -> memref<128xi32, #tpu.memory_space<vmem>>
    %dma_wait3A_211 = arith.constant 0 : i32
    %dma_wait3A_212 = arith.constant 0 : i32
    %dma_wait3A_213 = tpu.memref_slice %arg2[%dma_wait3A_211, %dma_wait3A_212] : memref<2048x512xi32, #tpu.memory_space<hbm>> -> memref<2048x512xi32, #tpu.memory_space<hbm>>
    tpu.wait_indirect_dma semaphore(%arg7 : memref<!tpu.dma_semaphore, #tpu.memory_space<semaphore_mem>>) src(%dma_wait3A_213 : memref<2048x512xi32, #tpu.memory_space<hbm>>) dst(%arg6 : memref<128x512xi32, #tpu.memory_space<vmem>>)
    %add3A_214 = arith.constant 0 : i32
    %add3A_215 = arith.addi %mul3A_2, %add3A_214 : i32
    "tpu.region"() ({
      %run_scoped3A = tpu.sem_alloc : memref<!tpu.dma_semaphore, #tpu.memory_space<semaphore_mem>>
      %dma_start3A_228 = arith.constant 0 : i32
      %dma_start3A_229 = tpu.memref_slice %arg4[%add3A_215, %dma_start3A_228] : memref<8192x512xi32, #tpu.memory_space<hbm>> -> memref<128x512xi32, #tpu.memory_space<hbm>>
      %dma_start3A_230 = arith.constant 0 : i32
      %dma_start3A_231 = tpu.memref_slice %arg4[%add3A_215, %dma_start3A_230] : memref<8192x512xi32, #tpu.memory_space<hbm>> -> memref<128x512xi32, #tpu.memory_space<hbm>>
      tpu.enqueue_dma source(%arg6 : memref<128x512xi32, #tpu.memory_space<vmem>>) target(%dma_start3A_231 : memref<128x512xi32, #tpu.memory_space<hbm>>) target_semaphore(%run_scoped3A : memref<!tpu.dma_semaphore, #tpu.memory_space<semaphore_mem>>)
      %dma_wait3A_232 = arith.constant 0 : i32
      %dma_wait3A_233 = tpu.memref_slice %arg4[%add3A_215, %dma_wait3A_232] : memref<8192x512xi32, #tpu.memory_space<hbm>> -> memref<128x512xi32, #tpu.memory_space<hbm>>
      %dma_wait3A_234 = arith.constant 0 : i32
      %dma_wait3A_235 = tpu.memref_slice %arg4[%add3A_215, %dma_wait3A_234] : memref<8192x512xi32, #tpu.memory_space<hbm>> -> memref<128x512xi32, #tpu.memory_space<hbm>>
      tpu.wait_dma2 semaphore(%run_scoped3A : memref<!tpu.dma_semaphore, #tpu.memory_space<semaphore_mem>>) src(%arg6 : memref<128x512xi32, #tpu.memory_space<vmem>>) dst(%dma_wait3A_235 : memref<128x512xi32, #tpu.memory_space<hbm>>)
      tpu.yield
    }) : () -> ()
    %dma_start3A_216 = arith.constant 128 : i32
    %dma_start3A_217 = tpu.memref_slice %arg5[%dma_start3A_216] : memref<256xi32, #tpu.memory_space<vmem>> -> memref<128xi32, #tpu.memory_space<vmem>>
    %dma_start3A_218 = arith.constant 0 : i32
    %dma_start3A_219 = arith.constant 0 : i32
    %dma_start3A_220 = tpu.memref_slice %arg2[%dma_start3A_218, %dma_start3A_219] : memref<2048x512xi32, #tpu.memory_space<hbm>> -> memref<2048x512xi32, #tpu.memory_space<hbm>>
    tpu.enqueue_indirect_dma source(%dma_start3A_220 : memref<2048x512xi32, #tpu.memory_space<hbm>>) target(%arg6 : memref<128x512xi32, #tpu.memory_space<vmem>>) offsets(%dma_start3A_217 : memref<128xi32, #tpu.memory_space<vmem>>) semaphore(%arg7 : memref<!tpu.dma_semaphore, #tpu.memory_space<semaphore_mem>>)
    %dma_wait3A_221 = arith.constant 128 : i32
    %dma_wait3A_222 = tpu.memref_slice %arg5[%dma_wait3A_221] : memref<256xi32, #tpu.memory_space<vmem>> -> memref<128xi32, #tpu.memory_space<vmem>>
    %dma_wait3A_223 = arith.constant 0 : i32
    %dma_wait3A_224 = arith.constant 0 : i32
    %dma_wait3A_225 = tpu.memref_slice %arg2[%dma_wait3A_223, %dma_wait3A_224] : memref<2048x512xi32, #tpu.memory_space<hbm>> -> memref<2048x512xi32, #tpu.memory_space<hbm>>
    tpu.wait_indirect_dma semaphore(%arg7 : memref<!tpu.dma_semaphore, #tpu.memory_space<semaphore_mem>>) src(%dma_wait3A_225 : memref<2048x512xi32, #tpu.memory_space<hbm>>) dst(%arg6 : memref<128x512xi32, #tpu.memory_space<vmem>>)
    %add3A_226 = arith.constant 128 : i32
    %add3A_227 = arith.addi %mul3A_2, %add3A_226 : i32
    "tpu.region"() ({
      %run_scoped3A = tpu.sem_alloc : memref<!tpu.dma_semaphore, #tpu.memory_space<semaphore_mem>>
      %dma_start3A_228 = arith.constant 0 : i32
      %dma_start3A_229 = tpu.memref_slice %arg4[%add3A_227, %dma_start3A_228] : memref<8192x512xi32, #tpu.memory_space<hbm>> -> memref<128x512xi32, #tpu.memory_space<hbm>>
      %dma_start3A_230 = arith.constant 0 : i32
      %dma_start3A_231 = tpu.memref_slice %arg4[%add3A_227, %dma_start3A_230] : memref<8192x512xi32, #tpu.memory_space<hbm>> -> memref<128x512xi32, #tpu.memory_space<hbm>>
      tpu.enqueue_dma source(%arg6 : memref<128x512xi32, #tpu.memory_space<vmem>>) target(%dma_start3A_231 : memref<128x512xi32, #tpu.memory_space<hbm>>) target_semaphore(%run_scoped3A : memref<!tpu.dma_semaphore, #tpu.memory_space<semaphore_mem>>)
      %dma_wait3A_232 = arith.constant 0 : i32
      %dma_wait3A_233 = tpu.memref_slice %arg4[%add3A_227, %dma_wait3A_232] : memref<8192x512xi32, #tpu.memory_space<hbm>> -> memref<128x512xi32, #tpu.memory_space<hbm>>
      %dma_wait3A_234 = arith.constant 0 : i32
      %dma_wait3A_235 = tpu.memref_slice %arg4[%add3A_227, %dma_wait3A_234] : memref<8192x512xi32, #tpu.memory_space<hbm>> -> memref<128x512xi32, #tpu.memory_space<hbm>>
      tpu.wait_dma2 semaphore(%run_scoped3A : memref<!tpu.dma_semaphore, #tpu.memory_space<semaphore_mem>>) src(%arg6 : memref<128x512xi32, #tpu.memory_space<vmem>>) dst(%dma_wait3A_235 : memref<128x512xi32, #tpu.memory_space<hbm>>)
      tpu.yield
    }) : () -> ()
    return
  }
}

#map = affine_map<(d0, d1) -> (0, 0)>
#map1 = affine_map<(d0, d1) -> (0)>
module attributes {stable_mosaic.version = 14 : i64} {
  func.func @_g(%arg0: i32, %arg1: i32, %arg2: memref<8192x512xi32, #tpu.memory_space<hbm>>, %arg3: memref<4096xi32, #tpu.memory_space<hbm>>, %arg4: memref<4096x512xi32, #tpu.memory_space<hbm>>, %arg5: memref<128xi32, #tpu.memory_space<vmem>>, %arg6: memref<128x512xi32, #tpu.memory_space<vmem>>, %arg7: memref<!tpu.dma_semaphore, #tpu.memory_space<semaphore_mem>>) attributes {dimension_semantics = [#tpu.dimension_semantics<core_parallel>, #tpu.dimension_semantics<subcore_parallel>], iteration_bounds = array<i64: 2, 16>, scalar_prefetch = 0 : i64, scratch_operands = 3 : i64, tpu.core_type = #tpu.core_type<sc_vector_subcore>, window_params = [{transform_indices = #map}, {transform_indices = #map1}, {transform_indices = #map}]} {
    %mul3A = arith.constant 2 : i32
    %mul3A_0 = arith.muli %arg1, %mul3A : i32
    %add3A = arith.addi %mul3A_0, %arg0 : i32
    %mul3A_1 = arith.constant 128 : i32
    %mul3A_2 = arith.muli %add3A, %mul3A_1 : i32
    "tpu.region"() ({
      %run_scoped3A = tpu.sem_alloc : memref<!tpu.dma_semaphore, #tpu.memory_space<semaphore_mem>>
      %dma_start3A_112 = tpu.memref_slice %arg3[%mul3A_2] : memref<4096xi32, #tpu.memory_space<hbm>> -> memref<128xi32, #tpu.memory_space<hbm>>
      %dma_start3A_113 = tpu.memref_slice %arg3[%mul3A_2] : memref<4096xi32, #tpu.memory_space<hbm>> -> memref<128xi32, #tpu.memory_space<hbm>>
      tpu.enqueue_dma source(%dma_start3A_113 : memref<128xi32, #tpu.memory_space<hbm>>) target(%arg5 : memref<128xi32, #tpu.memory_space<vmem>>) target_semaphore(%run_scoped3A : memref<!tpu.dma_semaphore, #tpu.memory_space<semaphore_mem>>)
      %dma_wait3A_114 = tpu.memref_slice %arg3[%mul3A_2] : memref<4096xi32, #tpu.memory_space<hbm>> -> memref<128xi32, #tpu.memory_space<hbm>>
      %dma_wait3A_115 = tpu.memref_slice %arg3[%mul3A_2] : memref<4096xi32, #tpu.memory_space<hbm>> -> memref<128xi32, #tpu.memory_space<hbm>>
      tpu.wait_dma2 semaphore(%run_scoped3A : memref<!tpu.dma_semaphore, #tpu.memory_space<semaphore_mem>>) src(%dma_wait3A_115 : memref<128xi32, #tpu.memory_space<hbm>>) dst(%arg5 : memref<128xi32, #tpu.memory_space<vmem>>)
      tpu.yield
    }) : () -> ()
    %get3A = arith.constant 0 : index
    %get3A_3 = tpu.vector_load %arg5[%get3A] {strides = array<i32>} : memref<128xi32, #tpu.memory_space<vmem>>, vector<16xi32>,
    %get3A_4 = vector.shape_cast %get3A_3 : vector<16xi32> to vector<16xi32>
    %jit3A = arith.constant 0 : i32
    %jit3A_5 = arith.constant 8191 : i32
    %max3A = vector.broadcast %jit3A : i32 to vector<16xi32>
    %max3A_6 = arith.maxsi %max3A, %get3A_4 : vector<16xi32>
    %min3A = vector.broadcast %jit3A_5 : i32 to vector<16xi32>
    %min3A_7 = arith.minsi %min3A, %max3A_6 : vector<16xi32>
    %swap3A = arith.constant 0 : index
    %swap3A_8 = tpu.vector_load %arg5[%swap3A] {strides = array<i32>} : memref<128xi32, #tpu.memory_space<vmem>>, vector<16xi32>,
    %swap3A_9 = vector.shape_cast %swap3A_8 : vector<16xi32> to vector<16xi32>
    %swap3A_10 = vector.shape_cast %min3A_7 : vector<16xi32> to vector<16xi32>
    tpu.vector_store %arg5[%swap3A], %swap3A_10 {strides = array<i32>} : memref<128xi32, #tpu.memory_space<vmem>>, vector<16xi32>,
    %get3A_11 = arith.constant 16 : index
    %get3A_12 = tpu.vector_load %arg5[%get3A_11] {strides = array<i32>} : memref<128xi32, #tpu.memory_space<vmem>>, vector<16xi32>,
    %get3A_13 = vector.shape_cast %get3A_12 : vector<16xi32> to vector<16xi32>
    %jit3A_14 = arith.constant 0 : i32
    %jit3A_15 = arith.constant 8191 : i32
    %max3A_16 = vector.broadcast %jit3A_14 : i32 to vector<16xi32>
    %max3A_17 = arith.maxsi %max3A_16, %get3A_13 : vector<16xi32>
    %min3A_18 = vector.broadcast %jit3A_15 : i32 to vector<16xi32>
    %min3A_19 = arith.minsi %min3A_18, %max3A_17 : vector<16xi32>
    %swap3A_20 = arith.constant 16 : index
    %swap3A_21 = tpu.vector_load %arg5[%swap3A_20] {strides = array<i32>} : memref<128xi32, #tpu.memory_space<vmem>>, vector<16xi32>,
    %swap3A_22 = vector.shape_cast %swap3A_21 : vector<16xi32> to vector<16xi32>
    %swap3A_23 = vector.shape_cast %min3A_19 : vector<16xi32> to vector<16xi32>
    tpu.vector_store %arg5[%swap3A_20], %swap3A_23 {strides = array<i32>} : memref<128xi32, #tpu.memory_space<vmem>>, vector<16xi32>,
    %get3A_24 = arith.constant 32 : index
    %get3A_25 = tpu.vector_load %arg5[%get3A_24] {strides = array<i32>} : memref<128xi32, #tpu.memory_space<vmem>>, vector<16xi32>,
    %get3A_26 = vector.shape_cast %get3A_25 : vector<16xi32> to vector<16xi32>
    %jit3A_27 = arith.constant 0 : i32
    %jit3A_28 = arith.constant 8191 : i32
    %max3A_29 = vector.broadcast %jit3A_27 : i32 to vector<16xi32>
    %max3A_30 = arith.maxsi %max3A_29, %get3A_26 : vector<16xi32>
    %min3A_31 = vector.broadcast %jit3A_28 : i32 to vector<16xi32>
    %min3A_32 = arith.minsi %min3A_31, %max3A_30 : vector<16xi32>
    %swap3A_33 = arith.constant 32 : index
    %swap3A_34 = tpu.vector_load %arg5[%swap3A_33] {strides = array<i32>} : memref<128xi32, #tpu.memory_space<vmem>>, vector<16xi32>,
    %swap3A_35 = vector.shape_cast %swap3A_34 : vector<16xi32> to vector<16xi32>
    %swap3A_36 = vector.shape_cast %min3A_32 : vector<16xi32> to vector<16xi32>
    tpu.vector_store %arg5[%swap3A_33], %swap3A_36 {strides = array<i32>} : memref<128xi32, #tpu.memory_space<vmem>>, vector<16xi32>,
    %get3A_37 = arith.constant 48 : index
    %get3A_38 = tpu.vector_load %arg5[%get3A_37] {strides = array<i32>} : memref<128xi32, #tpu.memory_space<vmem>>, vector<16xi32>,
    %get3A_39 = vector.shape_cast %get3A_38 : vector<16xi32> to vector<16xi32>
    %jit3A_40 = arith.constant 0 : i32
    %jit3A_41 = arith.constant 8191 : i32
    %max3A_42 = vector.broadcast %jit3A_40 : i32 to vector<16xi32>
    %max3A_43 = arith.maxsi %max3A_42, %get3A_39 : vector<16xi32>
    %min3A_44 = vector.broadcast %jit3A_41 : i32 to vector<16xi32>
    %min3A_45 = arith.minsi %min3A_44, %max3A_43 : vector<16xi32>
    %swap3A_46 = arith.constant 48 : index
    %swap3A_47 = tpu.vector_load %arg5[%swap3A_46] {strides = array<i32>} : memref<128xi32, #tpu.memory_space<vmem>>, vector<16xi32>,
    %swap3A_48 = vector.shape_cast %swap3A_47 : vector<16xi32> to vector<16xi32>
    %swap3A_49 = vector.shape_cast %min3A_45 : vector<16xi32> to vector<16xi32>
    tpu.vector_store %arg5[%swap3A_46], %swap3A_49 {strides = array<i32>} : memref<128xi32, #tpu.memory_space<vmem>>, vector<16xi32>,
    %get3A_50 = arith.constant 64 : index
    %get3A_51 = tpu.vector_load %arg5[%get3A_50] {strides = array<i32>} : memref<128xi32, #tpu.memory_space<vmem>>, vector<16xi32>,
    %get3A_52 = vector.shape_cast %get3A_51 : vector<16xi32> to vector<16xi32>
    %jit3A_53 = arith.constant 0 : i32
    %jit3A_54 = arith.constant 8191 : i32
    %max3A_55 = vector.broadcast %jit3A_53 : i32 to vector<16xi32>
    %max3A_56 = arith.maxsi %max3A_55, %get3A_52 : vector<16xi32>
    %min3A_57 = vector.broadcast %jit3A_54 : i32 to vector<16xi32>
    %min3A_58 = arith.minsi %min3A_57, %max3A_56 : vector<16xi32>
    %swap3A_59 = arith.constant 64 : index
    %swap3A_60 = tpu.vector_load %arg5[%swap3A_59] {strides = array<i32>} : memref<128xi32, #tpu.memory_space<vmem>>, vector<16xi32>,
    %swap3A_61 = vector.shape_cast %swap3A_60 : vector<16xi32> to vector<16xi32>
    %swap3A_62 = vector.shape_cast %min3A_58 : vector<16xi32> to vector<16xi32>
    tpu.vector_store %arg5[%swap3A_59], %swap3A_62 {strides = array<i32>} : memref<128xi32, #tpu.memory_space<vmem>>, vector<16xi32>,
    %get3A_63 = arith.constant 80 : index
    %get3A_64 = tpu.vector_load %arg5[%get3A_63] {strides = array<i32>} : memref<128xi32, #tpu.memory_space<vmem>>, vector<16xi32>,
    %get3A_65 = vector.shape_cast %get3A_64 : vector<16xi32> to vector<16xi32>
    %jit3A_66 = arith.constant 0 : i32
    %jit3A_67 = arith.constant 8191 : i32
    %max3A_68 = vector.broadcast %jit3A_66 : i32 to vector<16xi32>
    %max3A_69 = arith.maxsi %max3A_68, %get3A_65 : vector<16xi32>
    %min3A_70 = vector.broadcast %jit3A_67 : i32 to vector<16xi32>
    %min3A_71 = arith.minsi %min3A_70, %max3A_69 : vector<16xi32>
    %swap3A_72 = arith.constant 80 : index
    %swap3A_73 = tpu.vector_load %arg5[%swap3A_72] {strides = array<i32>} : memref<128xi32, #tpu.memory_space<vmem>>, vector<16xi32>,
    %swap3A_74 = vector.shape_cast %swap3A_73 : vector<16xi32> to vector<16xi32>
    %swap3A_75 = vector.shape_cast %min3A_71 : vector<16xi32> to vector<16xi32>
    tpu.vector_store %arg5[%swap3A_72], %swap3A_75 {strides = array<i32>} : memref<128xi32, #tpu.memory_space<vmem>>, vector<16xi32>,
    %get3A_76 = arith.constant 96 : index
    %get3A_77 = tpu.vector_load %arg5[%get3A_76] {strides = array<i32>} : memref<128xi32, #tpu.memory_space<vmem>>, vector<16xi32>,
    %get3A_78 = vector.shape_cast %get3A_77 : vector<16xi32> to vector<16xi32>
    %jit3A_79 = arith.constant 0 : i32
    %jit3A_80 = arith.constant 8191 : i32
    %max3A_81 = vector.broadcast %jit3A_79 : i32 to vector<16xi32>
    %max3A_82 = arith.maxsi %max3A_81, %get3A_78 : vector<16xi32>
    %min3A_83 = vector.broadcast %jit3A_80 : i32 to vector<16xi32>
    %min3A_84 = arith.minsi %min3A_83, %max3A_82 : vector<16xi32>
    %swap3A_85 = arith.constant 96 : index
    %swap3A_86 = tpu.vector_load %arg5[%swap3A_85] {strides = array<i32>} : memref<128xi32, #tpu.memory_space<vmem>>, vector<16xi32>,
    %swap3A_87 = vector.shape_cast %swap3A_86 : vector<16xi32> to vector<16xi32>
    %swap3A_88 = vector.shape_cast %min3A_84 : vector<16xi32> to vector<16xi32>
    tpu.vector_store %arg5[%swap3A_85], %swap3A_88 {strides = array<i32>} : memref<128xi32, #tpu.memory_space<vmem>>, vector<16xi32>,
    %get3A_89 = arith.constant 112 : index
    %get3A_90 = tpu.vector_load %arg5[%get3A_89] {strides = array<i32>} : memref<128xi32, #tpu.memory_space<vmem>>, vector<16xi32>,
    %get3A_91 = vector.shape_cast %get3A_90 : vector<16xi32> to vector<16xi32>
    %jit3A_92 = arith.constant 0 : i32
    %jit3A_93 = arith.constant 8191 : i32
    %max3A_94 = vector.broadcast %jit3A_92 : i32 to vector<16xi32>
    %max3A_95 = arith.maxsi %max3A_94, %get3A_91 : vector<16xi32>
    %min3A_96 = vector.broadcast %jit3A_93 : i32 to vector<16xi32>
    %min3A_97 = arith.minsi %min3A_96, %max3A_95 : vector<16xi32>
    %swap3A_98 = arith.constant 112 : index
    %swap3A_99 = tpu.vector_load %arg5[%swap3A_98] {strides = array<i32>} : memref<128xi32, #tpu.memory_space<vmem>>, vector<16xi32>,
    %swap3A_100 = vector.shape_cast %swap3A_99 : vector<16xi32> to vector<16xi32>
    %swap3A_101 = vector.shape_cast %min3A_97 : vector<16xi32> to vector<16xi32>
    tpu.vector_store %arg5[%swap3A_98], %swap3A_101 {strides = array<i32>} : memref<128xi32, #tpu.memory_space<vmem>>, vector<16xi32>,
    %dma_start3A = arith.constant 0 : i32
    %dma_start3A_102 = tpu.memref_slice %arg5[%dma_start3A] : memref<128xi32, #tpu.memory_space<vmem>> -> memref<128xi32, #tpu.memory_space<vmem>>
    %dma_start3A_103 = arith.constant 0 : i32
    %dma_start3A_104 = arith.constant 0 : i32
    %dma_start3A_105 = tpu.memref_slice %arg2[%dma_start3A_103, %dma_start3A_104] : memref<8192x512xi32, #tpu.memory_space<hbm>> -> memref<8192x512xi32, #tpu.memory_space<hbm>>
    tpu.enqueue_indirect_dma source(%dma_start3A_105 : memref<8192x512xi32, #tpu.memory_space<hbm>>) target(%arg6 : memref<128x512xi32, #tpu.memory_space<vmem>>) offsets(%dma_start3A_102 : memref<128xi32, #tpu.memory_space<vmem>>) semaphore(%arg7 : memref<!tpu.dma_semaphore, #tpu.memory_space<semaphore_mem>>)
    %dma_wait3A = arith.constant 0 : i32
    %dma_wait3A_106 = tpu.memref_slice %arg5[%dma_wait3A] : memref<128xi32, #tpu.memory_space<vmem>> -> memref<128xi32, #tpu.memory_space<vmem>>
    %dma_wait3A_107 = arith.constant 0 : i32
    %dma_wait3A_108 = arith.constant 0 : i32
    %dma_wait3A_109 = tpu.memref_slice %arg2[%dma_wait3A_107, %dma_wait3A_108] : memref<8192x512xi32, #tpu.memory_space<hbm>> -> memref<8192x512xi32, #tpu.memory_space<hbm>>
    tpu.wait_indirect_dma semaphore(%arg7 : memref<!tpu.dma_semaphore, #tpu.memory_space<semaphore_mem>>) src(%dma_wait3A_109 : memref<8192x512xi32, #tpu.memory_space<hbm>>) dst(%arg6 : memref<128x512xi32, #tpu.memory_space<vmem>>)
    %add3A_110 = arith.constant 0 : i32
    %add3A_111 = arith.addi %mul3A_2, %add3A_110 : i32
    "tpu.region"() ({
      %run_scoped3A = tpu.sem_alloc : memref<!tpu.dma_semaphore, #tpu.memory_space<semaphore_mem>>
      %dma_start3A_112 = arith.constant 0 : i32
      %dma_start3A_113 = tpu.memref_slice %arg4[%add3A_111, %dma_start3A_112] : memref<4096x512xi32, #tpu.memory_space<hbm>> -> memref<128x512xi32, #tpu.memory_space<hbm>>
      %dma_start3A_114 = arith.constant 0 : i32
      %dma_start3A_115 = tpu.memref_slice %arg4[%add3A_111, %dma_start3A_114] : memref<4096x512xi32, #tpu.memory_space<hbm>> -> memref<128x512xi32, #tpu.memory_space<hbm>>
      tpu.enqueue_dma source(%arg6 : memref<128x512xi32, #tpu.memory_space<vmem>>) target(%dma_start3A_115 : memref<128x512xi32, #tpu.memory_space<hbm>>) target_semaphore(%run_scoped3A : memref<!tpu.dma_semaphore, #tpu.memory_space<semaphore_mem>>)
      %dma_wait3A_116 = arith.constant 0 : i32
      %dma_wait3A_117 = tpu.memref_slice %arg4[%add3A_111, %dma_wait3A_116] : memref<4096x512xi32, #tpu.memory_space<hbm>> -> memref<128x512xi32, #tpu.memory_space<hbm>>
      %dma_wait3A_118 = arith.constant 0 : i32
      %dma_wait3A_119 = tpu.memref_slice %arg4[%add3A_111, %dma_wait3A_118] : memref<4096x512xi32, #tpu.memory_space<hbm>> -> memref<128x512xi32, #tpu.memory_space<hbm>>
      tpu.wait_dma2 semaphore(%run_scoped3A : memref<!tpu.dma_semaphore, #tpu.memory_space<semaphore_mem>>) src(%arg6 : memref<128x512xi32, #tpu.memory_space<vmem>>) dst(%dma_wait3A_119 : memref<128x512xi32, #tpu.memory_space<hbm>>)
      tpu.yield
    }) : () -> ()
    return
  }
}

module attributes {stable_mosaic.version = 14 : i64} {
  func.func @_rms_mm_kernel(%arg0: memref<2048x1024xf32, #tpu.memory_space<vmem>>, %arg1: memref<1x1024xf32, #tpu.memory_space<vmem>>, %arg2: memref<1024x2048xbf16, #tpu.memory_space<vmem>>, %arg3: memref<2048x2048xbf16, #tpu.memory_space<vmem>>) attributes {dimension_semantics = [], scalar_prefetch = 0 : i64, scratch_operands = 0 : i64, tpu.core_type = #tpu.core_type<tc>} {
    %get3A = arith.constant 0 : index
    %get3A_0 = arith.constant 0 : index
    %get3A_1 = vector.load %arg0[%get3A, %get3A_0] : memref<2048x1024xf32, #tpu.memory_space<vmem>>, vector<2048x1024xf32>
    %mul3A = arith.mulf %get3A_1, %get3A_1 : vector<2048x1024xf32>
    %reduce_sum3A = arith.constant dense<0.000000e+00> : vector<2048xf32>
    %reduce_sum3A_2 = vector.multi_reduction <add>, %mul3A, %reduce_sum3A [1] : vector<2048x1024xf32> to vector<2048xf32>
    %broadcast_in_dim3A = vector.shape_cast %reduce_sum3A_2 : vector<2048xf32> to vector<2048x1xf32>
    %div3A = arith.constant 1.024000e+03 : f32
    %div3A_3 = vector.broadcast %div3A : f32 to vector<2048x1xf32>
    %div3A_4 = arith.divf %broadcast_in_dim3A, %div3A_3 : vector<2048x1xf32>
    %add3A = arith.constant 9.99999997E-7 : f32
    %add3A_5 = vector.broadcast %add3A : f32 to vector<2048x1xf32>
    %add3A_6 = arith.addf %div3A_4, %add3A_5 : vector<2048x1xf32>
    %rsqrt3A = math.rsqrt %add3A_6 : vector<2048x1xf32>
    %mul3A_7 = vector.broadcast %rsqrt3A : vector<2048x1xf32> to vector<2048x1024xf32>
    %mul3A_8 = arith.mulf %get3A_1, %mul3A_7 : vector<2048x1024xf32>
    %get3A_9 = arith.constant 0 : index
    %get3A_10 = arith.constant 0 : index
    %get3A_11 = vector.load %arg1[%get3A_9, %get3A_10] : memref<1x1024xf32, #tpu.memory_space<vmem>>, vector<1x1024xf32>
    %mul3A_12 = vector.broadcast %get3A_11 : vector<1x1024xf32> to vector<2048x1024xf32>
    %mul3A_13 = arith.mulf %mul3A_8, %mul3A_12 : vector<2048x1024xf32>
    %convert_element_type3A = arith.truncf %mul3A_13 : vector<2048x1024xf32> to vector<2048x1024xbf16>
    %get3A_14 = arith.constant 0 : index
    %get3A_15 = arith.constant 0 : index
    %get3A_16 = vector.load %arg2[%get3A_14, %get3A_15] : memref<1024x2048xbf16, #tpu.memory_space<vmem>>, vector<1024x2048xbf16>
    %dot_general3A = arith.constant dense<0.000000e+00> : vector<2048x2048xf32>
    %dot_general3A_17 = tpu.matmul %convert_element_type3A, %get3A_16, %dot_general3A {dimension_numbers = #tpu.dot_dimension_numbers<[1], [0], [0], [1], [0, 0, 1, 1], [], []>, transpose_lhs_hint = false} : vector<2048x1024xbf16>, vector<1024x2048xbf16>, vector<2048x2048xf32> -> vector<2048x2048xf32>
    %convert_element_type3A_18 = arith.truncf %dot_general3A_17 : vector<2048x2048xf32> to vector<2048x2048xbf16>
    %swap3A = arith.constant 0 : index
    %swap3A_19 = arith.constant 0 : index
    %swap3A_20 = vector.load %arg3[%swap3A, %swap3A_19] : memref<2048x2048xbf16, #tpu.memory_space<vmem>>, vector<2048x2048xbf16>
    tpu.vector_store %arg3[%swap3A, %swap3A_19], %convert_element_type3A_18 {strides = array<i32>} : memref<2048x2048xbf16, #tpu.memory_space<vmem>>, vector<2048x2048xbf16>,
    return
  }
}

module attributes {stable_mosaic.version = 14 : i64} {
  func.func @_flash_kernel(%arg0: i32, %arg1: i32, %arg2: i32, %arg3: memref<2x512x64xbf16, #tpu.memory_space<vmem>>, %arg4: memref<1x512x64xbf16, #tpu.memory_space<vmem>>, %arg5: memref<1x512x64xbf16, #tpu.memory_space<vmem>>, %arg6: memref<1024x1024xbf16, #tpu.memory_space<vmem>>, %arg7: memref<512x1024xf32, #tpu.memory_space<vmem>>, %arg8: memref<512x1024xf32, #tpu.memory_space<vmem>>, %arg9: memref<1024x128xf32, #tpu.memory_space<vmem>>, %arg10: memref<1024x128xf32, #tpu.memory_space<vmem>>, %arg11: memref<1024x64xf32, #tpu.memory_space<vmem>>, %arg12: memref<512x1024xbf16, #tpu.memory_space<vmem>>, %arg13: memref<1024x512xf32, #tpu.memory_space<vmem>>) attributes {dimension_semantics = [#tpu.dimension_semantics<arbitrary>, #tpu.dimension_semantics<arbitrary>, #tpu.dimension_semantics<arbitrary>], iteration_bounds = array<i64: 4, 8, 4>, scalar_prefetch = 0 : i64, scratch_operands = 5 : i64, tpu.core_type = #tpu.core_type<tc>, window_params = [{transform_indices = @transform_0, window_bounds = array<i64: 2, 512, 64>}, {transform_indices = @transform_1, window_bounds = array<i64: 1, 512, 64>}, {transform_indices = @transform_2, window_bounds = array<i64: 1, 512, 64>}, {pipeline_mode = #tpu.pipeline_mode<synchronous>, transform_indices = @transform_3, window_bounds = array<i64: 1024, 1024>}, {transform_indices = @transform_4, window_bounds = array<i64: 512, 1024>}, {transform_indices = @transform_5, window_bounds = array<i64: 512, 1024>}]} {
    %eq3A = arith.constant 0 : i32
    %eq3A_0 = arith.cmpi eq, %arg0, %eq3A : i32
    %eq3A_1 = arith.constant 0 : i32
    %eq3A_2 = arith.cmpi eq, %arg1, %eq3A_1 : i32
    %and3A = arith.andi %eq3A_0, %eq3A_2 : i1
    %eq3A_3 = arith.constant 0 : i32
    %eq3A_4 = arith.cmpi eq, %arg2, %eq3A_3 : i32
    %and3A_5 = arith.andi %and3A, %eq3A_4 : i1
    %convert_element_type3A = arith.extui %and3A_5 : i1 to i32
    %cond3A = arith.constant 0 : i32
    %cond3A_6 = arith.cmpi ne, %convert_element_type3A, %cond3A : i32
    scf.if %cond3A_6 {
      %iota3A = tpu.iota {dimensions = array<i32: 0>} : vector<1024x512xi32>
      %jit3A = arith.constant 512 : i32
      %eq3A_26 = arith.constant 0 : i32
      %eq3A_27 = arith.cmpi eq, %jit3A, %eq3A_26 : i32
      %jit3A_28 = arith.constant 1 : i32
      %select_n3A = arith.select %eq3A_27, %jit3A_28, %jit3A : i32
      %rem3A = vector.broadcast %select_n3A : i32 to vector<1024x512xi32>
      %rem3A_29 = arith.remsi %iota3A, %rem3A : vector<1024x512xi32>
      %ne3A = arith.constant 0 : i32
      %ne3A_30 = vector.broadcast %ne3A : i32 to vector<1024x512xi32>
      %ne3A_31 = arith.cmpi ne, %rem3A_29, %ne3A_30 : vector<1024x512xi32>
      %lt3A = arith.constant 0 : i32
      %lt3A_32 = vector.broadcast %lt3A : i32 to vector<1024x512xi32>
      %lt3A_33 = arith.cmpi slt, %rem3A_29, %lt3A_32 : vector<1024x512xi32>
      %lt3A_34 = arith.constant 0 : i32
      %lt3A_35 = arith.cmpi slt, %select_n3A, %lt3A_34 : i32
      %ne3A_36 = vector.broadcast %lt3A_35 : i1 to vector<1024x512xi1>
      %ne3A_37 = vector.broadcast %ne3A_36 : vector<1024x512xi1> to vector<1024x512xi1>
      %ne3A_38 = arith.xori %lt3A_33, %ne3A_37 : vector<1024x512xi1>
      %and3A_39 = arith.andi %ne3A_38, %ne3A_31 : vector<1024x512xi1>
      %add3A = vector.broadcast %select_n3A : i32 to vector<1024x512xi32>
      %add3A_40 = arith.addi %rem3A_29, %add3A : vector<1024x512xi32>
      %select_n3A_41 = arith.select %and3A_39, %add3A_40, %rem3A_29 : vector<1024x512xi1>, vector<1024x512xi32>
      %iota3A_42 = tpu.iota {dimensions = array<i32: 1>} : vector<1024x512xi32>
      %le3A_43 = arith.cmpi sle, %iota3A_42, %select_n3A_41 : vector<1024x512xi32>
      %jit3A_44 = arith.constant 0.000000e+00 : f32
      %jit3A_45 = arith.constant -1.000000e+30 : f32
      %broadcast_in_dim3A = vector.broadcast %jit3A_44 : f32 to vector<1024x512xf32>
      %broadcast_in_dim3A_46 = vector.broadcast %jit3A_45 : f32 to vector<1024x512xf32>
      %select_n3A_47 = arith.select %le3A_43, %broadcast_in_dim3A, %broadcast_in_dim3A_46 : vector<1024x512xi1>, vector<1024x512xf32>
      %swap3A = arith.constant 0 : index
      %swap3A_48 = arith.constant 0 : index
      %swap3A_49 = vector.load %arg13[%swap3A, %swap3A_48] : memref<1024x512xf32, #tpu.memory_space<vmem>>, vector<1024x512xf32>
      tpu.vector_store %arg13[%swap3A, %swap3A_48], %select_n3A_47 {strides = array<i32>} : memref<1024x512xf32, #tpu.memory_space<vmem>>, vector<1024x512xf32>,
    } else {
    }
    %eq3A_7 = arith.constant 0 : i32
    %eq3A_8 = arith.cmpi eq, %arg2, %eq3A_7 : i32
    %convert_element_type3A_9 = arith.extui %eq3A_8 : i1 to i32
    %cond3A_10 = arith.constant 0 : i32
    %cond3A_11 = arith.cmpi ne, %convert_element_type3A_9, %cond3A_10 : i32
    scf.if %cond3A_11 {
      %broadcast_in_dim3A = arith.constant -1.000000e+30 : f32
      %broadcast_in_dim3A_26 = vector.broadcast %broadcast_in_dim3A : f32 to vector<1024x128xf32>
      %swap3A = arith.constant 0 : index
      %swap3A_27 = arith.constant 0 : index
      %swap3A_28 = vector.load %arg9[%swap3A, %swap3A_27] : memref<1024x128xf32, #tpu.memory_space<vmem>>, vector<1024x128xf32>
      tpu.vector_store %arg9[%swap3A, %swap3A_27], %broadcast_in_dim3A_26 {strides = array<i32>} : memref<1024x128xf32, #tpu.memory_space<vmem>>, vector<1024x128xf32>,
      %broadcast_in_dim3A_29 = arith.constant 0.000000e+00 : f32
      %broadcast_in_dim3A_30 = vector.broadcast %broadcast_in_dim3A_29 : f32 to vector<1024x128xf32>
      %swap3A_31 = arith.constant 0 : index
      %swap3A_32 = arith.constant 0 : index
      %swap3A_33 = vector.load %arg10[%swap3A_31, %swap3A_32] : memref<1024x128xf32, #tpu.memory_space<vmem>>, vector<1024x128xf32>
      tpu.vector_store %arg10[%swap3A_31, %swap3A_32], %broadcast_in_dim3A_30 {strides = array<i32>} : memref<1024x128xf32, #tpu.memory_space<vmem>>, vector<1024x128xf32>,
      %broadcast_in_dim3A_34 = arith.constant 0.000000e+00 : f32
      %broadcast_in_dim3A_35 = vector.broadcast %broadcast_in_dim3A_34 : f32 to vector<1024x64xf32>
      %swap3A_36 = arith.constant 0 : index
      %swap3A_37 = arith.constant 0 : index
      %swap3A_38 = vector.load %arg11[%swap3A_36, %swap3A_37] : memref<1024x64xf32, #tpu.memory_space<vmem>>, vector<1024x64xf32>
      tpu.vector_store %arg11[%swap3A_36, %swap3A_37], %broadcast_in_dim3A_35 {strides = array<i32>} : memref<1024x64xf32, #tpu.memory_space<vmem>>, vector<1024x64xf32>,
    } else {
    }
    %le3A = arith.cmpi sle, %arg2, %arg0 : i32
    %convert_element_type3A_12 = arith.extui %le3A : i1 to i32
    %cond3A_13 = arith.constant 0 : i32
    %cond3A_14 = arith.cmpi ne, %convert_element_type3A_12, %cond3A_13 : i32
    scf.if %cond3A_14 {
      %get3A = arith.constant 0 : index
      %get3A_26 = arith.constant 0 : index
      %get3A_27 = arith.constant 0 : index
      %get3A_28 = vector.load %arg3[%get3A, %get3A_26, %get3A_27] : memref<2x512x64xbf16, #tpu.memory_space<vmem>>, vector<1x512x64xbf16>
      %get3A_29 = vector.shape_cast %get3A_28 : vector<1x512x64xbf16> to vector<512x64xbf16>
      %get3A_30 = arith.constant 1 : index
      %get3A_31 = arith.constant 0 : index
      %get3A_32 = arith.constant 0 : index
      %get3A_33 = vector.load %arg3[%get3A_30, %get3A_31, %get3A_32] : memref<2x512x64xbf16, #tpu.memory_space<vmem>>, vector<1x512x64xbf16>
      %get3A_34 = vector.shape_cast %get3A_33 : vector<1x512x64xbf16> to vector<512x64xbf16>
      %concatenate3A = tpu.concatenate %get3A_29, %get3A_34 in 0 : vector<512x64xbf16>, vector<512x64xbf16> -> vector<1024x64xbf16>
      %get3A_35 = arith.constant 0 : index
      %get3A_36 = arith.constant 0 : index
      %get3A_37 = arith.constant 0 : index
      %get3A_38 = vector.load %arg4[%get3A_35, %get3A_36, %get3A_37] : memref<1x512x64xbf16, #tpu.memory_space<vmem>>, vector<1x512x64xbf16>
      %get3A_39 = vector.shape_cast %get3A_38 : vector<1x512x64xbf16> to vector<512x64xbf16>
      %dot_general3A = arith.constant dense<0.000000e+00> : vector<1024x512xf32>
      %dot_general3A_40 = tpu.matmul %concatenate3A, %get3A_39, %dot_general3A {dimension_numbers = #tpu.dot_dimension_numbers<[1], [1], [0], [0], [0, 0, 1, 0], [], []>, transpose_lhs_hint = false} : vector<1024x64xbf16>, vector<512x64xbf16>, vector<1024x512xf32> -> vector<1024x512xf32>
      %mul3A = arith.constant 1.250000e-01 : f32
      %mul3A_41 = vector.broadcast %mul3A : f32 to vector<1024x512xf32>
      %mul3A_42 = arith.mulf %dot_general3A_40, %mul3A_41 : vector<1024x512xf32>
      %eq3A_43 = arith.cmpi eq, %arg2, %arg0 : i32
      %convert_element_type3A_44 = arith.extui %eq3A_43 : i1 to i32
      %cond3A_45 = arith.constant 0 : i32
      %cond3A_46 = arith.cmpi ne, %convert_element_type3A_44, %cond3A_45 : i32
      %cond3A_47 = scf.if %cond3A_46 -> (vector<1024x512xf32>) {
        %get3A_87 = arith.constant 0 : index
        %get3A_88 = arith.constant 0 : index
        %get3A_89 = vector.load %arg13[%get3A_87, %get3A_88] : memref<1024x512xf32, #tpu.memory_space<vmem>>, vector<1024x512xf32>
        %add3A_90 = arith.addf %mul3A_42, %get3A_89 : vector<1024x512xf32>
        scf.yield %add3A_90 : vector<1024x512xf32>
      } else {
        scf.yield %mul3A_42 : vector<1024x512xf32>
      }
      %get3A_48 = arith.constant 0 : index
      %get3A_49 = arith.constant 0 : index
      %get3A_50 = vector.load %arg9[%get3A_48, %get3A_49] : memref<1024x128xf32, #tpu.memory_space<vmem>>, vector<1024x1xf32>
      %reduce_max3A = arith.constant dense<0xFF800000> : vector<1024xf32>
      %reduce_max3A_51 = vector.multi_reduction <maximumf>, %cond3A_47, %reduce_max3A [1] : vector<1024x512xf32> to vector<1024xf32>
      %broadcast_in_dim3A = vector.shape_cast %reduce_max3A_51 : vector<1024xf32> to vector<1024x1xf32>
      %max3A = arith.maximumf %get3A_50, %broadcast_in_dim3A : vector<1024x1xf32>
      %sub3A = vector.broadcast %max3A : vector<1024x1xf32> to vector<1024x512xf32>
      %sub3A_52 = arith.subf %cond3A_47, %sub3A : vector<1024x512xf32>
      %exp3A = math.exp %sub3A_52 : vector<1024x512xf32>
      %sub3A_53 = arith.subf %get3A_50, %max3A : vector<1024x1xf32>
      %exp3A_54 = math.exp %sub3A_53 : vector<1024x1xf32>
      %get3A_55 = arith.constant 0 : index
      %get3A_56 = arith.constant 0 : index
      %get3A_57 = vector.load %arg10[%get3A_55, %get3A_56] : memref<1024x128xf32, #tpu.memory_space<vmem>>, vector<1024x1xf32>
      %mul3A_58 = arith.mulf %get3A_57, %exp3A_54 : vector<1024x1xf32>
      %reduce_sum3A = arith.constant dense<0.000000e+00> : vector<1024xf32>
      %reduce_sum3A_59 = vector.multi_reduction <add>, %exp3A, %reduce_sum3A [1] : vector<1024x512xf32> to vector<1024xf32>
      %broadcast_in_dim3A_60 = vector.shape_cast %reduce_sum3A_59 : vector<1024xf32> to vector<1024x1xf32>
      %add3A = arith.addf %mul3A_58, %broadcast_in_dim3A_60 : vector<1024x1xf32>
      %broadcast_in_dim3A_61 = vector.shape_cast %max3A : vector<1024x1xf32> to vector<1024x1xf32>
      %broadcast_in_dim3A_62 = vector.broadcast %broadcast_in_dim3A_61 : vector<1024x1xf32> to vector<1024x128xf32>
      %swap3A = arith.constant 0 : index
      %swap3A_63 = arith.constant 0 : index
      %swap3A_64 = vector.load %arg9[%swap3A, %swap3A_63] : memref<1024x128xf32, #tpu.memory_space<vmem>>, vector<1024x128xf32>
      tpu.vector_store %arg9[%swap3A, %swap3A_63], %broadcast_in_dim3A_62 {strides = array<i32>} : memref<1024x128xf32, #tpu.memory_space<vmem>>, vector<1024x128xf32>,
      %broadcast_in_dim3A_65 = vector.shape_cast %add3A : vector<1024x1xf32> to vector<1024x1xf32>
      %broadcast_in_dim3A_66 = vector.broadcast %broadcast_in_dim3A_65 : vector<1024x1xf32> to vector<1024x128xf32>
      %swap3A_67 = arith.constant 0 : index
      %swap3A_68 = arith.constant 0 : index
      %swap3A_69 = vector.load %arg10[%swap3A_67, %swap3A_68] : memref<1024x128xf32, #tpu.memory_space<vmem>>, vector<1024x128xf32>
      tpu.vector_store %arg10[%swap3A_67, %swap3A_68], %broadcast_in_dim3A_66 {strides = array<i32>} : memref<1024x128xf32, #tpu.memory_space<vmem>>, vector<1024x128xf32>,
      %convert_element_type3A_70 = arith.truncf %exp3A : vector<1024x512xf32> to vector<1024x512xbf16>
      %get3A_71 = arith.constant 0 : index
      %get3A_72 = arith.constant 0 : index
      %get3A_73 = arith.constant 0 : index
      %get3A_74 = vector.load %arg5[%get3A_71, %get3A_72, %get3A_73] : memref<1x512x64xbf16, #tpu.memory_space<vmem>>, vector<1x512x64xbf16>
      %get3A_75 = vector.shape_cast %get3A_74 : vector<1x512x64xbf16> to vector<512x64xbf16>
      %dot_general3A_76 = arith.constant dense<0.000000e+00> : vector<1024x64xf32>
      %dot_general3A_77 = tpu.matmul %convert_element_type3A_70, %get3A_75, %dot_general3A_76 {dimension_numbers = #tpu.dot_dimension_numbers<[1], [0], [0], [1], [0, 0, 1, 1], [], []>, transpose_lhs_hint = false} : vector<1024x512xbf16>, vector<512x64xbf16>, vector<1024x64xf32> -> vector<1024x64xf32>
      %get3A_78 = arith.constant 0 : index
      %get3A_79 = arith.constant 0 : index
      %get3A_80 = vector.load %arg11[%get3A_78, %get3A_79] : memref<1024x64xf32, #tpu.memory_space<vmem>>, vector<1024x64xf32>
      %mul3A_81 = vector.broadcast %exp3A_54 : vector<1024x1xf32> to vector<1024x64xf32>
      %mul3A_82 = arith.mulf %get3A_80, %mul3A_81 : vector<1024x64xf32>
      %add3A_83 = arith.addf %mul3A_82, %dot_general3A_77 : vector<1024x64xf32>
      %swap3A_84 = arith.constant 0 : index
      %swap3A_85 = arith.constant 0 : index
      %swap3A_86 = vector.load %arg11[%swap3A_84, %swap3A_85] : memref<1024x64xf32, #tpu.memory_space<vmem>>, vector<1024x64xf32>
      tpu.vector_store %arg11[%swap3A_84, %swap3A_85], %add3A_83 {strides = array<i32>} : memref<1024x64xf32, #tpu.memory_space<vmem>>, vector<1024x64xf32>,
    } else {
    }
    %eq3A_15 = arith.cmpi eq, %arg2, %arg0 : i32
    %convert_element_type3A_16 = arith.extui %eq3A_15 : i1 to i32
    %cond3A_17 = arith.constant 0 : i32
    %cond3A_18 = arith.cmpi ne, %convert_element_type3A_16, %cond3A_17 : i32
    scf.if %cond3A_18 {
      %get3A = arith.constant 0 : index
      %get3A_26 = arith.constant 0 : index
      %get3A_27 = vector.load %arg11[%get3A, %get3A_26] : memref<1024x64xf32, #tpu.memory_space<vmem>>, vector<1024x64xf32>
      %get3A_28 = arith.constant 0 : index
      %get3A_29 = arith.constant 0 : index
      %get3A_30 = vector.load %arg10[%get3A_28, %get3A_29] : memref<1024x128xf32, #tpu.memory_space<vmem>>, vector<1024x1xf32>
      %div3A = vector.broadcast %get3A_30 : vector<1024x1xf32> to vector<1024x64xf32>
      %div3A_31 = arith.divf %get3A_27, %div3A : vector<1024x64xf32>
      %slice3A = vector.extract_strided_slice %div3A_31 {offsets = [0, 0], sizes = [512, 64], strides = [1, 1]} : vector<1024x64xf32> to vector<512x64xf32>
      %slice3A_32 = vector.extract_strided_slice %div3A_31 {offsets = [512, 0], sizes = [512, 64], strides = [1, 1]} : vector<1024x64xf32> to vector<512x64xf32>
      %concatenate3A = tpu.concatenate %slice3A, %slice3A_32 in 1 : vector<512x64xf32>, vector<512x64xf32> -> vector<512x128xf32>
      %convert_element_type3A_33 = arith.truncf %concatenate3A : vector<512x128xf32> to vector<512x128xbf16>
      %mul3A = arith.constant 2 : i32
      %mul3A_34 = arith.muli %arg1, %mul3A : i32
      %mul3A_35 = arith.constant 64 : i32
      %mul3A_36 = arith.muli %mul3A_34, %mul3A_35 : i32
      %swap3A = arith.constant 0 : index
      %swap3A_37 = arith.index_cast %mul3A_36 : i32 to index
      %swap3A_38 = vector.load %arg12[%swap3A, %swap3A_37] : memref<512x1024xbf16, #tpu.memory_space<vmem>>, vector<512x128xbf16>
      tpu.vector_store %arg12[%swap3A, %swap3A_37], %convert_element_type3A_33 {strides = array<i32>} : memref<512x1024xbf16, #tpu.memory_space<vmem>>, vector<512x128xbf16>,
    } else {
    }
    %eq3A_19 = arith.constant 7 : i32
    %eq3A_20 = arith.cmpi eq, %arg1, %eq3A_19 : i32
    %eq3A_21 = arith.cmpi eq, %arg2, %arg0 : i32
    %and3A_22 = arith.andi %eq3A_20, %eq3A_21 : i1
    %convert_element_type3A_23 = arith.extui %and3A_22 : i1 to i32
    %cond3A_24 = arith.constant 0 : i32
    %cond3A_25 = arith.cmpi ne, %convert_element_type3A_23, %cond3A_24 : i32
    scf.if %cond3A_25 {
      %get3A = arith.constant 0 : index
      %get3A_26 = arith.constant 0 : index
      %get3A_27 = vector.load %arg7[%get3A, %get3A_26] : memref<512x1024xf32, #tpu.memory_space<vmem>>, vector<512x1024xf32>
      %get3A_28 = arith.constant 0 : index
      %get3A_29 = arith.constant 0 : index
      %get3A_30 = vector.load %arg12[%get3A_28, %get3A_29] : memref<512x1024xbf16, #tpu.memory_space<vmem>>, vector<512x1024xbf16>
      %get3A_31 = arith.constant 0 : index
      %get3A_32 = arith.constant 0 : index
      %get3A_33 = vector.load %arg6[%get3A_31, %get3A_32] : memref<1024x1024xbf16, #tpu.memory_space<vmem>>, vector<1024x1024xbf16>
      %dot_general3A = arith.constant dense<0.000000e+00> : vector<512x1024xf32>
      %dot_general3A_34 = tpu.matmul %get3A_30, %get3A_33, %dot_general3A {dimension_numbers = #tpu.dot_dimension_numbers<[1], [0], [0], [1], [0, 0, 1, 1], [], []>, transpose_lhs_hint = false} : vector<512x1024xbf16>, vector<1024x1024xbf16>, vector<512x1024xf32> -> vector<512x1024xf32>
      %add3A = arith.addf %get3A_27, %dot_general3A_34 : vector<512x1024xf32>
      %swap3A = arith.constant 0 : index
      %swap3A_35 = arith.constant 0 : index
      %swap3A_36 = vector.load %arg8[%swap3A, %swap3A_35] : memref<512x1024xf32, #tpu.memory_space<vmem>>, vector<512x1024xf32>
      tpu.vector_store %arg8[%swap3A, %swap3A_35], %add3A {strides = array<i32>} : memref<512x1024xf32, #tpu.memory_space<vmem>>, vector<512x1024xf32>,
    } else {
    }
    return
  }
  func.func @transform_0(%arg0: i32, %arg1: i32, %arg2: i32) -> (i32, i32, i32) {
    %c0_i32 = arith.constant 0 : i32
    %c0_i32_0 = arith.constant 0 : i32
    return %arg1, %arg0, %c0_i32 : i32, i32, i32
  }
  func.func @transform_1(%arg0: i32, %arg1: i32, %arg2: i32) -> (i32, i32, i32) {
    %c0_i32 = arith.constant 0 : i32
    %c0_i32_0 = arith.constant 0 : i32
    return %arg1, %arg2, %c0_i32 : i32, i32, i32
  }
  func.func @transform_2(%arg0: i32, %arg1: i32, %arg2: i32) -> (i32, i32, i32) {
    %c0_i32 = arith.constant 0 : i32
    %c0_i32_0 = arith.constant 0 : i32
    return %arg1, %arg2, %c0_i32 : i32, i32, i32
  }
  func.func @transform_3(%arg0: i32, %arg1: i32, %arg2: i32) -> (i32, i32) {
    %c0_i32 = arith.constant 0 : i32
    %c0_i32_0 = arith.constant 0 : i32
    %c0_i32_1 = arith.constant 0 : i32
    return %c0_i32, %c0_i32_0 : i32, i32
  }
  func.func @transform_4(%arg0: i32, %arg1: i32, %arg2: i32) -> (i32, i32) {
    %c0_i32 = arith.constant 0 : i32
    %c0_i32_0 = arith.constant 0 : i32
    return %arg0, %c0_i32 : i32, i32
  }
  func.func @transform_5(%arg0: i32, %arg1: i32, %arg2: i32) -> (i32, i32) {
    %c0_i32 = arith.constant 0 : i32
    %c0_i32_0 = arith.constant 0 : i32
    return %arg0, %c0_i32 : i32, i32
  }
}

module attributes {stable_mosaic.version = 14 : i64} {
  func.func @_router_kernel(%arg0: memref<2048x1024xf32, #tpu.memory_space<vmem>>, %arg1: memref<1x1024xf32, #tpu.memory_space<vmem>>, %arg2: memref<1024x16xf32, #tpu.memory_space<vmem>>, %arg3: memref<2048x1024xbf16, #tpu.memory_space<vmem>>, %arg4: memref<4096x1xi32, #tpu.memory_space<vmem>>, %arg5: memref<2048x1xf32, #tpu.memory_space<vmem>>, %arg6: memref<2048x1xf32, #tpu.memory_space<vmem>>, %arg7: memref<1x64xi32, #tpu.memory_space<vmem>>, %arg8: memref<1x128xf32, #tpu.memory_space<vmem>>) attributes {dimension_semantics = [], scalar_prefetch = 0 : i64, scratch_operands = 0 : i64, tpu.core_type = #tpu.core_type<tc>} {
    %get3A = arith.constant 0 : index
    %get3A_0 = arith.constant 0 : index
    %get3A_1 = vector.load %arg0[%get3A, %get3A_0] : memref<2048x1024xf32, #tpu.memory_space<vmem>>, vector<2048x1024xf32>
    %mul3A = arith.mulf %get3A_1, %get3A_1 : vector<2048x1024xf32>
    %reduce_sum3A = arith.constant dense<0.000000e+00> : vector<2048xf32>
    %reduce_sum3A_2 = vector.multi_reduction <add>, %mul3A, %reduce_sum3A [1] : vector<2048x1024xf32> to vector<2048xf32>
    %broadcast_in_dim3A = vector.shape_cast %reduce_sum3A_2 : vector<2048xf32> to vector<2048x1xf32>
    %div3A = arith.constant 1.024000e+03 : f32
    %div3A_3 = vector.broadcast %div3A : f32 to vector<2048x1xf32>
    %div3A_4 = arith.divf %broadcast_in_dim3A, %div3A_3 : vector<2048x1xf32>
    %add3A = arith.constant 9.99999997E-7 : f32
    %add3A_5 = vector.broadcast %add3A : f32 to vector<2048x1xf32>
    %add3A_6 = arith.addf %div3A_4, %add3A_5 : vector<2048x1xf32>
    %rsqrt3A = math.rsqrt %add3A_6 : vector<2048x1xf32>
    %mul3A_7 = vector.broadcast %rsqrt3A : vector<2048x1xf32> to vector<2048x1024xf32>
    %mul3A_8 = arith.mulf %get3A_1, %mul3A_7 : vector<2048x1024xf32>
    %get3A_9 = arith.constant 0 : index
    %get3A_10 = arith.constant 0 : index
    %get3A_11 = vector.load %arg1[%get3A_9, %get3A_10] : memref<1x1024xf32, #tpu.memory_space<vmem>>, vector<1x1024xf32>
    %mul3A_12 = vector.broadcast %get3A_11 : vector<1x1024xf32> to vector<2048x1024xf32>
    %mul3A_13 = arith.mulf %mul3A_8, %mul3A_12 : vector<2048x1024xf32>
    %convert_element_type3A = arith.truncf %mul3A_13 : vector<2048x1024xf32> to vector<2048x1024xbf16>
    %swap3A = arith.constant 0 : index
    %swap3A_14 = arith.constant 0 : index
    %swap3A_15 = vector.load %arg3[%swap3A, %swap3A_14] : memref<2048x1024xbf16, #tpu.memory_space<vmem>>, vector<2048x1024xbf16>
    tpu.vector_store %arg3[%swap3A, %swap3A_14], %convert_element_type3A {strides = array<i32>} : memref<2048x1024xbf16, #tpu.memory_space<vmem>>, vector<2048x1024xbf16>,
    %get3A_16 = arith.constant 0 : index
    %get3A_17 = arith.constant 0 : index
    %get3A_18 = vector.load %arg2[%get3A_16, %get3A_17] : memref<1024x16xf32, #tpu.memory_space<vmem>>, vector<1024x16xf32>
    %dot_general3A = arith.constant dense<0.000000e+00> : vector<2048x16xf32>
    %dot_general3A_19 = tpu.matmul %mul3A_13, %get3A_18, %dot_general3A {dimension_numbers = #tpu.dot_dimension_numbers<[1], [0], [0], [1], [0, 0, 1, 1], [], []>, precision = #tpu.contract_precision<fp32>, transpose_lhs_hint = false} : vector<2048x1024xf32>, vector<1024x16xf32>, vector<2048x16xf32> -> vector<2048x16xf32>
    %iota3A = tpu.iota {dimensions = array<i32: 1>} : vector<2048x16xi32>
    %lt3A = arith.constant 8 : i32
    %lt3A_20 = vector.broadcast %lt3A : i32 to vector<2048x16xi32>
    %lt3A_21 = arith.cmpi slt, %iota3A, %lt3A_20 : vector<2048x16xi32>
    %jit3A = arith.constant 0xFF800000 : f32
    %broadcast_in_dim3A_22 = vector.broadcast %jit3A : f32 to vector<2048x16xf32>
    %select_n3A = arith.select %lt3A_21, %dot_general3A_19, %broadcast_in_dim3A_22 : vector<2048x16xi1>, vector<2048x16xf32>
    %reduce_max3A = arith.constant dense<0xFF800000> : vector<2048xf32>
    %reduce_max3A_23 = vector.multi_reduction <maximumf>, %select_n3A, %reduce_max3A [1] : vector<2048x16xf32> to vector<2048xf32>
    %broadcast_in_dim3A_24 = vector.shape_cast %reduce_max3A_23 : vector<2048xf32> to vector<2048x1xf32>
    %sub3A = vector.broadcast %broadcast_in_dim3A_24 : vector<2048x1xf32> to vector<2048x16xf32>
    %sub3A_25 = arith.subf %select_n3A, %sub3A : vector<2048x16xf32>
    %exp3A = math.exp %sub3A_25 : vector<2048x16xf32>
    %reduce_sum3A_26 = arith.constant dense<0.000000e+00> : vector<2048xf32>
    %reduce_sum3A_27 = vector.multi_reduction <add>, %exp3A, %reduce_sum3A_26 [1] : vector<2048x16xf32> to vector<2048xf32>
    %broadcast_in_dim3A_28 = vector.shape_cast %reduce_sum3A_27 : vector<2048xf32> to vector<2048x1xf32>
    %div3A_29 = vector.broadcast %broadcast_in_dim3A_28 : vector<2048x1xf32> to vector<2048x16xf32>
    %div3A_30 = arith.divf %exp3A, %div3A_29 : vector<2048x16xf32>
    %reduce_max3A_31 = arith.constant dense<0xFF800000> : vector<2048xf32>
    %reduce_max3A_32 = vector.multi_reduction <maximumf>, %div3A_30, %reduce_max3A_31 [1] : vector<2048x16xf32> to vector<2048xf32>
    %broadcast_in_dim3A_33 = vector.shape_cast %reduce_max3A_32 : vector<2048xf32> to vector<2048x1xf32>
    %eq3A = vector.broadcast %broadcast_in_dim3A_33 : vector<2048x1xf32> to vector<2048x16xf32>
    %eq3A_34 = arith.cmpf oeq, %div3A_30, %eq3A : vector<2048x16xf32>
    %jit3A_35 = arith.constant 16 : i32
    %broadcast_in_dim3A_36 = vector.broadcast %jit3A_35 : i32 to vector<2048x16xi32>
    %select_n3A_37 = arith.select %eq3A_34, %iota3A, %broadcast_in_dim3A_36 : vector<2048x16xi1>, vector<2048x16xi32>
    %reduce_min3A = arith.constant dense<2147483647> : vector<2048xi32>
    %reduce_min3A_38 = vector.multi_reduction <minsi>, %select_n3A_37, %reduce_min3A [1] : vector<2048x16xi32> to vector<2048xi32>
    %broadcast_in_dim3A_39 = vector.shape_cast %reduce_min3A_38 : vector<2048xi32> to vector<2048x1xi32>
    %eq3A_40 = vector.broadcast %broadcast_in_dim3A_39 : vector<2048x1xi32> to vector<2048x16xi32>
    %eq3A_41 = arith.cmpi eq, %iota3A, %eq3A_40 : vector<2048x16xi32>
    %jit3A_42 = arith.constant 0xFF800000 : f32
    %broadcast_in_dim3A_43 = vector.broadcast %jit3A_42 : f32 to vector<2048x16xf32>
    %select_n3A_44 = arith.select %eq3A_41, %broadcast_in_dim3A_43, %div3A_30 : vector<2048x16xi1>, vector<2048x16xf32>
    %reduce_max3A_45 = arith.constant dense<0xFF800000> : vector<2048xf32>
    %reduce_max3A_46 = vector.multi_reduction <maximumf>, %select_n3A_44, %reduce_max3A_45 [1] : vector<2048x16xf32> to vector<2048xf32>
    %broadcast_in_dim3A_47 = vector.shape_cast %reduce_max3A_46 : vector<2048xf32> to vector<2048x1xf32>
    %eq3A_48 = vector.broadcast %broadcast_in_dim3A_47 : vector<2048x1xf32> to vector<2048x16xf32>
    %eq3A_49 = arith.cmpf oeq, %select_n3A_44, %eq3A_48 : vector<2048x16xf32>
    %jit3A_50 = arith.constant 16 : i32
    %broadcast_in_dim3A_51 = vector.broadcast %jit3A_50 : i32 to vector<2048x16xi32>
    %select_n3A_52 = arith.select %eq3A_49, %iota3A, %broadcast_in_dim3A_51 : vector<2048x16xi1>, vector<2048x16xi32>
    %reduce_min3A_53 = arith.constant dense<2147483647> : vector<2048xi32>
    %reduce_min3A_54 = vector.multi_reduction <minsi>, %select_n3A_52, %reduce_min3A_53 [1] : vector<2048x16xi32> to vector<2048xi32>
    %broadcast_in_dim3A_55 = vector.shape_cast %reduce_min3A_54 : vector<2048xi32> to vector<2048x1xi32>
    %eq3A_56 = vector.broadcast %broadcast_in_dim3A_55 : vector<2048x1xi32> to vector<2048x16xi32>
    %eq3A_57 = arith.cmpi eq, %iota3A, %eq3A_56 : vector<2048x16xi32>
    %swap3A_58 = arith.constant 0 : index
    %swap3A_59 = arith.constant 0 : index
    %swap3A_60 = vector.load %arg5[%swap3A_58, %swap3A_59] : memref<2048x1xf32, #tpu.memory_space<vmem>>, vector<2048x1xf32>
    tpu.vector_store %arg5[%swap3A_58, %swap3A_59], %broadcast_in_dim3A_33 {strides = array<i32>} : memref<2048x1xf32, #tpu.memory_space<vmem>>, vector<2048x1xf32>,
    %swap3A_61 = arith.constant 0 : index
    %swap3A_62 = arith.constant 0 : index
    %swap3A_63 = vector.load %arg6[%swap3A_61, %swap3A_62] : memref<2048x1xf32, #tpu.memory_space<vmem>>, vector<2048x1xf32>
    tpu.vector_store %arg6[%swap3A_61, %swap3A_62], %broadcast_in_dim3A_47 {strides = array<i32>} : memref<2048x1xf32, #tpu.memory_space<vmem>>, vector<2048x1xf32>,
    %or3A = arith.ori %eq3A_41, %eq3A_57 : vector<2048x16xi1>
    %jit3A_64 = arith.constant 1.000000e+00 : f32
    %jit3A_65 = arith.constant 0.000000e+00 : f32
    %broadcast_in_dim3A_66 = vector.broadcast %jit3A_64 : f32 to vector<2048x16xf32>
    %broadcast_in_dim3A_67 = vector.broadcast %jit3A_65 : f32 to vector<2048x16xf32>
    %select_n3A_68 = arith.select %or3A, %broadcast_in_dim3A_66, %broadcast_in_dim3A_67 : vector<2048x16xi1>, vector<2048x16xf32>
    %reduce_sum3A_69 = arith.constant dense<0.000000e+00> : vector<16xf32>
    %reduce_sum3A_70 = vector.multi_reduction <add>, %select_n3A_68, %reduce_sum3A_69 [0] : vector<2048x16xf32> to vector<16xf32>
    %broadcast_in_dim3A_71 = vector.shape_cast %reduce_sum3A_70 : vector<16xf32> to vector<1x16xf32>
    %reduce_sum3A_72 = arith.constant dense<0.000000e+00> : vector<16xf32>
    %reduce_sum3A_73 = vector.multi_reduction <add>, %div3A_30, %reduce_sum3A_72 [0] : vector<2048x16xf32> to vector<16xf32>
    %broadcast_in_dim3A_74 = vector.shape_cast %reduce_sum3A_73 : vector<16xf32> to vector<1x16xf32>
    %div3A_75 = arith.constant 2.048000e+03 : f32
    %div3A_76 = vector.broadcast %div3A_75 : f32 to vector<1x16xf32>
    %div3A_77 = arith.divf %broadcast_in_dim3A_74, %div3A_76 : vector<1x16xf32>
    %mul3A_78 = arith.mulf %div3A_77, %broadcast_in_dim3A_71 : vector<1x16xf32>
    %reduce_sum3A_79 = vector.shape_cast %mul3A_78 : vector<1x16xf32> to vector<1x1x16xf32>
    %reduce_sum3A_80 = arith.constant dense<0.000000e+00> : vector<1xf32>
    %reduce_sum3A_81 = vector.multi_reduction <add>, %reduce_sum3A_79, %reduce_sum3A_80 [1, 2] : vector<1x1x16xf32> to vector<1xf32>
    %reduce_sum3A_82 = vector.shape_cast %reduce_sum3A_81 : vector<1xf32> to vector<1x1x1xf32>
    %reduce_sum3A_83 = vector.extract %reduce_sum3A_82[0, 0, 0] : f32 from vector<1x1x1xf32>
    %mul3A_84 = arith.constant 0.001953125 : f32
    %mul3A_85 = arith.mulf %reduce_sum3A_83, %mul3A_84 : f32
    %broadcast_in_dim3A_86 = vector.broadcast %mul3A_85 : f32 to vector<1x128xf32>
    %swap3A_87 = arith.constant 0 : index
    %swap3A_88 = arith.constant 0 : index
    %swap3A_89 = vector.load %arg8[%swap3A_87, %swap3A_88] : memref<1x128xf32, #tpu.memory_space<vmem>>, vector<1x128xf32>
    tpu.vector_store %arg8[%swap3A_87, %swap3A_88], %broadcast_in_dim3A_86 {strides = array<i32>} : memref<1x128xf32, #tpu.memory_space<vmem>>, vector<1x128xf32>,
    %jit3A_90 = arith.constant 1.000000e+00 : f32
    %jit3A_91 = arith.constant 0.000000e+00 : f32
    %broadcast_in_dim3A_92 = vector.broadcast %jit3A_90 : f32 to vector<2048x16xf32>
    %broadcast_in_dim3A_93 = vector.broadcast %jit3A_91 : f32 to vector<2048x16xf32>
    %select_n3A_94 = arith.select %eq3A_41, %broadcast_in_dim3A_92, %broadcast_in_dim3A_93 : vector<2048x16xi1>, vector<2048x16xf32>
    %jit3A_95 = arith.constant 1.000000e+00 : f32
    %jit3A_96 = arith.constant 0.000000e+00 : f32
    %broadcast_in_dim3A_97 = vector.broadcast %jit3A_95 : f32 to vector<2048x16xf32>
    %broadcast_in_dim3A_98 = vector.broadcast %jit3A_96 : f32 to vector<2048x16xf32>
    %select_n3A_99 = arith.select %eq3A_57, %broadcast_in_dim3A_97, %broadcast_in_dim3A_98 : vector<2048x16xi1>, vector<2048x16xf32>
    %concatenate3A = tpu.concatenate %select_n3A_94, %select_n3A_99 in 0 : vector<2048x16xf32>, vector<2048x16xf32> -> vector<4096x16xf32>
    %iota3A_100 = tpu.iota {dimensions = array<i32: 0>} : vector<512x512xi32>
    %iota3A_101 = tpu.iota {dimensions = array<i32: 1>} : vector<512x512xi32>
    %lt3A_102 = arith.cmpi slt, %iota3A_101, %iota3A_100 : vector<512x512xi32>
    %jit3A_103 = arith.constant 1.000000e+00 : f32
    %jit3A_104 = arith.constant 0.000000e+00 : f32
    %broadcast_in_dim3A_105 = vector.broadcast %jit3A_103 : f32 to vector<512x512xf32>
    %broadcast_in_dim3A_106 = vector.broadcast %jit3A_104 : f32 to vector<512x512xf32>
    %select_n3A_107 = arith.select %lt3A_102, %broadcast_in_dim3A_105, %broadcast_in_dim3A_106 : vector<512x512xi1>, vector<512x512xf32>
    %broadcast_in_dim3A_108 = arith.constant 0.000000e+00 : f32
    %broadcast_in_dim3A_109 = vector.broadcast %broadcast_in_dim3A_108 : f32 to vector<1x16xf32>
    %slice3A = vector.extract_strided_slice %concatenate3A {offsets = [0, 0], sizes = [512, 16], strides = [1, 1]} : vector<4096x16xf32> to vector<512x16xf32>
    %dot_general3A_110 = arith.constant dense<0.000000e+00> : vector<512x16xf32>
    %dot_general3A_111 = tpu.matmul %select_n3A_107, %slice3A, %dot_general3A_110 {dimension_numbers = #tpu.dot_dimension_numbers<[1], [0], [0], [1], [0, 0, 1, 1], [], []>, transpose_lhs_hint = false} : vector<512x512xf32>, vector<512x16xf32>, vector<512x16xf32> -> vector<512x16xf32>
    %add3A_112 = vector.broadcast %broadcast_in_dim3A_109 : vector<1x16xf32> to vector<512x16xf32>
    %add3A_113 = arith.addf %dot_general3A_111, %add3A_112 : vector<512x16xf32>
    %mul3A_114 = arith.mulf %add3A_113, %slice3A : vector<512x16xf32>
    %reduce_sum3A_115 = arith.constant dense<0.000000e+00> : vector<512xf32>
    %reduce_sum3A_116 = vector.multi_reduction <add>, %mul3A_114, %reduce_sum3A_115 [1] : vector<512x16xf32> to vector<512xf32>
    %broadcast_in_dim3A_117 = vector.shape_cast %reduce_sum3A_116 : vector<512xf32> to vector<512x1xf32>
    %reduce_sum3A_118 = arith.constant dense<0.000000e+00> : vector<16xf32>
    %reduce_sum3A_119 = vector.multi_reduction <add>, %slice3A, %reduce_sum3A_118 [0] : vector<512x16xf32> to vector<16xf32>
    %broadcast_in_dim3A_120 = vector.shape_cast %reduce_sum3A_119 : vector<16xf32> to vector<1x16xf32>
    %add3A_121 = arith.addf %broadcast_in_dim3A_109, %broadcast_in_dim3A_120 : vector<1x16xf32>
    %slice3A_122 = vector.extract_strided_slice %concatenate3A {offsets = [512, 0], sizes = [512, 16], strides = [1, 1]} : vector<4096x16xf32> to vector<512x16xf32>
    %dot_general3A_123 = arith.constant dense<0.000000e+00> : vector<512x16xf32>
    %dot_general3A_124 = tpu.matmul %select_n3A_107, %slice3A_122, %dot_general3A_123 {dimension_numbers = #tpu.dot_dimension_numbers<[1], [0], [0], [1], [0, 0, 1, 1], [], []>, transpose_lhs_hint = false} : vector<512x512xf32>, vector<512x16xf32>, vector<512x16xf32> -> vector<512x16xf32>
    %add3A_125 = vector.broadcast %add3A_121 : vector<1x16xf32> to vector<512x16xf32>
    %add3A_126 = arith.addf %dot_general3A_124, %add3A_125 : vector<512x16xf32>
    %mul3A_127 = arith.mulf %add3A_126, %slice3A_122 : vector<512x16xf32>
    %reduce_sum3A_128 = arith.constant dense<0.000000e+00> : vector<512xf32>
    %reduce_sum3A_129 = vector.multi_reduction <add>, %mul3A_127, %reduce_sum3A_128 [1] : vector<512x16xf32> to vector<512xf32>
    %broadcast_in_dim3A_130 = vector.shape_cast %reduce_sum3A_129 : vector<512xf32> to vector<512x1xf32>
    %reduce_sum3A_131 = arith.constant dense<0.000000e+00> : vector<16xf32>
    %reduce_sum3A_132 = vector.multi_reduction <add>, %slice3A_122, %reduce_sum3A_131 [0] : vector<512x16xf32> to vector<16xf32>
    %broadcast_in_dim3A_133 = vector.shape_cast %reduce_sum3A_132 : vector<16xf32> to vector<1x16xf32>
    %add3A_134 = arith.addf %add3A_121, %broadcast_in_dim3A_133 : vector<1x16xf32>
    %slice3A_135 = vector.extract_strided_slice %concatenate3A {offsets = [1024, 0], sizes = [512, 16], strides = [1, 1]} : vector<4096x16xf32> to vector<512x16xf32>
    %dot_general3A_136 = arith.constant dense<0.000000e+00> : vector<512x16xf32>
    %dot_general3A_137 = tpu.matmul %select_n3A_107, %slice3A_135, %dot_general3A_136 {dimension_numbers = #tpu.dot_dimension_numbers<[1], [0], [0], [1], [0, 0, 1, 1], [], []>, transpose_lhs_hint = false} : vector<512x512xf32>, vector<512x16xf32>, vector<512x16xf32> -> vector<512x16xf32>
    %add3A_138 = vector.broadcast %add3A_134 : vector<1x16xf32> to vector<512x16xf32>
    %add3A_139 = arith.addf %dot_general3A_137, %add3A_138 : vector<512x16xf32>
    %mul3A_140 = arith.mulf %add3A_139, %slice3A_135 : vector<512x16xf32>
    %reduce_sum3A_141 = arith.constant dense<0.000000e+00> : vector<512xf32>
    %reduce_sum3A_142 = vector.multi_reduction <add>, %mul3A_140, %reduce_sum3A_141 [1] : vector<512x16xf32> to vector<512xf32>
    %broadcast_in_dim3A_143 = vector.shape_cast %reduce_sum3A_142 : vector<512xf32> to vector<512x1xf32>
    %reduce_sum3A_144 = arith.constant dense<0.000000e+00> : vector<16xf32>
    %reduce_sum3A_145 = vector.multi_reduction <add>, %slice3A_135, %reduce_sum3A_144 [0] : vector<512x16xf32> to vector<16xf32>
    %broadcast_in_dim3A_146 = vector.shape_cast %reduce_sum3A_145 : vector<16xf32> to vector<1x16xf32>
    %add3A_147 = arith.addf %add3A_134, %broadcast_in_dim3A_146 : vector<1x16xf32>
    %slice3A_148 = vector.extract_strided_slice %concatenate3A {offsets = [1536, 0], sizes = [512, 16], strides = [1, 1]} : vector<4096x16xf32> to vector<512x16xf32>
    %dot_general3A_149 = arith.constant dense<0.000000e+00> : vector<512x16xf32>
    %dot_general3A_150 = tpu.matmul %select_n3A_107, %slice3A_148, %dot_general3A_149 {dimension_numbers = #tpu.dot_dimension_numbers<[1], [0], [0], [1], [0, 0, 1, 1], [], []>, transpose_lhs_hint = false} : vector<512x512xf32>, vector<512x16xf32>, vector<512x16xf32> -> vector<512x16xf32>
    %add3A_151 = vector.broadcast %add3A_147 : vector<1x16xf32> to vector<512x16xf32>
    %add3A_152 = arith.addf %dot_general3A_150, %add3A_151 : vector<512x16xf32>
    %mul3A_153 = arith.mulf %add3A_152, %slice3A_148 : vector<512x16xf32>
    %reduce_sum3A_154 = arith.constant dense<0.000000e+00> : vector<512xf32>
    %reduce_sum3A_155 = vector.multi_reduction <add>, %mul3A_153, %reduce_sum3A_154 [1] : vector<512x16xf32> to vector<512xf32>
    %broadcast_in_dim3A_156 = vector.shape_cast %reduce_sum3A_155 : vector<512xf32> to vector<512x1xf32>
    %reduce_sum3A_157 = arith.constant dense<0.000000e+00> : vector<16xf32>
    %reduce_sum3A_158 = vector.multi_reduction <add>, %slice3A_148, %reduce_sum3A_157 [0] : vector<512x16xf32> to vector<16xf32>
    %broadcast_in_dim3A_159 = vector.shape_cast %reduce_sum3A_158 : vector<16xf32> to vector<1x16xf32>
    %add3A_160 = arith.addf %add3A_147, %broadcast_in_dim3A_159 : vector<1x16xf32>
    %slice3A_161 = vector.extract_strided_slice %concatenate3A {offsets = [2048, 0], sizes = [512, 16], strides = [1, 1]} : vector<4096x16xf32> to vector<512x16xf32>
    %dot_general3A_162 = arith.constant dense<0.000000e+00> : vector<512x16xf32>
    %dot_general3A_163 = tpu.matmul %select_n3A_107, %slice3A_161, %dot_general3A_162 {dimension_numbers = #tpu.dot_dimension_numbers<[1], [0], [0], [1], [0, 0, 1, 1], [], []>, transpose_lhs_hint = false} : vector<512x512xf32>, vector<512x16xf32>, vector<512x16xf32> -> vector<512x16xf32>
    %add3A_164 = vector.broadcast %add3A_160 : vector<1x16xf32> to vector<512x16xf32>
    %add3A_165 = arith.addf %dot_general3A_163, %add3A_164 : vector<512x16xf32>
    %mul3A_166 = arith.mulf %add3A_165, %slice3A_161 : vector<512x16xf32>
    %reduce_sum3A_167 = arith.constant dense<0.000000e+00> : vector<512xf32>
    %reduce_sum3A_168 = vector.multi_reduction <add>, %mul3A_166, %reduce_sum3A_167 [1] : vector<512x16xf32> to vector<512xf32>
    %broadcast_in_dim3A_169 = vector.shape_cast %reduce_sum3A_168 : vector<512xf32> to vector<512x1xf32>
    %reduce_sum3A_170 = arith.constant dense<0.000000e+00> : vector<16xf32>
    %reduce_sum3A_171 = vector.multi_reduction <add>, %slice3A_161, %reduce_sum3A_170 [0] : vector<512x16xf32> to vector<16xf32>
    %broadcast_in_dim3A_172 = vector.shape_cast %reduce_sum3A_171 : vector<16xf32> to vector<1x16xf32>
    %add3A_173 = arith.addf %add3A_160, %broadcast_in_dim3A_172 : vector<1x16xf32>
    %slice3A_174 = vector.extract_strided_slice %concatenate3A {offsets = [2560, 0], sizes = [512, 16], strides = [1, 1]} : vector<4096x16xf32> to vector<512x16xf32>
    %dot_general3A_175 = arith.constant dense<0.000000e+00> : vector<512x16xf32>
    %dot_general3A_176 = tpu.matmul %select_n3A_107, %slice3A_174, %dot_general3A_175 {dimension_numbers = #tpu.dot_dimension_numbers<[1], [0], [0], [1], [0, 0, 1, 1], [], []>, transpose_lhs_hint = false} : vector<512x512xf32>, vector<512x16xf32>, vector<512x16xf32> -> vector<512x16xf32>
    %add3A_177 = vector.broadcast %add3A_173 : vector<1x16xf32> to vector<512x16xf32>
    %add3A_178 = arith.addf %dot_general3A_176, %add3A_177 : vector<512x16xf32>
    %mul3A_179 = arith.mulf %add3A_178, %slice3A_174 : vector<512x16xf32>
    %reduce_sum3A_180 = arith.constant dense<0.000000e+00> : vector<512xf32>
    %reduce_sum3A_181 = vector.multi_reduction <add>, %mul3A_179, %reduce_sum3A_180 [1] : vector<512x16xf32> to vector<512xf32>
    %broadcast_in_dim3A_182 = vector.shape_cast %reduce_sum3A_181 : vector<512xf32> to vector<512x1xf32>
    %reduce_sum3A_183 = arith.constant dense<0.000000e+00> : vector<16xf32>
    %reduce_sum3A_184 = vector.multi_reduction <add>, %slice3A_174, %reduce_sum3A_183 [0] : vector<512x16xf32> to vector<16xf32>
    %broadcast_in_dim3A_185 = vector.shape_cast %reduce_sum3A_184 : vector<16xf32> to vector<1x16xf32>
    %add3A_186 = arith.addf %add3A_173, %broadcast_in_dim3A_185 : vector<1x16xf32>
    %slice3A_187 = vector.extract_strided_slice %concatenate3A {offsets = [3072, 0], sizes = [512, 16], strides = [1, 1]} : vector<4096x16xf32> to vector<512x16xf32>
    %dot_general3A_188 = arith.constant dense<0.000000e+00> : vector<512x16xf32>
    %dot_general3A_189 = tpu.matmul %select_n3A_107, %slice3A_187, %dot_general3A_188 {dimension_numbers = #tpu.dot_dimension_numbers<[1], [0], [0], [1], [0, 0, 1, 1], [], []>, transpose_lhs_hint = false} : vector<512x512xf32>, vector<512x16xf32>, vector<512x16xf32> -> vector<512x16xf32>
    %add3A_190 = vector.broadcast %add3A_186 : vector<1x16xf32> to vector<512x16xf32>
    %add3A_191 = arith.addf %dot_general3A_189, %add3A_190 : vector<512x16xf32>
    %mul3A_192 = arith.mulf %add3A_191, %slice3A_187 : vector<512x16xf32>
    %reduce_sum3A_193 = arith.constant dense<0.000000e+00> : vector<512xf32>
    %reduce_sum3A_194 = vector.multi_reduction <add>, %mul3A_192, %reduce_sum3A_193 [1] : vector<512x16xf32> to vector<512xf32>
    %broadcast_in_dim3A_195 = vector.shape_cast %reduce_sum3A_194 : vector<512xf32> to vector<512x1xf32>
    %reduce_sum3A_196 = arith.constant dense<0.000000e+00> : vector<16xf32>
    %reduce_sum3A_197 = vector.multi_reduction <add>, %slice3A_187, %reduce_sum3A_196 [0] : vector<512x16xf32> to vector<16xf32>
    %broadcast_in_dim3A_198 = vector.shape_cast %reduce_sum3A_197 : vector<16xf32> to vector<1x16xf32>
    %add3A_199 = arith.addf %add3A_186, %broadcast_in_dim3A_198 : vector<1x16xf32>
    %slice3A_200 = vector.extract_strided_slice %concatenate3A {offsets = [3584, 0], sizes = [512, 16], strides = [1, 1]} : vector<4096x16xf32> to vector<512x16xf32>
    %dot_general3A_201 = arith.constant dense<0.000000e+00> : vector<512x16xf32>
    %dot_general3A_202 = tpu.matmul %select_n3A_107, %slice3A_200, %dot_general3A_201 {dimension_numbers = #tpu.dot_dimension_numbers<[1], [0], [0], [1], [0, 0, 1, 1], [], []>, transpose_lhs_hint = false} : vector<512x512xf32>, vector<512x16xf32>, vector<512x16xf32> -> vector<512x16xf32>
    %add3A_203 = vector.broadcast %add3A_199 : vector<1x16xf32> to vector<512x16xf32>
    %add3A_204 = arith.addf %dot_general3A_202, %add3A_203 : vector<512x16xf32>
    %mul3A_205 = arith.mulf %add3A_204, %slice3A_200 : vector<512x16xf32>
    %reduce_sum3A_206 = arith.constant dense<0.000000e+00> : vector<512xf32>
    %reduce_sum3A_207 = vector.multi_reduction <add>, %mul3A_205, %reduce_sum3A_206 [1] : vector<512x16xf32> to vector<512xf32>
    %broadcast_in_dim3A_208 = vector.shape_cast %reduce_sum3A_207 : vector<512xf32> to vector<512x1xf32>
    %reduce_sum3A_209 = arith.constant dense<0.000000e+00> : vector<16xf32>
    %reduce_sum3A_210 = vector.multi_reduction <add>, %slice3A_200, %reduce_sum3A_209 [0] : vector<512x16xf32> to vector<16xf32>
    %broadcast_in_dim3A_211 = vector.shape_cast %reduce_sum3A_210 : vector<16xf32> to vector<1x16xf32>
    %add3A_212 = arith.addf %add3A_199, %broadcast_in_dim3A_211 : vector<1x16xf32>
    %concatenate3A_213 = tpu.concatenate %broadcast_in_dim3A_117, %broadcast_in_dim3A_130, %broadcast_in_dim3A_143, %broadcast_in_dim3A_156, %broadcast_in_dim3A_169, %broadcast_in_dim3A_182, %broadcast_in_dim3A_195, %broadcast_in_dim3A_208 in 0 : vector<512x1xf32>, vector<512x1xf32>, vector<512x1xf32>, vector<512x1xf32>, vector<512x1xf32>, vector<512x1xf32>, vector<512x1xf32>, vector<512x1xf32> -> vector<4096x1xf32>
    %add3A_214 = arith.constant 2.550000e+02 : f32
    %add3A_215 = vector.broadcast %add3A_214 : f32 to vector<1x16xf32>
    %add3A_216 = arith.addf %add3A_212, %add3A_215 : vector<1x16xf32>
    %mul3A_217 = arith.constant 3.906250e-03 : f32
    %mul3A_218 = vector.broadcast %mul3A_217 : f32 to vector<1x16xf32>
    %mul3A_219 = arith.mulf %add3A_216, %mul3A_218 : vector<1x16xf32>
    %floor3A = math.floor %mul3A_219 : vector<1x16xf32>
    %iota3A_220 = tpu.iota {dimensions = array<i32: 0>} : vector<16x16xi32>
    %iota3A_221 = tpu.iota {dimensions = array<i32: 1>} : vector<16x16xi32>
    %lt3A_222 = arith.cmpi slt, %iota3A_220, %iota3A_221 : vector<16x16xi32>
    %jit3A_223 = arith.constant 1.000000e+00 : f32
    %jit3A_224 = arith.constant 0.000000e+00 : f32
    %broadcast_in_dim3A_225 = vector.broadcast %jit3A_223 : f32 to vector<16x16xf32>
    %broadcast_in_dim3A_226 = vector.broadcast %jit3A_224 : f32 to vector<16x16xf32>
    %select_n3A_227 = arith.select %lt3A_222, %broadcast_in_dim3A_225, %broadcast_in_dim3A_226 : vector<16x16xi1>, vector<16x16xf32>
    %dot_general3A_228 = arith.constant dense<0.000000e+00> : vector<1x16xf32>
    %dot_general3A_229 = tpu.matmul %floor3A, %select_n3A_227, %dot_general3A_228 {dimension_numbers = #tpu.dot_dimension_numbers<[1], [0], [0], [1], [0, 0, 1, 1], [], []>, transpose_lhs_hint = false} : vector<1x16xf32>, vector<16x16xf32>, vector<1x16xf32> -> vector<1x16xf32>
    %mul3A_230 = arith.constant 2.560000e+02 : f32
    %mul3A_231 = vector.broadcast %mul3A_230 : f32 to vector<1x16xf32>
    %mul3A_232 = arith.mulf %dot_general3A_229, %mul3A_231 : vector<1x16xf32>
    %mul3A_233 = vector.broadcast %mul3A_232 : vector<1x16xf32> to vector<4096x16xf32>
    %mul3A_234 = arith.mulf %concatenate3A, %mul3A_233 : vector<4096x16xf32>
    %reduce_sum3A_235 = arith.constant dense<0.000000e+00> : vector<4096xf32>
    %reduce_sum3A_236 = vector.multi_reduction <add>, %mul3A_234, %reduce_sum3A_235 [1] : vector<4096x16xf32> to vector<4096xf32>
    %broadcast_in_dim3A_237 = vector.shape_cast %reduce_sum3A_236 : vector<4096xf32> to vector<4096x1xf32>
    %add3A_238 = arith.addf %concatenate3A_213, %broadcast_in_dim3A_237 : vector<4096x1xf32>
    %convert_element_type3A_239 = arith.fptosi %add3A_238 : vector<4096x1xf32> to vector<4096x1xi32>
    %swap3A_240 = arith.constant 0 : index
    %swap3A_241 = arith.constant 0 : index
    %swap3A_242 = vector.load %arg4[%swap3A_240, %swap3A_241] : memref<4096x1xi32, #tpu.memory_space<vmem>>, vector<4096x1xi32>
    tpu.vector_store %arg4[%swap3A_240, %swap3A_241], %convert_element_type3A_239 {strides = array<i32>} : memref<4096x1xi32, #tpu.memory_space<vmem>>, vector<4096x1xi32>,
    %broadcast_in_dim3A_243 = arith.constant 1.000000e+00 : f32
    %broadcast_in_dim3A_244 = vector.broadcast %broadcast_in_dim3A_243 : f32 to vector<4096x1xf32>
    %dot_general3A_245 = arith.constant dense<0.000000e+00> : vector<16x1xf32>
    %dot_general3A_246 = tpu.matmul %concatenate3A, %broadcast_in_dim3A_244, %dot_general3A_245 {dimension_numbers = #tpu.dot_dimension_numbers<[0], [0], [1], [1], [0, 1, 1, 1], [], []>, transpose_lhs_hint = false} : vector<4096x16xf32>, vector<4096x1xf32>, vector<16x1xf32> -> vector<16x1xf32>
    %add3A_247 = arith.constant 2.550000e+02 : f32
    %add3A_248 = vector.broadcast %add3A_247 : f32 to vector<16x1xf32>
    %add3A_249 = arith.addf %dot_general3A_246, %add3A_248 : vector<16x1xf32>
    %mul3A_250 = arith.constant 3.906250e-03 : f32
    %mul3A_251 = vector.broadcast %mul3A_250 : f32 to vector<16x1xf32>
    %mul3A_252 = arith.mulf %add3A_249, %mul3A_251 : vector<16x1xf32>
    %floor3A_253 = math.floor %mul3A_252 : vector<16x1xf32>
    %ge3A = arith.cmpi sge, %iota3A_220, %iota3A_221 : vector<16x16xi32>
    %jit3A_254 = arith.constant 1.000000e+00 : f32
    %jit3A_255 = arith.constant 0.000000e+00 : f32
    %broadcast_in_dim3A_256 = vector.broadcast %jit3A_254 : f32 to vector<16x16xf32>
    %broadcast_in_dim3A_257 = vector.broadcast %jit3A_255 : f32 to vector<16x16xf32>
    %select_n3A_258 = arith.select %ge3A, %broadcast_in_dim3A_256, %broadcast_in_dim3A_257 : vector<16x16xi1>, vector<16x16xf32>
    %dot_general3A_259 = arith.constant dense<0.000000e+00> : vector<16x1xf32>
    %dot_general3A_260 = tpu.matmul %select_n3A_258, %floor3A_253, %dot_general3A_259 {dimension_numbers = #tpu.dot_dimension_numbers<[1], [0], [0], [1], [0, 0, 1, 1], [], []>, transpose_lhs_hint = false} : vector<16x16xf32>, vector<16x1xf32>, vector<16x1xf32> -> vector<16x1xf32>
    %iota3A_261 = tpu.iota {dimensions = array<i32: 0>} : vector<16x1xi32>
    %iota3A_262 = tpu.iota {dimensions = array<i32: 1>} : vector<1x64xi32>
    %convert_element_type3A_263 = arith.fptosi %dot_general3A_260 : vector<16x1xf32> to vector<16x1xi32>
    %ge3A_264 = vector.broadcast %iota3A_262 : vector<1x64xi32> to vector<16x64xi32>
    %ge3A_265 = vector.broadcast %convert_element_type3A_263 : vector<16x1xi32> to vector<16x64xi32>
    %ge3A_266 = arith.cmpi sge, %ge3A_264, %ge3A_265 : vector<16x64xi32>
    %lt3A_267 = arith.constant 8 : i32
    %lt3A_268 = vector.broadcast %lt3A_267 : i32 to vector<16x1xi32>
    %lt3A_269 = arith.cmpi slt, %iota3A_261, %lt3A_268 : vector<16x1xi32>
    %and3A = vector.broadcast %lt3A_269 : vector<16x1xi1> to vector<16x64xi1>
    %and3A_270 = arith.andi %ge3A_266, %and3A : vector<16x64xi1>
    %jit3A_271 = arith.constant 1.000000e+00 : f32
    %jit3A_272 = arith.constant 0.000000e+00 : f32
    %broadcast_in_dim3A_273 = vector.broadcast %jit3A_271 : f32 to vector<16x64xf32>
    %broadcast_in_dim3A_274 = vector.broadcast %jit3A_272 : f32 to vector<16x64xf32>
    %select_n3A_275 = arith.select %and3A_270, %broadcast_in_dim3A_273, %broadcast_in_dim3A_274 : vector<16x64xi1>, vector<16x64xf32>
    %reduce_sum3A_276 = arith.constant dense<0.000000e+00> : vector<64xf32>
    %reduce_sum3A_277 = vector.multi_reduction <add>, %select_n3A_275, %reduce_sum3A_276 [0] : vector<16x64xf32> to vector<64xf32>
    %broadcast_in_dim3A_278 = vector.shape_cast %reduce_sum3A_277 : vector<64xf32> to vector<1x64xf32>
    %lt3A_279 = arith.constant 8 : i32
    %lt3A_280 = vector.broadcast %lt3A_279 : i32 to vector<16x1xi32>
    %lt3A_281 = arith.cmpi slt, %iota3A_261, %lt3A_280 : vector<16x1xi32>
    %jit3A_282 = arith.constant 0.000000e+00 : f32
    %broadcast_in_dim3A_283 = vector.broadcast %jit3A_282 : f32 to vector<16x1xf32>
    %select_n3A_284 = arith.select %lt3A_281, %floor3A_253, %broadcast_in_dim3A_283 : vector<16x1xi1>, vector<16x1xf32>
    %reduce_sum3A_285 = vector.shape_cast %select_n3A_284 : vector<16x1xf32> to vector<1x16x1xf32>
    %reduce_sum3A_286 = arith.constant dense<0.000000e+00> : vector<1xf32>
    %reduce_sum3A_287 = vector.multi_reduction <add>, %reduce_sum3A_285, %reduce_sum3A_286 [1, 2] : vector<1x16x1xf32> to vector<1xf32>
    %reduce_sum3A_288 = vector.shape_cast %reduce_sum3A_287 : vector<1xf32> to vector<1x1x1xf32>
    %reduce_sum3A_289 = vector.extract %reduce_sum3A_288[0, 0, 0] : f32 from vector<1x1x1xf32>
    %eq3A_290 = arith.constant 32 : i32
    %eq3A_291 = vector.broadcast %eq3A_290 : i32 to vector<1x64xi32>
    %eq3A_292 = arith.cmpi eq, %iota3A_262, %eq3A_291 : vector<1x64xi32>
    %broadcast_in_dim3A_293 = vector.broadcast %reduce_sum3A_289 : f32 to vector<1x64xf32>
    %select_n3A_294 = arith.select %eq3A_292, %broadcast_in_dim3A_293, %broadcast_in_dim3A_278 : vector<1x64xi1>, vector<1x64xf32>
    %convert_element_type3A_295 = arith.fptosi %select_n3A_294 : vector<1x64xf32> to vector<1x64xi32>
    %swap3A_296 = arith.constant 0 : index
    %swap3A_297 = arith.constant 0 : index
    %swap3A_298 = vector.load %arg7[%swap3A_296, %swap3A_297] : memref<1x64xi32, #tpu.memory_space<vmem>>, vector<1x64xi32>
    tpu.vector_store %arg7[%swap3A_296, %swap3A_297], %convert_element_type3A_295 {strides = array<i32>} : memref<1x64xi32, #tpu.memory_space<vmem>>, vector<1x64xi32>,
    return
  }
}

module attributes {stable_mosaic.version = 14 : i64} {
  func.func @_gmm_kernel(%arg0: i32, %arg1: memref<32xi32, #tpu.memory_space<smem>>, %arg2: memref<1xi32, #tpu.memory_space<smem>>, %arg3: memref<256x1024xbf16, #tpu.memory_space<vmem>>, %arg4: memref<1x2048x1024xbf16, #tpu.memory_space<vmem>>, %arg5: memref<1x1024x2048xbf16, #tpu.memory_space<vmem>>, %arg6: memref<256x1024xbf16, #tpu.memory_space<vmem>>) attributes {dimension_semantics = [#tpu.dimension_semantics<arbitrary>], iteration_bounds = array<i64: 32>, scalar_prefetch = 2 : i64, scratch_operands = 0 : i64, tpu.core_type = #tpu.core_type<tc>, window_params = [{transform_indices = @transform_0, window_bounds = array<i64: 256, 1024>}, {transform_indices = @transform_1, window_bounds = array<i64: 1, 2048, 1024>}, {transform_indices = @transform_2, window_bounds = array<i64: 1, 1024, 2048>}, {transform_indices = @transform_3, window_bounds = array<i64: 256, 1024>}]} {
    %get3A = arith.constant 0 : index
    %get3A_0 = memref.load %arg2[%get3A] : memref<1xi32, #tpu.memory_space<smem>>
    %lt3A = arith.cmpi slt, %arg0, %get3A_0 : i32
    %ge3A = arith.constant 24 : i32
    %ge3A_1 = arith.cmpi sge, %arg0, %ge3A : i32
    %or3A = arith.ori %lt3A, %ge3A_1 : i1
    %convert_element_type3A = arith.extui %or3A : i1 to i32
    %cond3A = arith.constant 0 : i32
    %cond3A_2 = arith.cmpi ne, %convert_element_type3A, %cond3A : i32
    scf.if %cond3A_2 {
      %get3A_3 = arith.constant 0 : index
      %get3A_4 = arith.constant 0 : index
      %get3A_5 = vector.load %arg3[%get3A_3, %get3A_4] : memref<256x1024xbf16, #tpu.memory_space<vmem>>, vector<256x1024xbf16>
      %get3A_6 = arith.constant 0 : index
      %get3A_7 = arith.constant 0 : index
      %get3A_8 = arith.constant 0 : index
      %get3A_9 = vector.load %arg4[%get3A_6, %get3A_7, %get3A_8] : memref<1x2048x1024xbf16, #tpu.memory_space<vmem>>, vector<1x2048x1024xbf16>
      %get3A_10 = vector.shape_cast %get3A_9 : vector<1x2048x1024xbf16> to vector<2048x1024xbf16>
      %dot_general3A = arith.constant dense<0.000000e+00> : vector<256x2048xf32>
      %dot_general3A_11 = tpu.matmul %get3A_5, %get3A_10, %dot_general3A {dimension_numbers = #tpu.dot_dimension_numbers<[1], [1], [0], [0], [0, 0, 1, 0], [], []>, transpose_lhs_hint = false} : vector<256x1024xbf16>, vector<2048x1024xbf16>, vector<256x2048xf32> -> vector<256x2048xf32>
      %logistic3A = arith.negf %dot_general3A_11 : vector<256x2048xf32>
      %logistic3A_12 = math.exp %logistic3A : vector<256x2048xf32>
      %logistic3A_13 = arith.constant 1.000000e+00 : f32
      %logistic3A_14 = vector.broadcast %logistic3A_13 : f32 to vector<256x2048xf32>
      %logistic3A_15 = arith.addf %logistic3A_14, %logistic3A_12 : vector<256x2048xf32>
      %logistic3A_16 = arith.divf %logistic3A_14, %logistic3A_15 : vector<256x2048xf32>
      %mul3A = arith.mulf %dot_general3A_11, %logistic3A_16 : vector<256x2048xf32>
      %convert_element_type3A_17 = arith.truncf %mul3A : vector<256x2048xf32> to vector<256x2048xbf16>
      %get3A_18 = arith.constant 0 : index
      %get3A_19 = arith.constant 0 : index
      %get3A_20 = arith.constant 0 : index
      %get3A_21 = vector.load %arg5[%get3A_18, %get3A_19, %get3A_20] : memref<1x1024x2048xbf16, #tpu.memory_space<vmem>>, vector<1x1024x2048xbf16>
      %get3A_22 = vector.shape_cast %get3A_21 : vector<1x1024x2048xbf16> to vector<1024x2048xbf16>
      %dot_general3A_23 = arith.constant dense<0.000000e+00> : vector<256x1024xf32>
      %dot_general3A_24 = tpu.matmul %convert_element_type3A_17, %get3A_22, %dot_general3A_23 {dimension_numbers = #tpu.dot_dimension_numbers<[1], [1], [0], [0], [0, 0, 1, 0], [], []>, transpose_lhs_hint = false} : vector<256x2048xbf16>, vector<1024x2048xbf16>, vector<256x1024xf32> -> vector<256x1024xf32>
      %convert_element_type3A_25 = arith.truncf %dot_general3A_24 : vector<256x1024xf32> to vector<256x1024xbf16>
      %swap3A = arith.constant 0 : index
      %swap3A_26 = arith.constant 0 : index
      %swap3A_27 = vector.load %arg6[%swap3A, %swap3A_26] : memref<256x1024xbf16, #tpu.memory_space<vmem>>, vector<256x1024xbf16>
      tpu.vector_store %arg6[%swap3A, %swap3A_26], %convert_element_type3A_25 {strides = array<i32>} : memref<256x1024xbf16, #tpu.memory_space<vmem>>, vector<256x1024xbf16>,
    } else {
    }
    return
  }
  func.func @transform_0(%arg0: i32, %arg1: memref<32xi32, #tpu.memory_space<smem>>, %arg2: memref<1xi32, #tpu.memory_space<smem>>) -> (i32, i32) {
    %c0_i32 = arith.constant 0 : i32
    %c0_i32_0 = arith.constant 0 : i32
    return %arg0, %c0_i32 : i32, i32
  }
  func.func @transform_1(%arg0: i32, %arg1: memref<32xi32, #tpu.memory_space<smem>>, %arg2: memref<1xi32, #tpu.memory_space<smem>>) -> (i32, i32, i32) {
    %get3A = arith.index_cast %arg0 : i32 to index
    %get3A_0 = memref.load %arg1[%get3A] : memref<32xi32, #tpu.memory_space<smem>>
    %c0_i32 = arith.constant 0 : i32
    %c0_i32_1 = arith.constant 0 : i32
    %c0_i32_2 = arith.constant 0 : i32
    return %get3A_0, %c0_i32, %c0_i32_1 : i32, i32, i32
  }
  func.func @transform_2(%arg0: i32, %arg1: memref<32xi32, #tpu.memory_space<smem>>, %arg2: memref<1xi32, #tpu.memory_space<smem>>) -> (i32, i32, i32) {
    %get3A = arith.index_cast %arg0 : i32 to index
    %get3A_0 = memref.load %arg1[%get3A] : memref<32xi32, #tpu.memory_space<smem>>
    %c0_i32 = arith.constant 0 : i32
    %c0_i32_1 = arith.constant 0 : i32
    %c0_i32_2 = arith.constant 0 : i32
    return %get3A_0, %c0_i32, %c0_i32_1 : i32, i32, i32
  }
  func.func @transform_3(%arg0: i32, %arg1: memref<32xi32, #tpu.memory_space<smem>>, %arg2: memref<1xi32, #tpu.memory_space<smem>>) -> (i32, i32) {
    %c0_i32 = arith.constant 0 : i32
    %c0_i32_0 = arith.constant 0 : i32
    return %arg0, %c0_i32 : i32, i32
  }
}

module attributes {stable_mosaic.version = 14 : i64} {
  func.func @_combine_kernel(%arg0: i32, %arg1: memref<512x1024xf32, #tpu.memory_space<vmem>>, %arg2: memref<512x1024xbf16, #tpu.memory_space<vmem>>, %arg3: memref<512x1024xbf16, #tpu.memory_space<vmem>>, %arg4: memref<512x1024xbf16, #tpu.memory_space<vmem>>, %arg5: memref<512x1xf32, #tpu.memory_space<vmem>>, %arg6: memref<512x1xf32, #tpu.memory_space<vmem>>, %arg7: memref<512x1024xf32, #tpu.memory_space<vmem>>) attributes {dimension_semantics = [#tpu.dimension_semantics<arbitrary>], iteration_bounds = array<i64: 4>, scalar_prefetch = 0 : i64, scratch_operands = 0 : i64, tpu.core_type = #tpu.core_type<tc>, window_params = [{transform_indices = @transform_0, window_bounds = array<i64: 512, 1024>}, {transform_indices = @transform_1, window_bounds = array<i64: 512, 1024>}, {transform_indices = @transform_2, window_bounds = array<i64: 512, 1024>}, {transform_indices = @transform_3, window_bounds = array<i64: 512, 1024>}, {transform_indices = @transform_4, window_bounds = array<i64: 512, 1>}, {transform_indices = @transform_5, window_bounds = array<i64: 512, 1>}, {transform_indices = @transform_6, window_bounds = array<i64: 512, 1024>}]} {
    %get3A = arith.constant 0 : index
    %get3A_0 = arith.constant 0 : index
    %get3A_1 = vector.load %arg1[%get3A, %get3A_0] : memref<512x1024xf32, #tpu.memory_space<vmem>>, vector<512x1024xf32>
    %get3A_2 = arith.constant 0 : index
    %get3A_3 = arith.constant 0 : index
    %get3A_4 = vector.load %arg2[%get3A_2, %get3A_3] : memref<512x1024xbf16, #tpu.memory_space<vmem>>, vector<512x1024xbf16>
    %convert_element_type3A = arith.extf %get3A_4 : vector<512x1024xbf16> to vector<512x1024xf32>
    %add3A = arith.addf %get3A_1, %convert_element_type3A : vector<512x1024xf32>
    %get3A_5 = arith.constant 0 : index
    %get3A_6 = arith.constant 0 : index
    %get3A_7 = vector.load %arg5[%get3A_5, %get3A_6] : memref<512x1xf32, #tpu.memory_space<vmem>>, vector<512x1xf32>
    %get3A_8 = arith.constant 0 : index
    %get3A_9 = arith.constant 0 : index
    %get3A_10 = vector.load %arg3[%get3A_8, %get3A_9] : memref<512x1024xbf16, #tpu.memory_space<vmem>>, vector<512x1024xbf16>
    %convert_element_type3A_11 = arith.extf %get3A_10 : vector<512x1024xbf16> to vector<512x1024xf32>
    %mul3A = vector.broadcast %get3A_7 : vector<512x1xf32> to vector<512x1024xf32>
    %mul3A_12 = arith.mulf %mul3A, %convert_element_type3A_11 : vector<512x1024xf32>
    %add3A_13 = arith.addf %add3A, %mul3A_12 : vector<512x1024xf32>
    %get3A_14 = arith.constant 0 : index
    %get3A_15 = arith.constant 0 : index
    %get3A_16 = vector.load %arg6[%get3A_14, %get3A_15] : memref<512x1xf32, #tpu.memory_space<vmem>>, vector<512x1xf32>
    %get3A_17 = arith.constant 0 : index
    %get3A_18 = arith.constant 0 : index
    %get3A_19 = vector.load %arg4[%get3A_17, %get3A_18] : memref<512x1024xbf16, #tpu.memory_space<vmem>>, vector<512x1024xbf16>
    %convert_element_type3A_20 = arith.extf %get3A_19 : vector<512x1024xbf16> to vector<512x1024xf32>
    %mul3A_21 = vector.broadcast %get3A_16 : vector<512x1xf32> to vector<512x1024xf32>
    %mul3A_22 = arith.mulf %mul3A_21, %convert_element_type3A_20 : vector<512x1024xf32>
    %add3A_23 = arith.addf %add3A_13, %mul3A_22 : vector<512x1024xf32>
    %swap3A = arith.constant 0 : index
    %swap3A_24 = arith.constant 0 : index
    %swap3A_25 = vector.load %arg7[%swap3A, %swap3A_24] : memref<512x1024xf32, #tpu.memory_space<vmem>>, vector<512x1024xf32>
    tpu.vector_store %arg7[%swap3A, %swap3A_24], %add3A_23 {strides = array<i32>} : memref<512x1024xf32, #tpu.memory_space<vmem>>, vector<512x1024xf32>,
    return
  }
  func.func @transform_0(%arg0: i32) -> (i32, i32) {
    %c0_i32 = arith.constant 0 : i32
    %c0_i32_0 = arith.constant 0 : i32
    return %arg0, %c0_i32 : i32, i32
  }
  func.func @transform_1(%arg0: i32) -> (i32, i32) {
    %c0_i32 = arith.constant 0 : i32
    %c0_i32_0 = arith.constant 0 : i32
    return %arg0, %c0_i32 : i32, i32
  }
  func.func @transform_2(%arg0: i32) -> (i32, i32) {
    %c0_i32 = arith.constant 0 : i32
    %c0_i32_0 = arith.constant 0 : i32
    return %arg0, %c0_i32 : i32, i32
  }
  func.func @transform_3(%arg0: i32) -> (i32, i32) {
    %c0_i32 = arith.constant 0 : i32
    %c0_i32_0 = arith.constant 0 : i32
    return %arg0, %c0_i32 : i32, i32
  }
  func.func @transform_4(%arg0: i32) -> (i32, i32) {
    %c0_i32 = arith.constant 0 : i32
    %c0_i32_0 = arith.constant 0 : i32
    return %arg0, %c0_i32 : i32, i32
  }
  func.func @transform_5(%arg0: i32) -> (i32, i32) {
    %c0_i32 = arith.constant 0 : i32
    %c0_i32_0 = arith.constant 0 : i32
    return %arg0, %c0_i32 : i32, i32
  }
  func.func @transform_6(%arg0: i32) -> (i32, i32) {
    %c0_i32 = arith.constant 0 : i32
    %c0_i32_0 = arith.constant 0 : i32
    return %arg0, %c0_i32 : i32, i32
  }
}

</mosaic_0001>

<sc_bundles>
// kernel: kernel.10.cloned.1.call-start
scs
__scs_entry_jumppad:
0x0: {  	(pc) =	sbr.rel $0x88, $3  }
0x1: {  	(tag) =	ssettag $0x0;
	lr =	simm.s32 $0x1  }
0x2: {  	[smem:$0x3F95] =	sst lr;
	_ =	strace $0xD0000000  }
0x3: {  	_ = 	snop  }
0x4: {  	_ = 	snop  }
0x5: {  	_ = 	snop  }
0x6: {  	_ = 	snop  }
0x7: {  	_ = 	snop  }
__scs_overlays_trampoline_lowered:
0x8: {  	[smem:$0x3FA4] =	sst s0  }
0x9: {  	[smem:$0x3FA5] =	sst s1  }
0xa: {  	[smem:$0x3FA6] =	sst s2  }
0xb: {  	[smem:$0x3FA7] =	sst s3  }
0xc: {  	[smem:$0x3FA8] =	sst s4  }
0xd: {  	[smem:$0x3FA9] =	sst s5  }
0xe: {  	[smem:$0x3FAA] =	sst s6  }
0xf: {  	[smem:$0x3FAB] =	sst s7  }
0x10: {  	[smem:$0x3FAC] =	sst s8  }
0x11: {  	[smem:$0x3FAD] =	sst s9;
	s0 =	simm.s32 @!p0 $0x0  }
0x12: {  	s1 =	sld [smem:$0x3F93];
	s0 =	simm.s32 @p0 $0x1  }
0x13: {  	[smem:$0x3FAE] =	sst s0;
	s0 =	simm.s32 @!p1 $0x0  }
0x14: {  	s2 =	sld [smem:$0x3F92];
	s0 =	simm.s32 @p1 $0x1  }
0x15: {  	[smem:$0x3FAF] =	sst s0;
	s0 =	simm.s32 @!p2 $0x0  }
0x16: {  	s3 =	sld [smem:$0x3FDB];
	s0 =	simm.s32 @p2 $0x1  }
0x17: {  	s4 =	simm.s32 $0x1BF5;
	[smem:$0x3FB1] =	sst s0  }
0x18: {  	s0 =	sld [smem:$0x3F94];
	_ =	swait.ge [sflag:s4], $0x0  }
0x19: {  	s7 =	sld [smem:$0x3F95]  }
0x1a: {  	s8 =	sadd.s32 $0xFFFFE003, lr  }
0x1b: {  	s9 =	sadd.s32 $0xFFFFFEF7, lr;
	s5 =	simm.s32 $0xFFFFFFFF;
	p2 =	slt.u32 s8, $0xFFFFF086  }
0x1c: {  	p1 =	slt.u32 s9, $0xF7A;
	s5 =	simm.s32 @!p2 $0x0  }
0x1d: {  	s5 =	simm.s32 @p1 $0x1;
	p0 =	seq.s32 s7, s2  }
0x1e: {  	s7 =	smul.u32 @!p0 $0xF7A, s2;
	p2 =	seq.s32 @!p0 s5, $0x0  }
0x1f: {  	s9 =	smul.u32 $0xF7A, s1;
	s8 =	simm.s32 @!p0 $0x1BF5;
	p2 =	por !p2, p0  }
0x20: {  	[sflag:s8] =	ssyncset.s32 @!p0 $0xFFFFF086;
	s6 =	sadd.s32 @!p0 s3, s7;
	s7 =	simm.s32 @!p0 $0x108  }
0x21: {  	s3 =	sadd.s32 s3, s9;
	s6 =	sadd.s32 @!p0 $0x88, s6;
	s7 =	simm.s32 @p2 $0x1082  }
0x22: {  	[simem:s7], [sflag:s8] =	dma.local @!p0 [hbm:s6], $0xF7A  }
0x23: {  	s9 =	sor.u32 $0xD0000000, s2;
	s6 =	simm.s32 $0x108;
	_ =	swait.ge @!p0 [sflag:s8], $0x0  }
0x24: {  	s3 =	sadd.s32 $0x88, s3;
	s6 =	simm.s32 @!p1 $0x1082;
	[sflag:s4] =	ssyncset.s32 $0xFFFFF086  }
0x25: {  	[simem:s6], [sflag:s4] =	dma.local [hbm:s3], $0xF7A  }
0x26: {  	[smem:$0x3F95] =	sst s1;
	(tag) =	ssettag s2;
	_ =	strace s9  }
0x27: {  	s1 =	sld [smem:$0x3FA5]  }
0x28: {  	s2 =	sld [smem:$0x3FA6]  }
0x29: {  	s4 =	sld [smem:$0x3FA8]  }
0x2a: {  	p0 =	seq.s32 s5, $0x0;
	s5 =	sld [smem:$0x3FA9]  }
0x2b: {  	s6 =	sld [smem:$0x3FAA]  }
0x2c: {  	s7 =	sld [smem:$0x3FAB]  }
0x2d: {  	s3 =	simm.s32 $0x108;
	s8 =	sld [smem:$0x3FAC]  }
0x2e: {  	s3 =	simm.s32 @!p0 $0x1082;
	s9 =	sld [smem:$0x3FAD]  }
0x2f: {  	lr =	sadd.s32 s0, s3;
	s0 =	sld [smem:$0x3FA4]  }
0x30: {  	s3 =	sld [smem:$0x3FA7]  }
0x31: {  	[smem:$0x3FB0] =	sst s10  }
0x32: {  	s10 =	sld [smem:$0x3FAE];
	_ =	sdelay $0x3  }
0x33: {  	p0 =	seq.s32 s10, $0x1;
	s10 =	sld [smem:$0x3FB0];
	_ =	sdelay $0x3  }
0x34: {  	[smem:$0x3FB0] =	sst s10  }
0x35: {  	s10 =	sld [smem:$0x3FAF];
	_ =	sdelay $0x3  }
0x36: {  	p1 =	seq.s32 s10, $0x1;
	s10 =	sld [smem:$0x3FB0];
	_ =	sdelay $0x3  }
0x37: {  	[smem:$0x3FB0] =	sst s10  }
0x38: {  	s10 =	sld [smem:$0x3FB1]  }
0x39: {  	_ = 	snop;
	(pc) =	sbr.ind lr, $3  }
0x3a: {  	_ = 	snop  }
0x3b: {  	_ = 	snop  }
0x3c: {  	p2 =	seq.s32 s10, $0x1;
	s10 =	sld [smem:$0x3FB0]  }
0x3d: {  	_ =	shalt  }
0x3e: {  	_ =	shalt  }
0x3f: {  	_ =	shalt  }
0x40: {  	_ =	shalt  }
0x41: {  	_ =	shalt  }
0x42: {  	_ =	shalt  }
0x43: {  	_ =	shalt  }
0x44: {  	_ =	shalt  }
0x45: {  	_ =	shalt  }
0x46: {  	_ =	shalt  }
0x47: {  	_ =	shalt  }
0x48: {  	_ =	shalt  }
0x49: {  	_ =	shalt  }
0x4a: {  	_ =	shalt  }
0x4b: {  	_ =	shalt  }
0x4c: {  	_ =	shalt  }
0x4d: {  	_ =	shalt  }
0x4e: {  	_ =	shalt  }
0x4f: {  	_ =	shalt  }
0x50: {  	_ =	shalt  }
0x51: {  	_ =	shalt  }
0x52: {  	_ =	shalt  }
0x53: {  	_ =	shalt  }
0x54: {  	_ =	shalt  }
0x55: {  	_ =	shalt  }
0x56: {  	_ =	shalt  }
0x57: {  	_ =	shalt  }
0x58: {  	_ =	shalt  }
0x59: {  	_ =	shalt  }
0x5a: {  	_ =	shalt  }
0x5b: {  	_ =	shalt  }
0x5c: {  	_ =	shalt  }
0x5d: {  	_ =	shalt  }
0x5e: {  	_ =	shalt  }
0x5f: {  	_ =	shalt  }
0x60: {  	_ =	shalt  }
0x61: {  	_ =	shalt  }
0x62: {  	_ =	shalt  }
0x63: {  	_ =	shalt  }
0x64: {  	_ =	shalt  }
0x65: {  	_ =	shalt  }
0x66: {  	_ =	shalt  }
0x67: {  	_ =	shalt  }
0x68: {  	_ =	shalt  }
0x69: {  	_ =	shalt  }
0x6a: {  	_ =	shalt  }
0x6b: {  	_ =	shalt  }
0x6c: {  	_ =	shalt  }
0x6d: {  	_ =	shalt  }
0x6e: {  	_ =	shalt  }
0x6f: {  	_ =	shalt  }
0x70: {  	_ =	shalt  }
0x71: {  	_ =	shalt  }
0x72: {  	_ =	shalt  }
0x73: {  	_ =	shalt  }
0x74: {  	_ =	shalt  }
0x75: {  	_ =	shalt  }
0x76: {  	_ =	shalt  }
0x77: {  	_ =	shalt  }
0x78: {  	_ =	shalt  }
0x79: {  	_ =	shalt  }
0x7a: {  	_ =	shalt  }
0x7b: {  	_ =	shalt  }
0x7c: {  	_ =	shalt  }
0x7d: {  	_ =	shalt  }
0x7e: {  	_ =	shalt  }
0x7f: {  	_ =	shalt  }
0x80: {  	_ =	shalt  }
0x81: {  	_ =	shalt  }
0x82: {  	_ =	shalt  }
0x83: {  	_ =	shalt  }
0x84: {  	_ =	shalt  }
0x85: {  	_ =	shalt  }
0x86: {  	_ =	shalt  }
0x87: {  	_ =	shalt  }
.Lfunc_end0:
.L_simem_size_0:
called_computation.2_lowered:
.L_overlay_start_0:
0x88: {  	s2 =	sld [smem:$0x3FD9]  }
0x89: {  	s3 =	sld [smem:$0x3FFE];
	_ =	sdelay $0x1  }
0x8a: {  	s1 =	srdreg.scid  }
0x8b: {  	s0 =	sand.u32 $0x1, s1  }
0x8c: {  	s16 =	sshll.u32 s0, $0xA;
	s2 =	sadd.s32 s3, s2  }
0x8d: {  	s2 =	sadd.s32 s2, s16  }
0x8e: {  	[smem:$0x3FBC] =	sst s2  }
0x8f: {  	_ = 	snop  }
0x90: {  	(tm) =	ssettm $0x1  }
0x91: {  	s17 =	sld [smem:$0x3FFB];
	_ =	sdelay $0x3  }
0x92: {  	_ =	strace s17  }
0x93: {  	s2 =	sld [smem:$0x3FFC];
	_ =	sdelay $0x3  }
0x94: {  	_ =	strace s2  }
0x95: {  	s2 =	sld [smem:$0x3FFD];
	_ =	sdelay $0x3  }
0x96: {  	_ =	strace s2  }
0x97: {  	_ =	strace $0x8FFFFFFF  }
0x98: {  	s18 =	sld [smem:$0x3FDB];
	_ =	sdelay $0x1  }
0x99: {  	s19 =	simm.s32 $_scs_section_size  }
0x9a: {  	s4 =	simm.s32 $_size__tile_overlayer_lowered;
	s5 =	simm.s32 $_tile_overlayer_lowered  }
0x9b: {  	s22 =	simm.s32 $0x1BFF;
	s21 =	sshll.u32 s5, $0x1;
	s2 =	sadd.s32 s19, s18  }
0x9c: {  	s6 =	simm.s32 $0x0;
	s20 =	sshll.u32 s4, $0x1;
	s4 =	sadd.s32 s21, s2  }
0x9d: {  	[timem:s6], [sflag:s22] =	dma.local [hbm:s4], s20  }
0x9e: {  	_ =	swait.ge [sflag:s22], s20  }
0x9f: {  	s3 =	ssub.s32 $0x0, s20;
	[sflag:s22] =	ssyncset.done $0x0  }
0xa0: {  	[sflag:s22] =	ssyncadd.s32 s3;
	_ =	sdelay $0x1  }
0xa1: {  	s23 =	simm.s32 $0x1B8B  }
0xa2: {  	_ =	swait.ge [sflag:s23], $0x1  }
0xa3: {  	[sflag:s23] =	ssyncset.done $0x0  }
0xa4: {  	s25 =	simm.s32 $0x1B8E;
	s24 =	sld [smem:$0x3FFE];
	[sflag:s23] =	ssyncadd.s32 $0xFFFFFFFF  }
0xa5: {  	s26 =	simm.s32 $execute0_lowered;
	[smem:$0x3FD2] =	sst s25  }
0xa6: {  	s4 =	sshll.u32 s26, $0x1;
	_ =	strace $0x80000046;
	[dreg:$0x1] =	wrdreg $0xFFFFFFFF  }
0xa7: {  	s28 =	simm.s32 $_size_execute0_lowered;
	s2 =	sadd.s32 s2, s4;
	[dreg:$0x0] =	wrdreg $0x0  }
0xa8: {  	s4 =	sshll.u32 s28, $0x1;
	[dreg:$0x2] =	wrdreg s2  }
0xa9: {  	[dreg:$0x3] =	wrdreg s4  }
0xaa: {  	[dreg:$0x4] =	wrdreg $0xC0  }
0xab: {  	_ =	task [dreg:s6], $0x5FFFF  }
0xac: {  	[dreg:$0x1] =	wrdreg $0xFFFFFFFF  }
0xad: {  	[dreg:$0x0] =	wrdreg $0x60  }
0xae: {  	[dreg:$0x2] =	wrdreg s24  }
0xaf: {  	[dreg:$0x3] =	wrdreg $0x9  }
0xb0: {  	_ =	task.clear_ibuf [dreg:s6], $0x4FFFF;
	_ =	strace $0x90000046  }
0xb1: {  	s29 =	simm.s32 $0x9;
	_ =	strace $0x80000048  }
0xb2: {  	_ =	swait.ge [sflag:s29], $0x1  }
0xb3: {  	[sflag:s29] =	ssyncadd.s32 $0xFFFFFFFF  }
0xb4: {  	_ =	strace $0x90000048  }
0xb5: {  	_ =	sfence  }
0xb6: {  	s30 =	sld [smem:$0x0];
	_ =	sdelay $0x2  }
0xb7: {  	s31 =	sshll.u32 s1, $0xD;
	s1 =	sshrl.u32 s1, $0x2  }
0xb8: {  	s3 =	sand.u32 $0x4000, s31;
	s1 =	sadd.s32 s1, s30  }
0xb9: {  	s0 =	sor.u32 s3, s0;
	s1 =	sshll.u32 s1, $0x11  }
0xba: {  	s0 =	sor.u32 s1, s0  }
0xbb: {  	s0 =	sadd.s32 $0x8F2B, s0  }
0xbc: {  	[sflag:s0] =	ssyncadd.remote.s32 $0x1  }
0xbd: {  	_ =	sfence.sel $0xFFFF  }
0xbe: {  	[dreg:$0x0] =	wrdreg $0xFFFFFFFF;
	(pc) =	sbr.abs _section_cstart, $3  }
0xbf: {  	[dreg:$0x1] =	wrdreg $0xFFFFFFFF  }
0xc0: {  	_ =	task.clear_ibuf [dreg:s6], $0x2FFFF;
	_ =	strace $0x9FFFFFFF  }
0xc1: {  	(tm) =	ssettm $0x7FFFFFFF  }
tec
execute0_lowered:
.L_overlay_start_1:
0x0: {  	(tag) =	ssettag $0x1  }
0x1: {  	s1 =	srdreg.scid;
	s0 =	stileid.u32  }
0x2: {  	s3 =	sand.u32 $0x1, s1;
	s20 =	sshll.u32 s0, $0x1  }
0x3: {  	s4 =	sor.u32 s3, s20  }
0x4: {  	v10 =	vlaneseq.u32;
	s6 =	sshll.u32 s4, $0x7  }
0x5: {  	v2 =	vor.u32 $0xFFFFF800, v10;
	v0 =	vmov s6;
	v1 =	vor.u32 s6, v10;
	s5 =	sor.u32 $0x10, s6  }
0x6: {  	s8 =	sor.u32 $0x20, s6;
	vm0 =	vlt.u32 v0, $0x800;
	v0 =	vadd.s32 s6, v2;
	v3 =	vmov s5  }
0x7: {  	s21 =	sor.u32 $0x30, s6;
	s24 =	sor.u32 $0x40, s6;
	v4 =	vmov s8;
	v5 =	vor.u32 s8, v10;
	v6 =	vadd.s32 s8, v2  }
0x8: {  	s7 =	rddreg [dreg:$0x0];
	s2 =	simm.s32 $0x0;
	s26 =	sor.u32 $0x50, s6;
	v7 =	vor.u32 s21, v10;
	v8 =	vadd.s32 s21, v2;
	v9 =	vmov s24  }
0x9: {  	s1 =	rddreg [dreg:$0x1];
	s23 =	ssub.s32 $0x2, s3;
	s28 =	sor.u32 $0x60, s6;
	v11 =	vor.u32 s24, v10;
	v12 =	vadd.s32 s24, v2;
	v13 =	vmov s26  }
0xa: {  	[smem:$0x7FF] =	sst s2;
	s9 =	sshll.u32 s4, $0x4;
	s25 =	sshrl.u32 s23, $0x1;
	v14 =	vor.u32 s26, v10;
	v15 =	vadd.s32 s26, v2;
	v16 =	vmov s28  }
0xb: {  	s3 =	sadd.s32 $0x54A00, s7;
	s22 =	sadd.s32 s9, s7;
	s7 =	ssub.s32 s23, s25;
	v17 =	vor.u32 s28, v10;
	v18 =	vadd.s32 s28, v2;
	v0 =	vsel vm0, v1, v0  }
0xc: {  	_ =	strace $0x80000047;
	s6 =	sor.u32 $0x70, s6;
	s11 =	smax.u32 s7, $0x1;
	v1 =	vor.u32 s5, v10;
	vm11 =	vlt.u32 v3, $0x800;
	v3 =	vadd.s32 s5, v2  }
0xd: {  	s10 =	sshll.u32 s4, $0x6;
	vm1 =	vlt.u32 v4, $0x800;
	v4 =	vmov s21;
	s5 =	sadd.s32 $0x54800, s22;
	v19 =	vmov s6;
	p0 =	sne.s32 s11, $0x1  }
0xe: {  	v20 =	vor.u32 s6, v10;
	v21 =	vadd.s32 s6, v2;
	vm12 =	vlt.u32 v9, $0x800;
	[tilespmem:s2], [sflag:$0x2] =	stream.linear.gather [hbm4b:s5+s2], $0x80, $0x38;
	[tilespmem:$0x180] =	vst v63  }
.Ltmp0:
0xf: {  	s31 =	sshll.u32 s4, $0x3;
	s4 =	simm.s32 $0x2;
	vm13 =	vlt.u32 v13, $0x800;
	vm14 =	vlt.u32 v16, $0x800;
	vm2 =	vlt.u32 v4, $0x800;
	(pc) =	sbr.rel @!p0 .LBB2_2-.Ltmp0, $4  }
0x10: {  	s29 =	sor.u32 $0x10, s10;
	s30 =	sor.u32 $0x20, s10;
	v4 =	vsel vm11, v1, v3;
	v2 =	vsel vm1, v5, v6;
	v1 =	vor.u32 s10, v10;
	_ =	swait.ge [sflag:s4], $0x80  }
0x11: {  	s9 =	simm.s32 $0x1;
	s8 =	simm.s32 $0x80;
	v6 =	vsel vm12, v11, v12;
	v9 =	vsel vm14, v17, v18;
	vm15 =	vlt.u32 v19, $0x800;
	[sflag:s4] =	ssyncset.done $0x0  }
0x12: {  	s6 =	sadd.s32 s31, s3;
	s10 =	sor.u32 $0x30, s10;
	v5 =	vor.u32 s29, v10;
	v3 =	vsel vm2, v7, v8;
	v7 =	vsel vm13, v14, v15;
	[sflag:s4] =	ssyncadd.s32 $0xFFFFFF80  }
0x13: {  	s7 =	simm.s32 $0x100;
	s6 =	sadd.s32 $0x300, s6;
	v11 =	vsel vm15, v20, v21;
	v8 =	vor.u32 s30, v10;
	v10 =	vor.u32 s10, v10;
	s10 =	sadd.s32 $0xFFFFFFFF, s11;
	[tilespmem:$0x90] =	vst v4  }
.LBB2_1:
0x14: {  	p0 =	sne.s32 s10, $0x1;
	s10 =	sadd.s32 $0xFFFFFFFF, s10;
	[tilespmem:$0x80] =	vst v0  }
0x15: {  	[tilespmem:$0xA0] =	vst v2  }
0x16: {  	[tilespmem:$0xB0] =	vst v3  }
0x17: {  	[tilespmem:$0xC0] =	vst v6  }
0x18: {  	[tilespmem:$0xD0] =	vst v7  }
0x19: {  	[tilespmem:$0xE0] =	vst v9  }
0x1a: {  	[tilespmem:$0xF0] =	vst v11  }
0x1b: {  	[hbm4b:s3+s8] =	stream.indirect.scatter [tilespmem:s8], [sflag:$0x1], $0x1, s2, s8, $0xb8;
	[tilespmem:$0x180] =	vst v63  }
0x1c: {  	_ =	swait.ge [sflag:s9], $0x80  }
0x1d: {  	[sflag:s9] =	ssyncset.done $0x0  }
0x1e: {  	[sflag:s9] =	ssyncadd.s32 $0xFFFFFF80  }
0x1f: {  	[tilespmem:$0x100] =	vst v1  }
0x20: {  	[tilespmem:$0x130] =	vst v10  }
0x21: {  	[tilespmem:$0x120] =	vst v8  }
0x22: {  	[tilespmem:$0x110] =	vst v5  }
0x23: {  	[hbm4b:s6+s2] =	stream.linear.scatter [tilespmem:s7], [sflag:$0x2], $0x40, $0x38;
	[tilespmem:$0x180] =	vst v63  }
0x24: {  	_ =	swait.ge [sflag:s4], $0x40  }
0x25: {  	[sflag:s4] =	ssyncset.done $0x0  }
0x26: {  	[sflag:s4] =	ssyncadd.s32 $0xFFFFFFC0  }
0x27: {  	[tilespmem:s2], [sflag:$0x2] =	stream.linear.gather [hbm4b:s5+s2], $0x80, $0x38;
	[tilespmem:$0x180] =	vst v63  }
.Ltmp1:
0x28: {  	_ = 	snop;
	(pc) =	sbr.rel @p0 .LBB2_1-.Ltmp1, $4  }
0x29: {  	_ =	swait.ge [sflag:s4], $0x80  }
0x2a: {  	[sflag:s4] =	ssyncset.done $0x0  }
0x2b: {  	[sflag:s4] =	ssyncadd.s32 $0xFFFFFF80  }
0x2c: {  	[tilespmem:$0x90] =	vst v4  }
.LBB2_2:
0x2d: {  	[tilespmem:$0x80] =	vst v0  }
0x2e: {  	[tilespmem:$0xA0] =	vst v2  }
0x2f: {  	[tilespmem:$0xB0] =	vst v3  }
0x30: {  	[tilespmem:$0xC0] =	vst v6  }
0x31: {  	[tilespmem:$0xD0] =	vst v7  }
0x32: {  	[tilespmem:$0xE0] =	vst v9  }
0x33: {  	[tilespmem:$0xF0] =	vst v11  }
0x34: {  	[hbm4b:s3+s8] =	stream.indirect.scatter [tilespmem:s8], [sflag:$0x1], $0x1, s2, s8, $0xb8;
	[tilespmem:$0x180] =	vst v63  }
0x35: {  	_ =	swait.ge [sflag:s9], $0x80  }
0x36: {  	[sflag:s9] =	ssyncset.done $0x0  }
0x37: {  	[sflag:s9] =	ssyncadd.s32 $0xFFFFFF80  }
0x38: {  	[tilespmem:$0x100] =	vst v1  }
0x39: {  	[tilespmem:$0x130] =	vst v10  }
0x3a: {  	[tilespmem:$0x120] =	vst v8  }
0x3b: {  	[tilespmem:$0x110] =	vst v5  }
0x3c: {  	[hbm4b:s6+s2] =	stream.linear.scatter [tilespmem:s7], [sflag:$0x2], $0x40, $0x38;
	[tilespmem:$0x180] =	vst v63  }
0x3d: {  	_ =	swait.ge [sflag:s4], $0x40  }
0x3e: {  	[sflag:s4] =	ssyncset.done $0x0  }
0x3f: {  	[sflag:s4] =	ssyncadd.s32 $0xFFFFFFC0  }
0x40: {  	_ =	sfence.sel $0x180000  }
0x41: {  	[bflag:$0x0] =	sbarrier.arrive $0xFFFF  }
0x42: {  	p0 =	sne.s32 s0, $0x0;
	_ =	strace $0x90000047  }
0x43: {  	s0 =	sadd.s32 @!p0 $0x100000, s1;
	[bflag:$0x2] =	sbarrier.arrive $0xFFFF  }
0x44: {  	[sflag:s0] =	ssyncadd.tile.s32 @!p0 $0x1;
	_ =	shalt  }
.Lfunc_end2:
_tile_overlayer_lowered:
.L_overlay_start_2:
0x45: {  	(tag) =	ssettag $0x2  }
0x46: {  	s0 =	rddreg [dreg:$0x0];
	s2 =	stileid.u32  }
0x47: {  	s1 =	rddreg [dreg:$0x1];
	p0 =	sne.s32 s2, $0x0  }
0x48: {  	s3 =	rddreg [dreg:$0x2];
	[bflag:$0x3] =	sbarrier.arrive $0xFFFF;
	s2 =	simm.s32 @!p0 $0x1C02  }
0x49: {  	[timem:s3], [sflag:s2] =	dma.local @!p0 [hbm:s0], s1  }
0x4a: {  	s0 =	simm.s32 @!p0 $0x2  }
0x4b: {  	_ =	swait.ge @!p0 [sflag:s0], s1  }
0x4c: {  	s1 =	ssub.s32 @!p0 $0x0, s1;
	[sflag:s0] =	ssyncset.done @!p0 $0x0  }
0x4d: {  	[sflag:s0] =	ssyncadd.s32 @!p0 s1  }
0x4e: {  	[bflag:$0x3] =	sbarrier.arrive $0xFFFF  }
0x4f: {  	_ =	shalt  }

// kernel: kernel.13.cloned.1.call-start
scs
__scs_entry_jumppad:
0x0: {  	(pc) =	sbr.rel $0x88, $3  }
0x1: {  	(tag) =	ssettag $0x0;
	lr =	simm.s32 $0x1  }
0x2: {  	[smem:$0x3F95] =	sst lr;
	_ =	strace $0xD0000000  }
0x3: {  	_ = 	snop  }
0x4: {  	_ = 	snop  }
0x5: {  	_ = 	snop  }
0x6: {  	_ = 	snop  }
0x7: {  	_ = 	snop  }
__scs_overlays_trampoline_lowered:
0x8: {  	[smem:$0x3FA4] =	sst s0  }
0x9: {  	[smem:$0x3FA5] =	sst s1  }
0xa: {  	[smem:$0x3FA6] =	sst s2  }
0xb: {  	[smem:$0x3FA7] =	sst s3  }
0xc: {  	[smem:$0x3FA8] =	sst s4  }
0xd: {  	[smem:$0x3FA9] =	sst s5  }
0xe: {  	[smem:$0x3FAA] =	sst s6  }
0xf: {  	[smem:$0x3FAB] =	sst s7  }
0x10: {  	[smem:$0x3FAC] =	sst s8  }
0x11: {  	[smem:$0x3FAD] =	sst s9;
	s0 =	simm.s32 @!p0 $0x0  }
0x12: {  	s1 =	sld [smem:$0x3F93];
	s0 =	simm.s32 @p0 $0x1  }
0x13: {  	[smem:$0x3FAE] =	sst s0;
	s0 =	simm.s32 @!p1 $0x0  }
0x14: {  	s2 =	sld [smem:$0x3F92];
	s0 =	simm.s32 @p1 $0x1  }
0x15: {  	[smem:$0x3FAF] =	sst s0;
	s0 =	simm.s32 @!p2 $0x0  }
0x16: {  	s3 =	sld [smem:$0x3FDB];
	s0 =	simm.s32 @p2 $0x1  }
0x17: {  	s4 =	simm.s32 $0x1BF5;
	[smem:$0x3FB1] =	sst s0  }
0x18: {  	s0 =	sld [smem:$0x3F94];
	_ =	swait.ge [sflag:s4], $0x0  }
0x19: {  	s7 =	sld [smem:$0x3F95]  }
0x1a: {  	s8 =	sadd.s32 $0xFFFFE003, lr  }
0x1b: {  	s9 =	sadd.s32 $0xFFFFFEF7, lr;
	s5 =	simm.s32 $0xFFFFFFFF;
	p2 =	slt.u32 s8, $0xFFFFF086  }
0x1c: {  	p1 =	slt.u32 s9, $0xF7A;
	s5 =	simm.s32 @!p2 $0x0  }
0x1d: {  	s5 =	simm.s32 @p1 $0x1;
	p0 =	seq.s32 s7, s2  }
0x1e: {  	s7 =	smul.u32 @!p0 $0xF7A, s2;
	p2 =	seq.s32 @!p0 s5, $0x0  }
0x1f: {  	s9 =	smul.u32 $0xF7A, s1;
	s8 =	simm.s32 @!p0 $0x1BF5;
	p2 =	por !p2, p0  }
0x20: {  	[sflag:s8] =	ssyncset.s32 @!p0 $0xFFFFF086;
	s6 =	sadd.s32 @!p0 s3, s7;
	s7 =	simm.s32 @!p0 $0x108  }
0x21: {  	s3 =	sadd.s32 s3, s9;
	s6 =	sadd.s32 @!p0 $0x88, s6;
	s7 =	simm.s32 @p2 $0x1082  }
0x22: {  	[simem:s7], [sflag:s8] =	dma.local @!p0 [hbm:s6], $0xF7A  }
0x23: {  	s9 =	sor.u32 $0xD0000000, s2;
	s6 =	simm.s32 $0x108;
	_ =	swait.ge @!p0 [sflag:s8], $0x0  }
0x24: {  	s3 =	sadd.s32 $0x88, s3;
	s6 =	simm.s32 @!p1 $0x1082;
	[sflag:s4] =	ssyncset.s32 $0xFFFFF086  }
0x25: {  	[simem:s6], [sflag:s4] =	dma.local [hbm:s3], $0xF7A  }
0x26: {  	[smem:$0x3F95] =	sst s1;
	(tag) =	ssettag s2;
	_ =	strace s9  }
0x27: {  	s1 =	sld [smem:$0x3FA5]  }
0x28: {  	s2 =	sld [smem:$0x3FA6]  }
0x29: {  	s4 =	sld [smem:$0x3FA8]  }
0x2a: {  	p0 =	seq.s32 s5, $0x0;
	s5 =	sld [smem:$0x3FA9]  }
0x2b: {  	s6 =	sld [smem:$0x3FAA]  }
0x2c: {  	s7 =	sld [smem:$0x3FAB]  }
0x2d: {  	s3 =	simm.s32 $0x108;
	s8 =	sld [smem:$0x3FAC]  }
0x2e: {  	s3 =	simm.s32 @!p0 $0x1082;
	s9 =	sld [smem:$0x3FAD]  }
0x2f: {  	lr =	sadd.s32 s0, s3;
	s0 =	sld [smem:$0x3FA4]  }
0x30: {  	s3 =	sld [smem:$0x3FA7]  }
0x31: {  	[smem:$0x3FB0] =	sst s10  }
0x32: {  	s10 =	sld [smem:$0x3FAE];
	_ =	sdelay $0x3  }
0x33: {  	p0 =	seq.s32 s10, $0x1;
	s10 =	sld [smem:$0x3FB0];
	_ =	sdelay $0x3  }
0x34: {  	[smem:$0x3FB0] =	sst s10  }
0x35: {  	s10 =	sld [smem:$0x3FAF];
	_ =	sdelay $0x3  }
0x36: {  	p1 =	seq.s32 s10, $0x1;
	s10 =	sld [smem:$0x3FB0];
	_ =	sdelay $0x3  }
0x37: {  	[smem:$0x3FB0] =	sst s10  }
0x38: {  	s10 =	sld [smem:$0x3FB1]  }
0x39: {  	_ = 	snop;
	(pc) =	sbr.ind lr, $3  }
0x3a: {  	_ = 	snop  }
0x3b: {  	_ = 	snop  }
0x3c: {  	p2 =	seq.s32 s10, $0x1;
	s10 =	sld [smem:$0x3FB0]  }
0x3d: {  	_ =	shalt  }
0x3e: {  	_ =	shalt  }
0x3f: {  	_ =	shalt  }
0x40: {  	_ =	shalt  }
0x41: {  	_ =	shalt  }
0x42: {  	_ =	shalt  }
0x43: {  	_ =	shalt  }
0x44: {  	_ =	shalt  }
0x45: {  	_ =	shalt  }
0x46: {  	_ =	shalt  }
0x47: {  	_ =	shalt  }
0x48: {  	_ =	shalt  }
0x49: {  	_ =	shalt  }
0x4a: {  	_ =	shalt  }
0x4b: {  	_ =	shalt  }
0x4c: {  	_ =	shalt  }
0x4d: {  	_ =	shalt  }
0x4e: {  	_ =	shalt  }
0x4f: {  	_ =	shalt  }
0x50: {  	_ =	shalt  }
0x51: {  	_ =	shalt  }
0x52: {  	_ =	shalt  }
0x53: {  	_ =	shalt  }
0x54: {  	_ =	shalt  }
0x55: {  	_ =	shalt  }
0x56: {  	_ =	shalt  }
0x57: {  	_ =	shalt  }
0x58: {  	_ =	shalt  }
0x59: {  	_ =	shalt  }
0x5a: {  	_ =	shalt  }
0x5b: {  	_ =	shalt  }
0x5c: {  	_ =	shalt  }
0x5d: {  	_ =	shalt  }
0x5e: {  	_ =	shalt  }
0x5f: {  	_ =	shalt  }
0x60: {  	_ =	shalt  }
0x61: {  	_ =	shalt  }
0x62: {  	_ =	shalt  }
0x63: {  	_ =	shalt  }
0x64: {  	_ =	shalt  }
0x65: {  	_ =	shalt  }
0x66: {  	_ =	shalt  }
0x67: {  	_ =	shalt  }
0x68: {  	_ =	shalt  }
0x69: {  	_ =	shalt  }
0x6a: {  	_ =	shalt  }
0x6b: {  	_ =	shalt  }
0x6c: {  	_ =	shalt  }
0x6d: {  	_ =	shalt  }
0x6e: {  	_ =	shalt  }
0x6f: {  	_ =	shalt  }
0x70: {  	_ =	shalt  }
0x71: {  	_ =	shalt  }
0x72: {  	_ =	shalt  }
0x73: {  	_ =	shalt  }
0x74: {  	_ =	shalt  }
0x75: {  	_ =	shalt  }
0x76: {  	_ =	shalt  }
0x77: {  	_ =	shalt  }
0x78: {  	_ =	shalt  }
0x79: {  	_ =	shalt  }
0x7a: {  	_ =	shalt  }
0x7b: {  	_ =	shalt  }
0x7c: {  	_ =	shalt  }
0x7d: {  	_ =	shalt  }
0x7e: {  	_ =	shalt  }
0x7f: {  	_ =	shalt  }
0x80: {  	_ =	shalt  }
0x81: {  	_ =	shalt  }
0x82: {  	_ =	shalt  }
0x83: {  	_ =	shalt  }
0x84: {  	_ =	shalt  }
0x85: {  	_ =	shalt  }
0x86: {  	_ =	shalt  }
0x87: {  	_ =	shalt  }
.Lfunc_end0:
.L_simem_size_0:
called_computation.3_lowered:
.L_overlay_start_0:
0x88: {  	s2 =	sld [smem:$0x3FD9]  }
0x89: {  	s3 =	sld [smem:$0x3FFE];
	_ =	sdelay $0x1  }
0x8a: {  	s1 =	srdreg.scid  }
0x8b: {  	s0 =	sand.u32 $0x1, s1  }
0x8c: {  	s14 =	sshll.u32 s0, $0xA;
	s2 =	sadd.s32 s3, s2  }
0x8d: {  	s2 =	sadd.s32 s2, s14  }
0x8e: {  	[smem:$0x3FBC] =	sst s2  }
0x8f: {  	_ = 	snop  }
0x90: {  	s2 =	sld [smem:$0x3FD0];
	_ =	sdelay $0x2  }
0x91: {  	s15 =	simm.s32 $0xA;
	s4 =	simm.s32 $0x10  }
0x92: {  	[smem:s4], [sflag:s15] =	dma.local [hbm:s2], $0x1  }
0x93: {  	_ =	swait.eq [sflag:s15], $0x1  }
0x94: {  	[sflag:s15] =	ssyncset.done $0x0  }
0x95: {  	[sflag:s15] =	ssyncadd.s32 $0xFFFFFFFF  }
0x96: {  	s16 =	sld [smem:$0x10];
	(tm) =	ssettm $0x1  }
0x97: {  	s17 =	sld [smem:$0x3FFB];
	_ =	sdelay $0x3  }
0x98: {  	_ =	strace s17  }
0x99: {  	s3 =	sld [smem:$0x3FFC];
	_ =	sdelay $0x3  }
0x9a: {  	_ =	strace s3  }
0x9b: {  	s3 =	sld [smem:$0x3FFD];
	_ =	sdelay $0x3  }
0x9c: {  	_ =	strace s3  }
0x9d: {  	_ =	strace $0x8FFFFFFF  }
0x9e: {  	s18 =	sld [smem:$0x3FDB];
	_ =	sdelay $0x1  }
0x9f: {  	s19 =	simm.s32 $_scs_section_size  }
0xa0: {  	s5 =	simm.s32 $_size__tile_overlayer_lowered;
	s6 =	simm.s32 $_tile_overlayer_lowered  }
0xa1: {  	s22 =	simm.s32 $0x1BFF;
	s21 =	sshll.u32 s6, $0x1;
	s3 =	sadd.s32 s19, s18  }
0xa2: {  	s7 =	simm.s32 $0x0;
	s20 =	sshll.u32 s5, $0x1;
	s5 =	sadd.s32 s21, s3  }
0xa3: {  	[timem:s7], [sflag:s22] =	dma.local [hbm:s5], s20  }
0xa4: {  	_ =	swait.ge [sflag:s22], s20  }
0xa5: {  	s4 =	ssub.s32 $0x0, s20;
	[sflag:s22] =	ssyncset.done $0x0  }
0xa6: {  	[sflag:s22] =	ssyncadd.s32 s4;
	_ =	sdelay $0x1  }
0xa7: {  	s23 =	simm.s32 $0x1B8B  }
0xa8: {  	_ =	swait.ge [sflag:s23], $0x1  }
0xa9: {  	[sflag:s23] =	ssyncset.done $0x0  }
0xaa: {  	s25 =	simm.s32 $0x1B8E;
	s24 =	sld [smem:$0x3FFE];
	[sflag:s23] =	ssyncadd.s32 $0xFFFFFFFF  }
0xab: {  	s26 =	simm.s32 $execute0_lowered;
	[smem:$0x3FD2] =	sst s25  }
0xac: {  	s5 =	sshll.u32 s26, $0x1;
	_ =	strace $0x80000049;
	[dreg:$0x1] =	wrdreg $0xFFFFFFFF  }
0xad: {  	s28 =	simm.s32 $_size_execute0_lowered;
	s3 =	sadd.s32 s3, s5;
	[dreg:$0x0] =	wrdreg $0x0  }
0xae: {  	s5 =	sshll.u32 s28, $0x1;
	[dreg:$0x2] =	wrdreg s3  }
0xaf: {  	[dreg:$0x3] =	wrdreg s5  }
0xb0: {  	[dreg:$0x4] =	wrdreg $0xC0  }
0xb1: {  	_ =	task [dreg:s7], $0x5FFFF  }
0xb2: {  	[dreg:$0x1] =	wrdreg $0xFFFFFFFF  }
0xb3: {  	[dreg:$0x0] =	wrdreg $0x60  }
0xb4: {  	[dreg:$0x2] =	wrdreg s16  }
0xb5: {  	[dreg:$0x3] =	wrdreg s24  }
0xb6: {  	[dreg:$0x4] =	wrdreg $0x9  }
0xb7: {  	_ =	task.clear_ibuf [dreg:s7], $0x5FFFF;
	_ =	strace $0x90000049  }
0xb8: {  	s29 =	simm.s32 $0x9;
	_ =	strace $0x8000004B  }
0xb9: {  	_ =	swait.ge [sflag:s29], $0x1  }
0xba: {  	[sflag:s29] =	ssyncadd.s32 $0xFFFFFFFF  }
0xbb: {  	_ =	strace $0x9000004B  }
0xbc: {  	_ =	sfence  }
0xbd: {  	s30 =	sld [smem:$0x0];
	_ =	sdelay $0x2  }
0xbe: {  	s31 =	sshll.u32 s1, $0xD;
	s1 =	sshrl.u32 s1, $0x2  }
0xbf: {  	s3 =	sand.u32 $0x4000, s31;
	s1 =	sadd.s32 s1, s30  }
0xc0: {  	s0 =	sor.u32 s3, s0;
	s1 =	sshll.u32 s1, $0x11  }
0xc1: {  	s0 =	sor.u32 s1, s0  }
0xc2: {  	s0 =	sadd.s32 $0x8F2B, s0  }
0xc3: {  	[sflag:s0] =	ssyncadd.remote.s32 $0x1  }
0xc4: {  	_ =	sfence.sel $0xFFFF  }
0xc5: {  	[dreg:$0x0] =	wrdreg $0xFFFFFFFF;
	(pc) =	sbr.abs _section_cstart, $3  }
0xc6: {  	[dreg:$0x1] =	wrdreg $0xFFFFFFFF  }
0xc7: {  	_ =	task.clear_ibuf [dreg:s7], $0x2FFFF;
	_ =	strace $0x9FFFFFFF  }
0xc8: {  	(tm) =	ssettm $0x7FFFFFFF  }
0xc9: {  	_ =	shalt  }
tec
execute0_lowered:
.L_overlay_start_1:
0x0: {  	(tag) =	ssettag $0x1  }
0x1: {  	s2 =	rddreg [dreg:$0x0]  }
0x2: {  	s0 =	rddreg [dreg:$0x1]  }
0x3: {  	s1 =	srdreg.scid;
	s4 =	stileid.u32;
	s3 =	simm.s32 $0x0  }
0x4: {  	s16 =	simm.s32 $0x900;
	s17 =	simm.s32 $0x1100;
	s18 =	simm.s32 $0x1900  }
0x5: {  	s19 =	simm.s32 $0x2100;
	s20 =	simm.s32 $0x2900;
	s21 =	simm.s32 $0x3100  }
0x6: {  	s22 =	simm.s32 $0x3900;
	s23 =	simm.s32 $0x4100;
	s24 =	simm.s32 $0x4900  }
0x7: {  	s28 =	simm.s32 $0x6100;
	s29 =	simm.s32 $0x6900;
	s30 =	simm.s32 $0x7100  }
0x8: {  	s31 =	simm.s32 $0x7900;
	s8 =	simm.s32 $0x9100;
	s9 =	simm.s32 $0x9900  }
0x9: {  	s10 =	simm.s32 $0xA100;
	s11 =	simm.s32 $0xA900;
	s1 =	sand.u32 $0x1, s1  }
0xa: {  	s12 =	simm.s32 $0xB100;
	s4 =	sshll.u32 s4, $0x9;
	s5 =	sshll.u32 s1, $0x8  }
0xb: {  	s13 =	simm.s32 $0xB900;
	s7 =	simm.s32 $0xC100;
	s4 =	sor.u32 s5, s4  }
0xc: {  	s14 =	simm.s32 $0xC900;
	[smem:$0x7FF] =	sst s3;
	s5 =	sshrl.u32 s4, $0x3  }
0xd: {  	_ =	strace $0x8000004A;
	s4 =	sshll.u32 s4, $0x6;
	s5 =	sadd.s32 s5, s0  }
0xe: {  	s1 =	ssub.s32 $0x2, s1;
	s0 =	sadd.s32 s4, s0;
	s5 =	sadd.s32 $0x54A00, s5  }
0xf: {  	s25 =	sshrl.u32 s1, $0x1;
	s26 =	sadd.s32 $0x54E00, s0;
	[dreg:$0x3] =	wrdreg s5  }
0x10: {  	v2 =	vlaneseq.u32;
	s1 =	ssub.s32 s1, s25;
	s0 =	sadd.s32 $0x56E00, s0;
	[dreg:$0x4] =	wrdreg s26  }
0x11: {  	vm0 =	vmmov $0xffff;
	v1 =	vshrl.u32 v2, $0x3;
	s25 =	simm.s32 $0x5100;
	s4 =	sadd.s32 $0x100, s2;
	[dreg:$0x5] =	wrdreg s0  }
0x12: {  	v0 =	vand.u32 $0x7, v2;
	v2 =	vor.u32 $0x8, v2;
	v1 =	vmul.u32 $0x8, v1;
	s5 =	smax.u32 s1, $0x1;
	s1 =	simm.s32 $0x2;
	s26 =	simm.s32 $0x5900  }
.LBB2_1:
0x13: {  	s15 =	rddreg [dreg:$0x3]  }
0x14: {  	[tilespmem:s3], [sflag:$0x2] =	stream.linear.gather [hbm4b:s15+s3], $0x100, $0x38;
	[tilespmem:$0x10100] =	vst v63  }
0x15: {  	_ =	swait.ge [sflag:s1], $0x100  }
0x16: {  	[sflag:s1] =	ssyncset.done $0x0  }
0x17: {  	[sflag:s1] =	ssyncadd.s32 $0xFFFFFF00  }
0x18: {  	v3 =	vld [tilespmem:$0x0]  }
0x19: {  	v4 =	vld [tilespmem:$0x10]  }
0x1a: {  	v5 =	vld [tilespmem:$0x20]  }
0x1b: {  	v6 =	vld [tilespmem:$0x30]  }
0x1c: {  	v7 =	vld [tilespmem:$0x40]  }
0x1d: {  	v8 =	vld [tilespmem:$0x50];
	vm1 =	vgt.s32 v3, $0x0  }
0x1e: {  	v9 =	vld [tilespmem:$0x60];
	v3 =	vnsel vm1, $0x0, v3;
	vm1 =	vgt.s32 v4, $0x0  }
0x1f: {  	v10 =	vld [tilespmem:$0x70];
	v3 =	vmin.u32 v3, $0x7FF;
	v4 =	vnsel vm1, $0x0, v4;
	vm1 =	vgt.s32 v5, $0x0  }
0x20: {  	v11 =	vld [tilespmem:$0x80];
	v4 =	vmin.u32 v4, $0x7FF;
	v5 =	vnsel vm1, $0x0, v5;
	vm1 =	vgt.s32 v6, $0x0  }
0x21: {  	v36 =	vshll.u32 v3, $0x2;
	v6 =	vnsel vm1, $0x0, v6;
	vm1 =	vgt.s32 v7, $0x0  }
0x22: {  	v12 =	vld [tilespmem:$0x90];
	[tilespmem:$0x0] =	vst v3;
	v3 =	vand.u32 $0x7, v3;
	v7 =	vnsel vm1, $0x0, v7;
	vm1 =	vgt.s32 v8, $0x0  }
0x23: {  	v24 =	vld [tilespmem:$0xA0];
	v5 =	vmin.u32 v5, $0x7FF;
	[tilespmem:$0x10] =	vst v4;
	v23 =	vnsel vm1, $0x0, v8;
	vm1 =	vgt.s32 v9, $0x0  }
0x24: {  	v27 =	vld [tilespmem:$0xB0];
	v6 =	vmin.u32 v6, $0x7FF;
	[tilespmem:$0x20] =	vst v5;
	v26 =	vnsel vm1, $0x0, v9;
	vm1 =	vgt.s32 v10, $0x0  }
0x25: {  	v30 =	vld [tilespmem:$0xC0];
	v22 =	vmin.u32 v7, $0x7FF;
	[tilespmem:$0x30] =	vst v6;
	v29 =	vnsel vm1, $0x0, v10;
	vm1 =	vgt.s32 v11, $0x0  }
0x26: {  	v25 =	vmin.u32 v23, $0x7FF;
	[tilespmem:$0x40] =	vst v22;
	v28 =	vmin.u32 v26, $0x7FF;
	v32 =	vnsel vm1, $0x0, v11  }
0x27: {  	v35 =	vld [tilespmem:$0xD0];
	[tilespmem:$0x50] =	vst v25;
	v31 =	vmin.u32 v29, $0x7FF;
	vm1 =	vgt.s32 v12, $0x0;
	v33 =	vmin.u32 v32, $0x7FF  }
0x28: {  	v37 =	vld [tilespmem:$0xE0];
	[tilespmem:$0x60] =	vst v28;
	v34 =	vnsel vm1, $0x0, v12;
	vm1 =	vgt.s32 v24, $0x0;
	v12 =	vand.u32 $0x1FE0, v36  }
0x29: {  	v39 =	vld [tilespmem:$0xF0];
	[tilespmem:$0x70] =	vst v31;
	v38 =	vnsel vm1, $0x0, v24;
	vm1 =	vgt.s32 v27, $0x0;
	v3 =	vor.u32 v3, v12  }
0x2a: {  	[tilespmem:$0x80] =	vst v33;
	v40 =	vmin.u32 v34, $0x7FF;
	v41 =	vnsel vm1, $0x0, v27;
	vm1 =	vgt.s32 v30, $0x0  }
0x2b: {  	[tilespmem:$0x90] =	vst v40;
	v4 =	vmin.u32 v38, $0x7FF;
	v43 =	vperm.xlane v3, v0;
	v42 =	vnsel vm1, $0x0, v30  }
0x2c: {  	[tilespmem:$0xA0] =	vst v4;
	v44 =	vmin.u32 v41, $0x7FF;
	vm1 =	vgt.s32 v35, $0x0;
	v5 =	vmin.u32 v42, $0x7FF  }
0x2d: {  	[tilespmem:$0xB0] =	vst v44;
	v45 =	vnsel vm1, $0x0, v35;
	vm1 =	vgt.s32 v37, $0x0;
	v46 =	vadd.s32 v1, v43  }
0x2e: {  	[tilespmem:$0xC0] =	vst v5;
	v4 =	vmin.u32 v45, $0x7FF;
	v47 =	vnsel vm1, $0x0, v37;
	vm1 =	vgt.s32 v39, $0x0  }
0x2f: {  	v3 =	vperm.xlane v3, v2;
	[tilespmem:$0xD0] =	vst v4;
	v48 =	vnsel vm1, $0x0, v39;
	v5 =	vmin.u32 v47, $0x7FF  }
0x30: {  	[tilespmem:$0xE0] =	vst v5;
	v4 =	vmin.u32 v48, $0x7FF  }
0x31: {  	s0 =	simm.s32 $0x100;
	v3 =	vadd.s32 v1, v3;
	[tilespmem:$0xF0] =	vst v4  }
0x32: {  	[tilespmem:s0], [sflag:$0x1] =	stream.indirect_vreg.gather [hbm4b:s2+s3], $0x80, v46, vm0, $0xb8;
	[tilespmem:$0x10100] =	vst v63  }
0x33: {  	_ = 	snop  }
0x34: {  	[tilespmem:s16], [sflag:$0x1] =	stream.indirect_vreg.gather [hbm4b:s4+s3], $0x80, v46, vm0, $0xb8;
	[tilespmem:$0x10100] =	vst v63  }
0x35: {  	_ = 	snop  }
0x36: {  	[tilespmem:s17], [sflag:$0x1] =	stream.indirect_vreg.gather [hbm4b:s2+s3], $0x80, v3, vm0, $0xb8;
	[tilespmem:$0x10100] =	vst v63  }
0x37: {  	_ = 	snop  }
0x38: {  	[tilespmem:s18], [sflag:$0x1] =	stream.indirect_vreg.gather [hbm4b:s4+s3], $0x80, v3, vm0, $0xb8;
	[tilespmem:$0x10100] =	vst v63  }
0x39: {  	v3 =	vld [tilespmem:$0x10];
	_ =	sdelay $0x4  }
0x3a: {  	v49 =	vshll.u32 v3, $0x2  }
0x3b: {  	v3 =	vand.u32 $0x7, v3;
	v4 =	vand.u32 $0xFFFFFFE0, v49  }
0x3c: {  	v3 =	vor.u32 v3, v4  }
0x3d: {  	v4 =	vperm.xlane v3, v0;
	_ =	sdelay $0x1  }
0x3e: {  	v4 =	vadd.s32 v1, v4;
	_ =	sdelay $0x1  }
0x3f: {  	v3 =	vperm.xlane v3, v2;
	_ =	sdelay $0x1  }
0x40: {  	v3 =	vadd.s32 v1, v3  }
0x41: {  	[tilespmem:s19], [sflag:$0x1] =	stream.indirect_vreg.gather [hbm4b:s2+s3], $0x80, v4, vm0, $0xb8;
	[tilespmem:$0x10100] =	vst v63  }
0x42: {  	_ = 	snop  }
0x43: {  	[tilespmem:s20], [sflag:$0x1] =	stream.indirect_vreg.gather [hbm4b:s4+s3], $0x80, v4, vm0, $0xb8;
	[tilespmem:$0x10100] =	vst v63  }
0x44: {  	_ = 	snop  }
0x45: {  	[tilespmem:s21], [sflag:$0x1] =	stream.indirect_vreg.gather [hbm4b:s2+s3], $0x80, v3, vm0, $0xb8;
	[tilespmem:$0x10100] =	vst v63  }
0x46: {  	_ = 	snop  }
0x47: {  	[tilespmem:s22], [sflag:$0x1] =	stream.indirect_vreg.gather [hbm4b:s4+s3], $0x80, v3, vm0, $0xb8;
	[tilespmem:$0x10100] =	vst v63  }
0x48: {  	v3 =	vld [tilespmem:$0x20];
	_ =	sdelay $0x4  }
0x49: {  	v50 =	vshll.u32 v3, $0x2  }
0x4a: {  	v3 =	vand.u32 $0x7, v3;
	v4 =	vand.u32 $0xFFFFFFE0, v50  }
0x4b: {  	v3 =	vor.u32 v3, v4  }
0x4c: {  	v4 =	vperm.xlane v3, v0;
	_ =	sdelay $0x1  }
0x4d: {  	v4 =	vadd.s32 v1, v4;
	_ =	sdelay $0x1  }
0x4e: {  	v3 =	vperm.xlane v3, v2;
	_ =	sdelay $0x1  }
0x4f: {  	v3 =	vadd.s32 v1, v3  }
0x50: {  	[tilespmem:s23], [sflag:$0x1] =	stream.indirect_vreg.gather [hbm4b:s2+s3], $0x80, v4, vm0, $0xb8;
	[tilespmem:$0x10100] =	vst v63  }
0x51: {  	_ = 	snop  }
0x52: {  	[tilespmem:s24], [sflag:$0x1] =	stream.indirect_vreg.gather [hbm4b:s4+s3], $0x80, v4, vm0, $0xb8;
	[tilespmem:$0x10100] =	vst v63  }
0x53: {  	_ = 	snop  }
0x54: {  	[tilespmem:s25], [sflag:$0x1] =	stream.indirect_vreg.gather [hbm4b:s2+s3], $0x80, v3, vm0, $0xb8;
	[tilespmem:$0x10100] =	vst v63  }
0x55: {  	_ = 	snop  }
0x56: {  	[tilespmem:s26], [sflag:$0x1] =	stream.indirect_vreg.gather [hbm4b:s4+s3], $0x80, v3, vm0, $0xb8;
	[tilespmem:$0x10100] =	vst v63  }
0x57: {  	v3 =	vld [tilespmem:$0x30];
	_ =	sdelay $0x4  }
0x58: {  	v51 =	vshll.u32 v3, $0x2  }
0x59: {  	v3 =	vand.u32 $0x7, v3;
	v4 =	vand.u32 $0xFFFFFFE0, v51  }
0x5a: {  	v3 =	vor.u32 v3, v4  }
0x5b: {  	v4 =	vperm.xlane v3, v0;
	_ =	sdelay $0x1  }
0x5c: {  	v4 =	vadd.s32 v1, v4;
	_ =	sdelay $0x1  }
0x5d: {  	v3 =	vperm.xlane v3, v2;
	_ =	sdelay $0x1  }
0x5e: {  	v3 =	vadd.s32 v1, v3  }
0x5f: {  	[tilespmem:s28], [sflag:$0x1] =	stream.indirect_vreg.gather [hbm4b:s2+s3], $0x80, v4, vm0, $0xb8;
	[tilespmem:$0x10100] =	vst v63  }
0x60: {  	_ = 	snop  }
0x61: {  	[tilespmem:s29], [sflag:$0x1] =	stream.indirect_vreg.gather [hbm4b:s4+s3], $0x80, v4, vm0, $0xb8;
	[tilespmem:$0x10100] =	vst v63  }
0x62: {  	_ = 	snop  }
0x63: {  	[tilespmem:s30], [sflag:$0x1] =	stream.indirect_vreg.gather [hbm4b:s2+s3], $0x80, v3, vm0, $0xb8;
	[tilespmem:$0x10100] =	vst v63  }
0x64: {  	_ = 	snop  }
0x65: {  	[tilespmem:s31], [sflag:$0x1] =	stream.indirect_vreg.gather [hbm4b:s4+s3], $0x80, v3, vm0, $0xb8;
	[tilespmem:$0x10100] =	vst v63  }
0x66: {  	v3 =	vld [tilespmem:$0x40];
	_ =	sdelay $0x4  }
0x67: {  	v52 =	vshll.u32 v3, $0x2  }
0x68: {  	v3 =	vand.u32 $0x7, v3;
	v4 =	vand.u32 $0xFFFFFFE0, v52  }
0x69: {  	v3 =	vor.u32 v3, v4  }
0x6a: {  	v4 =	vperm.xlane v3, v0;
	_ =	sdelay $0x1  }
0x6b: {  	v4 =	vadd.s32 v1, v4;
	_ =	sdelay $0x1  }
0x6c: {  	v3 =	vperm.xlane v3, v2;
	_ =	sdelay $0x1  }
0x6d: {  	s15 =	simm.s32 $0x8100;
	v3 =	vadd.s32 v1, v3  }
0x6e: {  	[tilespmem:s15], [sflag:$0x1] =	stream.indirect_vreg.gather [hbm4b:s2+s3], $0x80, v4, vm0, $0xb8;
	[tilespmem:$0x10100] =	vst v63  }
0x6f: {  	s6 =	simm.s32 $0x8900  }
0x70: {  	[tilespmem:s6], [sflag:$0x1] =	stream.indirect_vreg.gather [hbm4b:s4+s3], $0x80, v4, vm0, $0xb8;
	[tilespmem:$0x10100] =	vst v63  }
0x71: {  	_ = 	snop  }
0x72: {  	[tilespmem:s8], [sflag:$0x1] =	stream.indirect_vreg.gather [hbm4b:s2+s3], $0x80, v3, vm0, $0xb8;
	[tilespmem:$0x10100] =	vst v63  }
0x73: {  	_ = 	snop  }
0x74: {  	[tilespmem:s9], [sflag:$0x1] =	stream.indirect_vreg.gather [hbm4b:s4+s3], $0x80, v3, vm0, $0xb8;
	[tilespmem:$0x10100] =	vst v63  }
0x75: {  	v3 =	vld [tilespmem:$0x50];
	_ =	sdelay $0x4  }
0x76: {  	v53 =	vshll.u32 v3, $0x2  }
0x77: {  	v3 =	vand.u32 $0x7, v3;
	v4 =	vand.u32 $0xFFFFFFE0, v53  }
0x78: {  	v3 =	vor.u32 v3, v4  }
0x79: {  	v4 =	vperm.xlane v3, v0;
	_ =	sdelay $0x1  }
0x7a: {  	v4 =	vadd.s32 v1, v4;
	_ =	sdelay $0x1  }
0x7b: {  	v3 =	vperm.xlane v3, v2;
	_ =	sdelay $0x1  }
0x7c: {  	v3 =	vadd.s32 v1, v3  }
0x7d: {  	[tilespmem:s10], [sflag:$0x1] =	stream.indirect_vreg.gather [hbm4b:s2+s3], $0x80, v4, vm0, $0xb8;
	[tilespmem:$0x10100] =	vst v63  }
0x7e: {  	_ = 	snop  }
0x7f: {  	[tilespmem:s11], [sflag:$0x1] =	stream.indirect_vreg.gather [hbm4b:s4+s3], $0x80, v4, vm0, $0xb8;
	[tilespmem:$0x10100] =	vst v63  }
0x80: {  	_ = 	snop  }
0x81: {  	[tilespmem:s12], [sflag:$0x1] =	stream.indirect_vreg.gather [hbm4b:s2+s3], $0x80, v3, vm0, $0xb8;
	[tilespmem:$0x10100] =	vst v63  }
0x82: {  	_ = 	snop  }
0x83: {  	[tilespmem:s13], [sflag:$0x1] =	stream.indirect_vreg.gather [hbm4b:s4+s3], $0x80, v3, vm0, $0xb8;
	[tilespmem:$0x10100] =	vst v63  }
0x84: {  	v3 =	vld [tilespmem:$0x60];
	_ =	sdelay $0x4  }
0x85: {  	v54 =	vshll.u32 v3, $0x2  }
0x86: {  	v3 =	vand.u32 $0x7, v3;
	v4 =	vand.u32 $0xFFFFFFE0, v54  }
0x87: {  	v3 =	vor.u32 v3, v4  }
0x88: {  	v4 =	vperm.xlane v3, v0;
	_ =	sdelay $0x1  }
0x89: {  	v4 =	vadd.s32 v1, v4;
	_ =	sdelay $0x1  }
0x8a: {  	v3 =	vperm.xlane v3, v2;
	_ =	sdelay $0x1  }
0x8b: {  	v3 =	vadd.s32 v1, v3  }
0x8c: {  	[tilespmem:s7], [sflag:$0x1] =	stream.indirect_vreg.gather [hbm4b:s2+s3], $0x80, v4, vm0, $0xb8;
	[tilespmem:$0x10100] =	vst v63  }
0x8d: {  	_ = 	snop  }
0x8e: {  	[tilespmem:s14], [sflag:$0x1] =	stream.indirect_vreg.gather [hbm4b:s4+s3], $0x80, v4, vm0, $0xb8;
	[tilespmem:$0x10100] =	vst v63  }
0x8f: {  	s15 =	simm.s32 $0xD100  }
0x90: {  	[tilespmem:s15], [sflag:$0x1] =	stream.indirect_vreg.gather [hbm4b:s2+s3], $0x80, v3, vm0, $0xb8;
	[tilespmem:$0x10100] =	vst v63  }
0x91: {  	s6 =	simm.s32 $0xD900  }
0x92: {  	[tilespmem:s6], [sflag:$0x1] =	stream.indirect_vreg.gather [hbm4b:s4+s3], $0x80, v3, vm0, $0xb8;
	[tilespmem:$0x10100] =	vst v63  }
0x93: {  	v3 =	vld [tilespmem:$0x70];
	_ =	sdelay $0x4  }
0x94: {  	v55 =	vshll.u32 v3, $0x2  }
0x95: {  	v3 =	vand.u32 $0x7, v3;
	v4 =	vand.u32 $0xFFFFFFE0, v55  }
0x96: {  	v3 =	vor.u32 v3, v4  }
0x97: {  	v4 =	vperm.xlane v3, v0;
	_ =	sdelay $0x1  }
0x98: {  	v4 =	vadd.s32 v1, v4;
	_ =	sdelay $0x1  }
0x99: {  	v3 =	vperm.xlane v3, v2;
	_ =	sdelay $0x1  }
0x9a: {  	s15 =	simm.s32 $0xE100;
	v3 =	vadd.s32 v1, v3  }
0x9b: {  	[tilespmem:s15], [sflag:$0x1] =	stream.indirect_vreg.gather [hbm4b:s2+s3], $0x80, v4, vm0, $0xb8;
	[tilespmem:$0x10100] =	vst v63  }
0x9c: {  	s6 =	simm.s32 $0xE900  }
0x9d: {  	[tilespmem:s6], [sflag:$0x1] =	stream.indirect_vreg.gather [hbm4b:s4+s3], $0x80, v4, vm0, $0xb8;
	[tilespmem:$0x10100] =	vst v63  }
0x9e: {  	s15 =	simm.s32 $0xF100  }
0x9f: {  	[tilespmem:s15], [sflag:$0x1] =	stream.indirect_vreg.gather [hbm4b:s2+s3], $0x80, v3, vm0, $0xb8;
	[tilespmem:$0x10100] =	vst v63  }
0xa0: {  	s0 =	simm.s32 $0x1;
	s6 =	simm.s32 $0xF900  }
0xa1: {  	[tilespmem:s6], [sflag:$0x1] =	stream.indirect_vreg.gather [hbm4b:s4+s3], $0x80, v3, vm0, $0xb8;
	[tilespmem:$0x10100] =	vst v63  }
0xa2: {  	_ =	swait.ge [sflag:s0], $0x10000  }
0xa3: {  	[sflag:s0] =	ssyncset.done $0x0  }
0xa4: {  	s6 =	simm.s32 $0x100;
	s15 =	rddreg [dreg:$0x4];
	[sflag:s0] =	ssyncadd.s32 $0xFFFF0000  }
0xa5: {  	[hbm4b:s15+s3] =	stream.linear.scatter [tilespmem:s6], [sflag:$0x2], $0x10000, $0x38;
	[tilespmem:$0x10100] =	vst v63  }
0xa6: {  	_ =	swait.ge [sflag:s1], $0x10000  }
0xa7: {  	[sflag:s1] =	ssyncset.done $0x0  }
0xa8: {  	[sflag:s1] =	ssyncadd.s32 $0xFFFF0000  }
0xa9: {  	v3 =	vld [tilespmem:$0x80];
	_ =	sdelay $0x4  }
0xaa: {  	v56 =	vshll.u32 v3, $0x2  }
0xab: {  	v3 =	vand.u32 $0x7, v3;
	v4 =	vand.u32 $0xFFFFFFE0, v56  }
0xac: {  	v3 =	vor.u32 v3, v4  }
0xad: {  	v4 =	vperm.xlane v3, v0;
	_ =	sdelay $0x1  }
0xae: {  	v4 =	vadd.s32 v1, v4;
	_ =	sdelay $0x1  }
0xaf: {  	v3 =	vperm.xlane v3, v2;
	_ =	sdelay $0x1  }
0xb0: {  	v3 =	vadd.s32 v1, v3  }
0xb1: {  	[tilespmem:s6], [sflag:$0x1] =	stream.indirect_vreg.gather [hbm4b:s2+s3], $0x80, v4, vm0, $0xb8;
	[tilespmem:$0x10100] =	vst v63  }
0xb2: {  	_ = 	snop  }
0xb3: {  	[tilespmem:s16], [sflag:$0x1] =	stream.indirect_vreg.gather [hbm4b:s4+s3], $0x80, v4, vm0, $0xb8;
	[tilespmem:$0x10100] =	vst v63  }
0xb4: {  	_ = 	snop  }
0xb5: {  	[tilespmem:s17], [sflag:$0x1] =	stream.indirect_vreg.gather [hbm4b:s2+s3], $0x80, v3, vm0, $0xb8;
	[tilespmem:$0x10100] =	vst v63  }
0xb6: {  	_ = 	snop  }
0xb7: {  	[tilespmem:s18], [sflag:$0x1] =	stream.indirect_vreg.gather [hbm4b:s4+s3], $0x80, v3, vm0, $0xb8;
	[tilespmem:$0x10100] =	vst v63  }
0xb8: {  	v3 =	vld [tilespmem:$0x90];
	_ =	sdelay $0x4  }
0xb9: {  	v57 =	vshll.u32 v3, $0x2  }
0xba: {  	v3 =	vand.u32 $0x7, v3;
	v4 =	vand.u32 $0xFFFFFFE0, v57  }
0xbb: {  	v3 =	vor.u32 v3, v4  }
0xbc: {  	v4 =	vperm.xlane v3, v0;
	_ =	sdelay $0x1  }
0xbd: {  	v4 =	vadd.s32 v1, v4;
	_ =	sdelay $0x1  }
0xbe: {  	v3 =	vperm.xlane v3, v2;
	_ =	sdelay $0x1  }
0xbf: {  	v3 =	vadd.s32 v1, v3  }
0xc0: {  	[tilespmem:s19], [sflag:$0x1] =	stream.indirect_vreg.gather [hbm4b:s2+s3], $0x80, v4, vm0, $0xb8;
	[tilespmem:$0x10100] =	vst v63  }
0xc1: {  	_ = 	snop  }
0xc2: {  	[tilespmem:s20], [sflag:$0x1] =	stream.indirect_vreg.gather [hbm4b:s4+s3], $0x80, v4, vm0, $0xb8;
	[tilespmem:$0x10100] =	vst v63  }
0xc3: {  	_ = 	snop  }
0xc4: {  	[tilespmem:s21], [sflag:$0x1] =	stream.indirect_vreg.gather [hbm4b:s2+s3], $0x80, v3, vm0, $0xb8;
	[tilespmem:$0x10100] =	vst v63  }
0xc5: {  	_ = 	snop  }
0xc6: {  	[tilespmem:s22], [sflag:$0x1] =	stream.indirect_vreg.gather [hbm4b:s4+s3], $0x80, v3, vm0, $0xb8;
	[tilespmem:$0x10100] =	vst v63  }
0xc7: {  	v3 =	vld [tilespmem:$0xA0];
	_ =	sdelay $0x4  }
0xc8: {  	v58 =	vshll.u32 v3, $0x2  }
0xc9: {  	v3 =	vand.u32 $0x7, v3;
	v4 =	vand.u32 $0xFFFFFFE0, v58  }
0xca: {  	v3 =	vor.u32 v3, v4  }
0xcb: {  	v4 =	vperm.xlane v3, v0;
	_ =	sdelay $0x1  }
0xcc: {  	v4 =	vadd.s32 v1, v4;
	_ =	sdelay $0x1  }
0xcd: {  	v3 =	vperm.xlane v3, v2;
	_ =	sdelay $0x1  }
0xce: {  	v3 =	vadd.s32 v1, v3  }
0xcf: {  	[tilespmem:s23], [sflag:$0x1] =	stream.indirect_vreg.gather [hbm4b:s2+s3], $0x80, v4, vm0, $0xb8;
	[tilespmem:$0x10100] =	vst v63  }
0xd0: {  	_ = 	snop  }
0xd1: {  	[tilespmem:s24], [sflag:$0x1] =	stream.indirect_vreg.gather [hbm4b:s4+s3], $0x80, v4, vm0, $0xb8;
	[tilespmem:$0x10100] =	vst v63  }
0xd2: {  	_ = 	snop  }
0xd3: {  	[tilespmem:s25], [sflag:$0x1] =	stream.indirect_vreg.gather [hbm4b:s2+s3], $0x80, v3, vm0, $0xb8;
	[tilespmem:$0x10100] =	vst v63  }
0xd4: {  	_ = 	snop  }
0xd5: {  	[tilespmem:s26], [sflag:$0x1] =	stream.indirect_vreg.gather [hbm4b:s4+s3], $0x80, v3, vm0, $0xb8;
	[tilespmem:$0x10100] =	vst v63  }
0xd6: {  	v3 =	vld [tilespmem:$0xB0];
	_ =	sdelay $0x4  }
0xd7: {  	v59 =	vshll.u32 v3, $0x2  }
0xd8: {  	v3 =	vand.u32 $0x7, v3;
	v4 =	vand.u32 $0xFFFFFFE0, v59  }
0xd9: {  	v3 =	vor.u32 v3, v4  }
0xda: {  	v4 =	vperm.xlane v3, v0;
	_ =	sdelay $0x1  }
0xdb: {  	v4 =	vadd.s32 v1, v4;
	_ =	sdelay $0x1  }
0xdc: {  	v3 =	vperm.xlane v3, v2;
	_ =	sdelay $0x1  }
0xdd: {  	v3 =	vadd.s32 v1, v3  }
0xde: {  	[tilespmem:s28], [sflag:$0x1] =	stream.indirect_vreg.gather [hbm4b:s2+s3], $0x80, v4, vm0, $0xb8;
	[tilespmem:$0x10100] =	vst v63  }
0xdf: {  	_ = 	snop  }
0xe0: {  	[tilespmem:s29], [sflag:$0x1] =	stream.indirect_vreg.gather [hbm4b:s4+s3], $0x80, v4, vm0, $0xb8;
	[tilespmem:$0x10100] =	vst v63  }
0xe1: {  	_ = 	snop  }
0xe2: {  	[tilespmem:s30], [sflag:$0x1] =	stream.indirect_vreg.gather [hbm4b:s2+s3], $0x80, v3, vm0, $0xb8;
	[tilespmem:$0x10100] =	vst v63  }
0xe3: {  	_ = 	snop  }
0xe4: {  	[tilespmem:s31], [sflag:$0x1] =	stream.indirect_vreg.gather [hbm4b:s4+s3], $0x80, v3, vm0, $0xb8;
	[tilespmem:$0x10100] =	vst v63  }
0xe5: {  	v3 =	vld [tilespmem:$0xC0];
	_ =	sdelay $0x4  }
0xe6: {  	v60 =	vshll.u32 v3, $0x2  }
0xe7: {  	v3 =	vand.u32 $0x7, v3;
	v4 =	vand.u32 $0xFFFFFFE0, v60  }
0xe8: {  	v3 =	vor.u32 v3, v4  }
0xe9: {  	v4 =	vperm.xlane v3, v0;
	_ =	sdelay $0x1  }
0xea: {  	v4 =	vadd.s32 v1, v4;
	_ =	sdelay $0x1  }
0xeb: {  	v3 =	vperm.xlane v3, v2;
	_ =	sdelay $0x1  }
0xec: {  	s15 =	simm.s32 $0x8100;
	v3 =	vadd.s32 v1, v3  }
0xed: {  	[tilespmem:s15], [sflag:$0x1] =	stream.indirect_vreg.gather [hbm4b:s2+s3], $0x80, v4, vm0, $0xb8;
	[tilespmem:$0x10100] =	vst v63  }
0xee: {  	s15 =	simm.s32 $0x8900  }
0xef: {  	[tilespmem:s15], [sflag:$0x1] =	stream.indirect_vreg.gather [hbm4b:s4+s3], $0x80, v4, vm0, $0xb8;
	[tilespmem:$0x10100] =	vst v63  }
0xf0: {  	_ = 	snop  }
0xf1: {  	[tilespmem:s8], [sflag:$0x1] =	stream.indirect_vreg.gather [hbm4b:s2+s3], $0x80, v3, vm0, $0xb8;
	[tilespmem:$0x10100] =	vst v63  }
0xf2: {  	_ = 	snop  }
0xf3: {  	[tilespmem:s9], [sflag:$0x1] =	stream.indirect_vreg.gather [hbm4b:s4+s3], $0x80, v3, vm0, $0xb8;
	[tilespmem:$0x10100] =	vst v63  }
0xf4: {  	v3 =	vld [tilespmem:$0xD0];
	_ =	sdelay $0x4  }
0xf5: {  	v61 =	vshll.u32 v3, $0x2  }
0xf6: {  	v3 =	vand.u32 $0x7, v3;
	v4 =	vand.u32 $0xFFFFFFE0, v61  }
0xf7: {  	v3 =	vor.u32 v3, v4  }
0xf8: {  	v4 =	vperm.xlane v3, v0;
	_ =	sdelay $0x1  }
0xf9: {  	v4 =	vadd.s32 v1, v4;
	_ =	sdelay $0x1  }
0xfa: {  	v3 =	vperm.xlane v3, v2;
	_ =	sdelay $0x1  }
0xfb: {  	v3 =	vadd.s32 v1, v3  }
0xfc: {  	[tilespmem:s10], [sflag:$0x1] =	stream.indirect_vreg.gather [hbm4b:s2+s3], $0x80, v4, vm0, $0xb8;
	[tilespmem:$0x10100] =	vst v63  }
0xfd: {  	_ = 	snop  }
0xfe: {  	[tilespmem:s11], [sflag:$0x1] =	stream.indirect_vreg.gather [hbm4b:s4+s3], $0x80, v4, vm0, $0xb8;
	[tilespmem:$0x10100] =	vst v63  }
0xff: {  	_ = 	snop  }
0x100: {  	[tilespmem:s12], [sflag:$0x1] =	stream.indirect_vreg.gather [hbm4b:s2+s3], $0x80, v3, vm0, $0xb8;
	[tilespmem:$0x10100] =	vst v63  }
0x101: {  	_ = 	snop  }
0x102: {  	[tilespmem:s13], [sflag:$0x1] =	stream.indirect_vreg.gather [hbm4b:s4+s3], $0x80, v3, vm0, $0xb8;
	[tilespmem:$0x10100] =	vst v63  }
0x103: {  	v3 =	vld [tilespmem:$0xE0];
	_ =	sdelay $0x4  }
0x104: {  	v62 =	vshll.u32 v3, $0x2  }
0x105: {  	v3 =	vand.u32 $0x7, v3;
	v4 =	vand.u32 $0xFFFFFFE0, v62  }
0x106: {  	v3 =	vor.u32 v3, v4  }
0x107: {  	v4 =	vperm.xlane v3, v0;
	_ =	sdelay $0x1  }
0x108: {  	v4 =	vadd.s32 v1, v4;
	_ =	sdelay $0x1  }
0x109: {  	v3 =	vperm.xlane v3, v2;
	_ =	sdelay $0x1  }
0x10a: {  	v3 =	vadd.s32 v1, v3  }
0x10b: {  	[tilespmem:s7], [sflag:$0x1] =	stream.indirect_vreg.gather [hbm4b:s2+s3], $0x80, v4, vm0, $0xb8;
	[tilespmem:$0x10100] =	vst v63  }
0x10c: {  	_ = 	snop  }
0x10d: {  	[tilespmem:s14], [sflag:$0x1] =	stream.indirect_vreg.gather [hbm4b:s4+s3], $0x80, v4, vm0, $0xb8;
	[tilespmem:$0x10100] =	vst v63  }
0x10e: {  	s15 =	simm.s32 $0xD100  }
0x10f: {  	[tilespmem:s15], [sflag:$0x1] =	stream.indirect_vreg.gather [hbm4b:s2+s3], $0x80, v3, vm0, $0xb8;
	[tilespmem:$0x10100] =	vst v63  }
0x110: {  	s15 =	simm.s32 $0xD900  }
0x111: {  	[tilespmem:s15], [sflag:$0x1] =	stream.indirect_vreg.gather [hbm4b:s4+s3], $0x80, v3, vm0, $0xb8;
	[tilespmem:$0x10100] =	vst v63  }
0x112: {  	v3 =	vld [tilespmem:$0xF0];
	_ =	sdelay $0x4  }
0x113: {  	v63 =	vshll.u32 v3, $0x2  }
0x114: {  	v3 =	vand.u32 $0x7, v3;
	v4 =	vand.u32 $0xFFFFFFE0, v63  }
0x115: {  	v3 =	vor.u32 v3, v4  }
0x116: {  	v4 =	vperm.xlane v3, v0;
	_ =	sdelay $0x1  }
0x117: {  	v4 =	vadd.s32 v1, v4;
	_ =	sdelay $0x1  }
0x118: {  	v3 =	vperm.xlane v3, v2;
	_ =	sdelay $0x1  }
0x119: {  	s15 =	simm.s32 $0xE100;
	v3 =	vadd.s32 v1, v3  }
0x11a: {  	[tilespmem:s15], [sflag:$0x1] =	stream.indirect_vreg.gather [hbm4b:s2+s3], $0x80, v4, vm0, $0xb8;
	[tilespmem:$0x10100] =	vst v63  }
0x11b: {  	s15 =	simm.s32 $0xE900  }
0x11c: {  	[tilespmem:s15], [sflag:$0x1] =	stream.indirect_vreg.gather [hbm4b:s4+s3], $0x80, v4, vm0, $0xb8;
	[tilespmem:$0x10100] =	vst v63  }
0x11d: {  	s15 =	simm.s32 $0xF100  }
0x11e: {  	[tilespmem:s15], [sflag:$0x1] =	stream.indirect_vreg.gather [hbm4b:s2+s3], $0x80, v3, vm0, $0xb8;
	[tilespmem:$0x10100] =	vst v63  }
0x11f: {  	s15 =	simm.s32 $0xF900  }
0x120: {  	[tilespmem:s15], [sflag:$0x1] =	stream.indirect_vreg.gather [hbm4b:s4+s3], $0x80, v3, vm0, $0xb8;
	[tilespmem:$0x10100] =	vst v63  }
0x121: {  	_ =	swait.ge [sflag:s0], $0x10000  }
0x122: {  	p0 =	sne.s32 s5, $0x1;
	s6 =	simm.s32 $0x100;
	[sflag:s0] =	ssyncset.done $0x0  }
.Ltmp0:
0x123: {  	s15 =	rddreg [dreg:$0x5];
	[sflag:s0] =	ssyncadd.s32 $0xFFFF0000;
	(pc) =	sbr.rel @p0 .LBB2_1-.Ltmp0, $4  }
0x124: {  	[hbm4b:s15+s3] =	stream.linear.scatter [tilespmem:s6], [sflag:$0x2], $0x10000, $0x38;
	[tilespmem:$0x10100] =	vst v63  }
0x125: {  	_ =	swait.ge [sflag:s1], $0x10000  }
0x126: {  	[sflag:s1] =	ssyncset.done $0x0  }
0x127: {  	s5 =	sadd.s32 $0xFFFFFFFF, s5;
	[sflag:s1] =	ssyncadd.s32 $0xFFFF0000  }
0x128: {  	_ =	sfence.sel $0x180000  }
0x129: {  	[bflag:$0x0] =	sbarrier.arrive $0xFFFF  }
0x12a: {  	_ =	strace $0x9000004A  }
0x12b: {  	s0 =	stileid.u32;
	[bflag:$0x2] =	sbarrier.arrive $0xFFFF  }
0x12c: {  	p0 =	sne.s32 s0, $0x0;
	s0 =	rddreg [dreg:$0x2]  }
0x12d: {  	s0 =	sadd.s32 @!p0 $0x100000, s0  }
0x12e: {  	[sflag:s0] =	ssyncadd.tile.s32 @!p0 $0x1;
	_ =	shalt  }
.Lfunc_end2:
_tile_overlayer_lowered:
.L_overlay_start_2:
0x12f: {  	(tag) =	ssettag $0x2  }
0x130: {  	s0 =	rddreg [dreg:$0x0];
	s2 =	stileid.u32  }
0x131: {  	s1 =	rddreg [dreg:$0x1];
	p0 =	sne.s32 s2, $0x0  }
0x132: {  	s3 =	rddreg [dreg:$0x2];
	[bflag:$0x3] =	sbarrier.arrive $0xFFFF;
	s2 =	simm.s32 @!p0 $0x1C02  }
0x133: {  	[timem:s3], [sflag:s2] =	dma.local @!p0 [hbm:s0], s1  }
0x134: {  	s0 =	simm.s32 @!p0 $0x2  }
0x135: {  	_ =	swait.ge @!p0 [sflag:s0], s1  }
0x136: {  	s1 =	ssub.s32 @!p0 $0x0, s1;
	[sflag:s0] =	ssyncset.done @!p0 $0x0  }
0x137: {  	[sflag:s0] =	ssyncadd.s32 @!p0 s1  }
0x138: {  	[bflag:$0x3] =	sbarrier.arrive $0xFFFF  }
0x139: {  	_ =	shalt  }

// kernel: kernel.16.cloned.1.call-start
scs
__scs_entry_jumppad:
0x0: {  	(pc) =	sbr.rel $0x88, $3  }
0x1: {  	(tag) =	ssettag $0x0;
	lr =	simm.s32 $0x1  }
0x2: {  	[smem:$0x3F95] =	sst lr;
	_ =	strace $0xD0000000  }
0x3: {  	_ = 	snop  }
0x4: {  	_ = 	snop  }
0x5: {  	_ = 	snop  }
0x6: {  	_ = 	snop  }
0x7: {  	_ = 	snop  }
__scs_overlays_trampoline_lowered:
0x8: {  	[smem:$0x3FA4] =	sst s0  }
0x9: {  	[smem:$0x3FA5] =	sst s1  }
0xa: {  	[smem:$0x3FA6] =	sst s2  }
0xb: {  	[smem:$0x3FA7] =	sst s3  }
0xc: {  	[smem:$0x3FA8] =	sst s4  }
0xd: {  	[smem:$0x3FA9] =	sst s5  }
0xe: {  	[smem:$0x3FAA] =	sst s6  }
0xf: {  	[smem:$0x3FAB] =	sst s7  }
0x10: {  	[smem:$0x3FAC] =	sst s8  }
0x11: {  	[smem:$0x3FAD] =	sst s9;
	s0 =	simm.s32 @!p0 $0x0  }
0x12: {  	s1 =	sld [smem:$0x3F93];
	s0 =	simm.s32 @p0 $0x1  }
0x13: {  	[smem:$0x3FAE] =	sst s0;
	s0 =	simm.s32 @!p1 $0x0  }
0x14: {  	s2 =	sld [smem:$0x3F92];
	s0 =	simm.s32 @p1 $0x1  }
0x15: {  	[smem:$0x3FAF] =	sst s0;
	s0 =	simm.s32 @!p2 $0x0  }
0x16: {  	s3 =	sld [smem:$0x3FDB];
	s0 =	simm.s32 @p2 $0x1  }
0x17: {  	s4 =	simm.s32 $0x1BF5;
	[smem:$0x3FB1] =	sst s0  }
0x18: {  	s0 =	sld [smem:$0x3F94];
	_ =	swait.ge [sflag:s4], $0x0  }
0x19: {  	s7 =	sld [smem:$0x3F95]  }
0x1a: {  	s8 =	sadd.s32 $0xFFFFE003, lr  }
0x1b: {  	s9 =	sadd.s32 $0xFFFFFEF7, lr;
	s5 =	simm.s32 $0xFFFFFFFF;
	p2 =	slt.u32 s8, $0xFFFFF086  }
0x1c: {  	p1 =	slt.u32 s9, $0xF7A;
	s5 =	simm.s32 @!p2 $0x0  }
0x1d: {  	s5 =	simm.s32 @p1 $0x1;
	p0 =	seq.s32 s7, s2  }
0x1e: {  	s7 =	smul.u32 @!p0 $0xF7A, s2;
	p2 =	seq.s32 @!p0 s5, $0x0  }
0x1f: {  	s9 =	smul.u32 $0xF7A, s1;
	s8 =	simm.s32 @!p0 $0x1BF5;
	p2 =	por !p2, p0  }
0x20: {  	[sflag:s8] =	ssyncset.s32 @!p0 $0xFFFFF086;
	s6 =	sadd.s32 @!p0 s3, s7;
	s7 =	simm.s32 @!p0 $0x108  }
0x21: {  	s3 =	sadd.s32 s3, s9;
	s6 =	sadd.s32 @!p0 $0x88, s6;
	s7 =	simm.s32 @p2 $0x1082  }
0x22: {  	[simem:s7], [sflag:s8] =	dma.local @!p0 [hbm:s6], $0xF7A  }
0x23: {  	s9 =	sor.u32 $0xD0000000, s2;
	s6 =	simm.s32 $0x108;
	_ =	swait.ge @!p0 [sflag:s8], $0x0  }
0x24: {  	s3 =	sadd.s32 $0x88, s3;
	s6 =	simm.s32 @!p1 $0x1082;
	[sflag:s4] =	ssyncset.s32 $0xFFFFF086  }
0x25: {  	[simem:s6], [sflag:s4] =	dma.local [hbm:s3], $0xF7A  }
0x26: {  	[smem:$0x3F95] =	sst s1;
	(tag) =	ssettag s2;
	_ =	strace s9  }
0x27: {  	s1 =	sld [smem:$0x3FA5]  }
0x28: {  	s2 =	sld [smem:$0x3FA6]  }
0x29: {  	s4 =	sld [smem:$0x3FA8]  }
0x2a: {  	p0 =	seq.s32 s5, $0x0;
	s5 =	sld [smem:$0x3FA9]  }
0x2b: {  	s6 =	sld [smem:$0x3FAA]  }
0x2c: {  	s7 =	sld [smem:$0x3FAB]  }
0x2d: {  	s3 =	simm.s32 $0x108;
	s8 =	sld [smem:$0x3FAC]  }
0x2e: {  	s3 =	simm.s32 @!p0 $0x1082;
	s9 =	sld [smem:$0x3FAD]  }
0x2f: {  	lr =	sadd.s32 s0, s3;
	s0 =	sld [smem:$0x3FA4]  }
0x30: {  	s3 =	sld [smem:$0x3FA7]  }
0x31: {  	[smem:$0x3FB0] =	sst s10  }
0x32: {  	s10 =	sld [smem:$0x3FAE];
	_ =	sdelay $0x3  }
0x33: {  	p0 =	seq.s32 s10, $0x1;
	s10 =	sld [smem:$0x3FB0];
	_ =	sdelay $0x3  }
0x34: {  	[smem:$0x3FB0] =	sst s10  }
0x35: {  	s10 =	sld [smem:$0x3FAF];
	_ =	sdelay $0x3  }
0x36: {  	p1 =	seq.s32 s10, $0x1;
	s10 =	sld [smem:$0x3FB0];
	_ =	sdelay $0x3  }
0x37: {  	[smem:$0x3FB0] =	sst s10  }
0x38: {  	s10 =	sld [smem:$0x3FB1]  }
0x39: {  	_ = 	snop;
	(pc) =	sbr.ind lr, $3  }
0x3a: {  	_ = 	snop  }
0x3b: {  	_ = 	snop  }
0x3c: {  	p2 =	seq.s32 s10, $0x1;
	s10 =	sld [smem:$0x3FB0]  }
0x3d: {  	_ =	shalt  }
0x3e: {  	_ =	shalt  }
0x3f: {  	_ =	shalt  }
0x40: {  	_ =	shalt  }
0x41: {  	_ =	shalt  }
0x42: {  	_ =	shalt  }
0x43: {  	_ =	shalt  }
0x44: {  	_ =	shalt  }
0x45: {  	_ =	shalt  }
0x46: {  	_ =	shalt  }
0x47: {  	_ =	shalt  }
0x48: {  	_ =	shalt  }
0x49: {  	_ =	shalt  }
0x4a: {  	_ =	shalt  }
0x4b: {  	_ =	shalt  }
0x4c: {  	_ =	shalt  }
0x4d: {  	_ =	shalt  }
0x4e: {  	_ =	shalt  }
0x4f: {  	_ =	shalt  }
0x50: {  	_ =	shalt  }
0x51: {  	_ =	shalt  }
0x52: {  	_ =	shalt  }
0x53: {  	_ =	shalt  }
0x54: {  	_ =	shalt  }
0x55: {  	_ =	shalt  }
0x56: {  	_ =	shalt  }
0x57: {  	_ =	shalt  }
0x58: {  	_ =	shalt  }
0x59: {  	_ =	shalt  }
0x5a: {  	_ =	shalt  }
0x5b: {  	_ =	shalt  }
0x5c: {  	_ =	shalt  }
0x5d: {  	_ =	shalt  }
0x5e: {  	_ =	shalt  }
0x5f: {  	_ =	shalt  }
0x60: {  	_ =	shalt  }
0x61: {  	_ =	shalt  }
0x62: {  	_ =	shalt  }
0x63: {  	_ =	shalt  }
0x64: {  	_ =	shalt  }
0x65: {  	_ =	shalt  }
0x66: {  	_ =	shalt  }
0x67: {  	_ =	shalt  }
0x68: {  	_ =	shalt  }
0x69: {  	_ =	shalt  }
0x6a: {  	_ =	shalt  }
0x6b: {  	_ =	shalt  }
0x6c: {  	_ =	shalt  }
0x6d: {  	_ =	shalt  }
0x6e: {  	_ =	shalt  }
0x6f: {  	_ =	shalt  }
0x70: {  	_ =	shalt  }
0x71: {  	_ =	shalt  }
0x72: {  	_ =	shalt  }
0x73: {  	_ =	shalt  }
0x74: {  	_ =	shalt  }
0x75: {  	_ =	shalt  }
0x76: {  	_ =	shalt  }
0x77: {  	_ =	shalt  }
0x78: {  	_ =	shalt  }
0x79: {  	_ =	shalt  }
0x7a: {  	_ =	shalt  }
0x7b: {  	_ =	shalt  }
0x7c: {  	_ =	shalt  }
0x7d: {  	_ =	shalt  }
0x7e: {  	_ =	shalt  }
0x7f: {  	_ =	shalt  }
0x80: {  	_ =	shalt  }
0x81: {  	_ =	shalt  }
0x82: {  	_ =	shalt  }
0x83: {  	_ =	shalt  }
0x84: {  	_ =	shalt  }
0x85: {  	_ =	shalt  }
0x86: {  	_ =	shalt  }
0x87: {  	_ =	shalt  }
.Lfunc_end0:
.L_simem_size_0:
called_computation.4_lowered:
.L_overlay_start_0:
0x88: {  	s2 =	sld [smem:$0x3FD9]  }
0x89: {  	s3 =	sld [smem:$0x3FFE];
	_ =	sdelay $0x1  }
0x8a: {  	s1 =	srdreg.scid  }
0x8b: {  	s0 =	sand.u32 $0x1, s1  }
0x8c: {  	s14 =	sshll.u32 s0, $0xA;
	s2 =	sadd.s32 s3, s2  }
0x8d: {  	s2 =	sadd.s32 s2, s14  }
0x8e: {  	[smem:$0x3FBC] =	sst s2  }
0x8f: {  	_ = 	snop  }
0x90: {  	s2 =	sld [smem:$0x3FD0];
	_ =	sdelay $0x2  }
0x91: {  	s15 =	simm.s32 $0xA;
	s4 =	simm.s32 $0x10  }
0x92: {  	[smem:s4], [sflag:s15] =	dma.local [hbm:s2], $0x1  }
0x93: {  	_ =	swait.eq [sflag:s15], $0x1  }
0x94: {  	[sflag:s15] =	ssyncset.done $0x0  }
0x95: {  	[sflag:s15] =	ssyncadd.s32 $0xFFFFFFFF  }
0x96: {  	s16 =	sld [smem:$0x10];
	(tm) =	ssettm $0x1  }
0x97: {  	s17 =	sld [smem:$0x3FFB];
	_ =	sdelay $0x3  }
0x98: {  	_ =	strace s17  }
0x99: {  	s3 =	sld [smem:$0x3FFC];
	_ =	sdelay $0x3  }
0x9a: {  	_ =	strace s3  }
0x9b: {  	s3 =	sld [smem:$0x3FFD];
	_ =	sdelay $0x3  }
0x9c: {  	_ =	strace s3  }
0x9d: {  	_ =	strace $0x8FFFFFFF  }
0x9e: {  	s18 =	sld [smem:$0x3FDB];
	_ =	sdelay $0x1  }
0x9f: {  	s19 =	simm.s32 $_scs_section_size  }
0xa0: {  	s5 =	simm.s32 $_size__tile_overlayer_lowered;
	s6 =	simm.s32 $_tile_overlayer_lowered  }
0xa1: {  	s22 =	simm.s32 $0x1BFF;
	s21 =	sshll.u32 s6, $0x1;
	s3 =	sadd.s32 s19, s18  }
0xa2: {  	s7 =	simm.s32 $0x0;
	s20 =	sshll.u32 s5, $0x1;
	s5 =	sadd.s32 s21, s3  }
0xa3: {  	[timem:s7], [sflag:s22] =	dma.local [hbm:s5], s20  }
0xa4: {  	_ =	swait.ge [sflag:s22], s20  }
0xa5: {  	s4 =	ssub.s32 $0x0, s20;
	[sflag:s22] =	ssyncset.done $0x0  }
0xa6: {  	[sflag:s22] =	ssyncadd.s32 s4;
	_ =	sdelay $0x1  }
0xa7: {  	s23 =	simm.s32 $0x1B8B  }
0xa8: {  	_ =	swait.ge [sflag:s23], $0x1  }
0xa9: {  	[sflag:s23] =	ssyncset.done $0x0  }
0xaa: {  	s25 =	simm.s32 $0x1B8E;
	s24 =	sld [smem:$0x3FFE];
	[sflag:s23] =	ssyncadd.s32 $0xFFFFFFFF  }
0xab: {  	s26 =	simm.s32 $execute0_lowered;
	[smem:$0x3FD2] =	sst s25  }
0xac: {  	s5 =	sshll.u32 s26, $0x1;
	_ =	strace $0x80000052;
	[dreg:$0x1] =	wrdreg $0xFFFFFFFF  }
0xad: {  	s28 =	simm.s32 $_size_execute0_lowered;
	s3 =	sadd.s32 s3, s5;
	[dreg:$0x0] =	wrdreg $0x0  }
0xae: {  	s5 =	sshll.u32 s28, $0x1;
	[dreg:$0x2] =	wrdreg s3  }
0xaf: {  	[dreg:$0x3] =	wrdreg s5  }
0xb0: {  	[dreg:$0x4] =	wrdreg $0xC0  }
0xb1: {  	_ =	task [dreg:s7], $0x5FFFF  }
0xb2: {  	[dreg:$0x1] =	wrdreg $0xFFFFFFFF  }
0xb3: {  	[dreg:$0x0] =	wrdreg $0x60  }
0xb4: {  	[dreg:$0x2] =	wrdreg s24  }
0xb5: {  	[dreg:$0x3] =	wrdreg s16  }
0xb6: {  	[dreg:$0x4] =	wrdreg $0x9  }
0xb7: {  	_ =	task.clear_ibuf [dreg:s7], $0x5FFFF;
	_ =	strace $0x90000052  }
0xb8: {  	s29 =	simm.s32 $0x9;
	_ =	strace $0x80000054  }
0xb9: {  	_ =	swait.ge [sflag:s29], $0x1  }
0xba: {  	[sflag:s29] =	ssyncadd.s32 $0xFFFFFFFF  }
0xbb: {  	_ =	strace $0x90000054  }
0xbc: {  	_ =	sfence  }
0xbd: {  	s30 =	sld [smem:$0x0];
	_ =	sdelay $0x2  }
0xbe: {  	s31 =	sshll.u32 s1, $0xD;
	s1 =	sshrl.u32 s1, $0x2  }
0xbf: {  	s3 =	sand.u32 $0x4000, s31;
	s1 =	sadd.s32 s1, s30  }
0xc0: {  	s0 =	sor.u32 s3, s0;
	s1 =	sshll.u32 s1, $0x11  }
0xc1: {  	s0 =	sor.u32 s1, s0  }
0xc2: {  	s0 =	sadd.s32 $0x8F2B, s0  }
0xc3: {  	[sflag:s0] =	ssyncadd.remote.s32 $0x1  }
0xc4: {  	_ =	sfence.sel $0xFFFF  }
0xc5: {  	[dreg:$0x0] =	wrdreg $0xFFFFFFFF;
	(pc) =	sbr.abs _section_cstart, $3  }
0xc6: {  	[dreg:$0x1] =	wrdreg $0xFFFFFFFF  }
0xc7: {  	_ =	task.clear_ibuf [dreg:s7], $0x2FFFF;
	_ =	strace $0x9FFFFFFF  }
0xc8: {  	(tm) =	ssettm $0x7FFFFFFF  }
0xc9: {  	_ =	shalt  }
tec
execute0_lowered:
.L_overlay_start_1:
0x0: {  	(tag) =	ssettag $0x1  }
0x1: {  	s1 =	srdreg.scid;
	s4 =	rddreg [dreg:$0x0]  }
0x2: {  	s0 =	stileid.u32;
	s5 =	rddreg [dreg:$0x1];
	s18 =	simm.s32 $0x880  }
0x3: {  	s19 =	simm.s32 $0x1080;
	s20 =	simm.s32 $0x1880;
	s21 =	simm.s32 $0x2080  }
0x4: {  	s23 =	simm.s32 $0x2880;
	s24 =	simm.s32 $0x3080;
	s25 =	simm.s32 $0x3880  }
0x5: {  	s26 =	simm.s32 $0x4080;
	s7 =	simm.s32 $0x80;
	s9 =	simm.s32 $0x5080  }
0x6: {  	s10 =	simm.s32 $0x5880;
	s11 =	simm.s32 $0x6080;
	s1 =	sand.u32 $0x1, s1  }
0x7: {  	s12 =	simm.s32 $0x6880;
	s2 =	sshll.u32 s0, $0x8;
	s3 =	sshll.u32 s1, $0x7  }
0x8: {  	s13 =	simm.s32 $0x7080;
	s3 =	sor.u32 s3, s2;
	s2 =	simm.s32 $0x0  }
0x9: {  	s14 =	simm.s32 $0x7880;
	s15 =	simm.s32 $0x8080;
	[smem:$0x7FF] =	sst s2  }
0xa: {  	s16 =	simm.s32 $0x8880;
	_ =	strace $0x80000053;
	[dreg:$0x5] =	wrdreg s18  }
0xb: {  	s17 =	simm.s32 $0x9080;
	s28 =	simm.s32 $0xE080;
	[dreg:$0x6] =	wrdreg s19  }
0xc: {  	s29 =	simm.s32 $0xE880;
	s30 =	simm.s32 $0xF080;
	[dreg:$0x7] =	wrdreg s20  }
0xd: {  	s31 =	simm.s32 $0xF880;
	s1 =	ssub.s32 $0x2, s1;
	[dreg:$0x8] =	wrdreg s21  }
0xe: {  	s22 =	sshrl.u32 s1, $0x1;
	s6 =	sshrl.u32 s3, $0x3;
	[dreg:$0x9] =	wrdreg s23  }
0xf: {  	s3 =	sshll.u32 s3, $0x6;
	s1 =	ssub.s32 s1, s22;
	[dreg:$0xa] =	wrdreg s24  }
0x10: {  	s22 =	simm.s32 $0xB880;
	s6 =	sadd.s32 s6, s4;
	[dreg:$0xb] =	wrdreg s25  }
0x11: {  	s3 =	sadd.s32 s5, s3;
	s5 =	smax.u32 s1, $0x1;
	[dreg:$0xc] =	wrdreg s26  }
0x12: {  	s18 =	simm.s32 $0x9880;
	s19 =	simm.s32 $0xA080;
	s20 =	simm.s32 $0xA880  }
0x13: {  	s21 =	simm.s32 $0xB080;
	s23 =	simm.s32 $0xC080;
	s24 =	simm.s32 $0xC880  }
0x14: {  	v2 =	vlaneseq.u32;
	s25 =	simm.s32 $0xD080;
	s26 =	simm.s32 $0xD880;
	s1 =	simm.s32 $0x1  }
0x15: {  	vm0 =	vmmov $0xffff;
	v1 =	vshrl.u32 v2, $0x3;
	s6 =	sadd.s32 $0x54800, s6;
	[dreg:$0x4] =	wrdreg s3;
	s3 =	sadd.s32 $0xD4C00, s4  }
0x16: {  	v0 =	vand.u32 $0x7, v2;
	v2 =	vor.u32 $0x8, v2;
	v1 =	vmul.u32 $0x8, v1;
	s4 =	sadd.s32 $0xD4D00, s4;
	[dreg:$0x3] =	wrdreg s6;
	s6 =	simm.s32 $0x2  }
.LBB2_1:
0x17: {  	s0 =	rddreg [dreg:$0x3]  }
0x18: {  	[tilespmem:s2], [sflag:$0x2] =	stream.linear.gather [hbm4b:s0+s2], $0x80, $0x38;
	[tilespmem:$0x10080] =	vst v63  }
0x19: {  	_ =	swait.ge [sflag:s6], $0x80  }
0x1a: {  	[sflag:s6] =	ssyncset.done $0x0  }
0x1b: {  	[sflag:s6] =	ssyncadd.s32 $0xFFFFFF80  }
0x1c: {  	v3 =	vld [tilespmem:$0x0]  }
0x1d: {  	v4 =	vld [tilespmem:$0x10]  }
0x1e: {  	v5 =	vld [tilespmem:$0x20];
	_ =	sdelay $0x1  }
0x1f: {  	v6 =	vld [tilespmem:$0x30]  }
0x20: {  	v7 =	vld [tilespmem:$0x40];
	vm1 =	vgt.s32 v3, $0x0  }
0x21: {  	v3 =	vnsel vm1, $0x0, v3;
	vm1 =	vgt.s32 v4, $0x0  }
0x22: {  	v8 =	vld [tilespmem:$0x50];
	v3 =	vmin.u32 v3, $0x1FFF;
	v4 =	vnsel vm1, $0x0, v4;
	vm1 =	vgt.s32 v5, $0x0  }
0x23: {  	v10 =	vld [tilespmem:$0x60];
	v9 =	vshll.u32 v3, $0x2;
	v11 =	vand.u32 $0x7, v3;
	v5 =	vnsel vm1, $0x0, v5  }
0x24: {  	v49 =	vld [tilespmem:$0x70];
	vm1 =	vgt.s32 v6, $0x0;
	[tilespmem:$0x0] =	vst v3;
	v3 =	vmin.u32 v4, $0x1FFF;
	v9 =	vand.u32 $0x7FE0, v9  }
0x25: {  	v50 =	vnsel vm1, $0x0, v6;
	vm1 =	vgt.s32 v7, $0x0;
	v9 =	vor.u32 v11, v9  }
0x26: {  	[tilespmem:$0x10] =	vst v3;
	v3 =	vmin.u32 v5, $0x1FFF;
	v51 =	vnsel vm1, $0x0, v7;
	v52 =	vperm.xlane v9, v0  }
0x27: {  	[tilespmem:$0x20] =	vst v3;
	v3 =	vmin.u32 v50, $0x1FFF;
	vm1 =	vgt.s32 v8, $0x0;
	v53 =	vmin.u32 v51, $0x1FFF  }
0x28: {  	[tilespmem:$0x30] =	vst v3;
	v3 =	vnsel vm1, $0x0, v8;
	vm1 =	vgt.s32 v10, $0x0;
	v54 =	vadd.s32 v1, v52  }
0x29: {  	[tilespmem:$0x40] =	vst v53;
	v3 =	vmin.u32 v3, $0x1FFF;
	v55 =	vnsel vm1, $0x0, v10;
	vm1 =	vgt.s32 v49, $0x0  }
0x2a: {  	v56 =	vperm.xlane v9, v2;
	[tilespmem:$0x50] =	vst v3;
	v3 =	vnsel vm1, $0x0, v49;
	v4 =	vmin.u32 v55, $0x1FFF  }
0x2b: {  	[tilespmem:$0x60] =	vst v4;
	v3 =	vmin.u32 v3, $0x1FFF  }
0x2c: {  	[tilespmem:$0x70] =	vst v3;
	v3 =	vadd.s32 v1, v56  }
0x2d: {  	[tilespmem:s7], [sflag:$0x1] =	stream.indirect_vreg.gather [hbm4b:s3+s2], $0x80, v54, vm0, $0xb8;
	[tilespmem:$0x10080] =	vst v63  }
0x2e: {  	s0 =	rddreg [dreg:$0x5]  }
0x2f: {  	[tilespmem:s0], [sflag:$0x1] =	stream.indirect_vreg.gather [hbm4b:s4+s2], $0x80, v54, vm0, $0xb8;
	[tilespmem:$0x10080] =	vst v63  }
0x30: {  	s8 =	rddreg [dreg:$0x6]  }
0x31: {  	[tilespmem:s8], [sflag:$0x1] =	stream.indirect_vreg.gather [hbm4b:s3+s2], $0x80, v3, vm0, $0xb8;
	[tilespmem:$0x10080] =	vst v63  }
0x32: {  	s0 =	rddreg [dreg:$0x7]  }
0x33: {  	[tilespmem:s0], [sflag:$0x1] =	stream.indirect_vreg.gather [hbm4b:s4+s2], $0x80, v3, vm0, $0xb8;
	[tilespmem:$0x10080] =	vst v63  }
0x34: {  	v3 =	vld [tilespmem:$0x10];
	_ =	sdelay $0x4  }
0x35: {  	v57 =	vshll.u32 v3, $0x2  }
0x36: {  	v3 =	vand.u32 $0x7, v3;
	v4 =	vand.u32 $0xFFFFFFE0, v57  }
0x37: {  	v3 =	vor.u32 v3, v4  }
0x38: {  	v4 =	vperm.xlane v3, v0;
	_ =	sdelay $0x1  }
0x39: {  	v4 =	vadd.s32 v1, v4;
	_ =	sdelay $0x1  }
0x3a: {  	v3 =	vperm.xlane v3, v2;
	_ =	sdelay $0x1  }
0x3b: {  	s0 =	rddreg [dreg:$0x8];
	v3 =	vadd.s32 v1, v3  }
0x3c: {  	[tilespmem:s0], [sflag:$0x1] =	stream.indirect_vreg.gather [hbm4b:s3+s2], $0x80, v4, vm0, $0xb8;
	[tilespmem:$0x10080] =	vst v63  }
0x3d: {  	s8 =	rddreg [dreg:$0x9]  }
0x3e: {  	[tilespmem:s8], [sflag:$0x1] =	stream.indirect_vreg.gather [hbm4b:s4+s2], $0x80, v4, vm0, $0xb8;
	[tilespmem:$0x10080] =	vst v63  }
0x3f: {  	s0 =	rddreg [dreg:$0xa]  }
0x40: {  	[tilespmem:s0], [sflag:$0x1] =	stream.indirect_vreg.gather [hbm4b:s3+s2], $0x80, v3, vm0, $0xb8;
	[tilespmem:$0x10080] =	vst v63  }
0x41: {  	s8 =	rddreg [dreg:$0xb]  }
0x42: {  	[tilespmem:s8], [sflag:$0x1] =	stream.indirect_vreg.gather [hbm4b:s4+s2], $0x80, v3, vm0, $0xb8;
	[tilespmem:$0x10080] =	vst v63  }
0x43: {  	v3 =	vld [tilespmem:$0x20];
	_ =	sdelay $0x4  }
0x44: {  	v58 =	vshll.u32 v3, $0x2  }
0x45: {  	v3 =	vand.u32 $0x7, v3;
	v4 =	vand.u32 $0xFFFFFFE0, v58  }
0x46: {  	v3 =	vor.u32 v3, v4  }
0x47: {  	v4 =	vperm.xlane v3, v0;
	_ =	sdelay $0x1  }
0x48: {  	v4 =	vadd.s32 v1, v4;
	_ =	sdelay $0x1  }
0x49: {  	v3 =	vperm.xlane v3, v2;
	_ =	sdelay $0x1  }
0x4a: {  	s8 =	rddreg [dreg:$0xc];
	v3 =	vadd.s32 v1, v3  }
0x4b: {  	[tilespmem:s8], [sflag:$0x1] =	stream.indirect_vreg.gather [hbm4b:s3+s2], $0x80, v4, vm0, $0xb8;
	[tilespmem:$0x10080] =	vst v63  }
0x4c: {  	s8 =	simm.s32 $0x4880  }
0x4d: {  	[tilespmem:s8], [sflag:$0x1] =	stream.indirect_vreg.gather [hbm4b:s4+s2], $0x80, v4, vm0, $0xb8;
	[tilespmem:$0x10080] =	vst v63  }
0x4e: {  	_ = 	snop  }
0x4f: {  	[tilespmem:s9], [sflag:$0x1] =	stream.indirect_vreg.gather [hbm4b:s3+s2], $0x80, v3, vm0, $0xb8;
	[tilespmem:$0x10080] =	vst v63  }
0x50: {  	_ = 	snop  }
0x51: {  	[tilespmem:s10], [sflag:$0x1] =	stream.indirect_vreg.gather [hbm4b:s4+s2], $0x80, v3, vm0, $0xb8;
	[tilespmem:$0x10080] =	vst v63  }
0x52: {  	v3 =	vld [tilespmem:$0x30];
	_ =	sdelay $0x4  }
0x53: {  	v59 =	vshll.u32 v3, $0x2  }
0x54: {  	v3 =	vand.u32 $0x7, v3;
	v4 =	vand.u32 $0xFFFFFFE0, v59  }
0x55: {  	v3 =	vor.u32 v3, v4  }
0x56: {  	v4 =	vperm.xlane v3, v0;
	_ =	sdelay $0x1  }
0x57: {  	v4 =	vadd.s32 v1, v4;
	_ =	sdelay $0x1  }
0x58: {  	v3 =	vperm.xlane v3, v2;
	_ =	sdelay $0x1  }
0x59: {  	v3 =	vadd.s32 v1, v3  }
0x5a: {  	[tilespmem:s11], [sflag:$0x1] =	stream.indirect_vreg.gather [hbm4b:s3+s2], $0x80, v4, vm0, $0xb8;
	[tilespmem:$0x10080] =	vst v63  }
0x5b: {  	_ = 	snop  }
0x5c: {  	[tilespmem:s12], [sflag:$0x1] =	stream.indirect_vreg.gather [hbm4b:s4+s2], $0x80, v4, vm0, $0xb8;
	[tilespmem:$0x10080] =	vst v63  }
0x5d: {  	_ = 	snop  }
0x5e: {  	[tilespmem:s13], [sflag:$0x1] =	stream.indirect_vreg.gather [hbm4b:s3+s2], $0x80, v3, vm0, $0xb8;
	[tilespmem:$0x10080] =	vst v63  }
0x5f: {  	_ = 	snop  }
0x60: {  	[tilespmem:s14], [sflag:$0x1] =	stream.indirect_vreg.gather [hbm4b:s4+s2], $0x80, v3, vm0, $0xb8;
	[tilespmem:$0x10080] =	vst v63  }
0x61: {  	v3 =	vld [tilespmem:$0x40];
	_ =	sdelay $0x4  }
0x62: {  	v60 =	vshll.u32 v3, $0x2  }
0x63: {  	v3 =	vand.u32 $0x7, v3;
	v4 =	vand.u32 $0xFFFFFFE0, v60  }
0x64: {  	v3 =	vor.u32 v3, v4  }
0x65: {  	v4 =	vperm.xlane v3, v0;
	_ =	sdelay $0x1  }
0x66: {  	v4 =	vadd.s32 v1, v4;
	_ =	sdelay $0x1  }
0x67: {  	v3 =	vperm.xlane v3, v2;
	_ =	sdelay $0x1  }
0x68: {  	v3 =	vadd.s32 v1, v3  }
0x69: {  	[tilespmem:s15], [sflag:$0x1] =	stream.indirect_vreg.gather [hbm4b:s3+s2], $0x80, v4, vm0, $0xb8;
	[tilespmem:$0x10080] =	vst v63  }
0x6a: {  	_ = 	snop  }
0x6b: {  	[tilespmem:s16], [sflag:$0x1] =	stream.indirect_vreg.gather [hbm4b:s4+s2], $0x80, v4, vm0, $0xb8;
	[tilespmem:$0x10080] =	vst v63  }
0x6c: {  	_ = 	snop  }
0x6d: {  	[tilespmem:s17], [sflag:$0x1] =	stream.indirect_vreg.gather [hbm4b:s3+s2], $0x80, v3, vm0, $0xb8;
	[tilespmem:$0x10080] =	vst v63  }
0x6e: {  	_ = 	snop  }
0x6f: {  	[tilespmem:s18], [sflag:$0x1] =	stream.indirect_vreg.gather [hbm4b:s4+s2], $0x80, v3, vm0, $0xb8;
	[tilespmem:$0x10080] =	vst v63  }
0x70: {  	v3 =	vld [tilespmem:$0x50];
	_ =	sdelay $0x4  }
0x71: {  	v61 =	vshll.u32 v3, $0x2  }
0x72: {  	v3 =	vand.u32 $0x7, v3;
	v4 =	vand.u32 $0xFFFFFFE0, v61  }
0x73: {  	v3 =	vor.u32 v3, v4  }
0x74: {  	v4 =	vperm.xlane v3, v0;
	_ =	sdelay $0x1  }
0x75: {  	v4 =	vadd.s32 v1, v4;
	_ =	sdelay $0x1  }
0x76: {  	v3 =	vperm.xlane v3, v2;
	_ =	sdelay $0x1  }
0x77: {  	v3 =	vadd.s32 v1, v3  }
0x78: {  	[tilespmem:s19], [sflag:$0x1] =	stream.indirect_vreg.gather [hbm4b:s3+s2], $0x80, v4, vm0, $0xb8;
	[tilespmem:$0x10080] =	vst v63  }
0x79: {  	_ = 	snop  }
0x7a: {  	[tilespmem:s20], [sflag:$0x1] =	stream.indirect_vreg.gather [hbm4b:s4+s2], $0x80, v4, vm0, $0xb8;
	[tilespmem:$0x10080] =	vst v63  }
0x7b: {  	_ = 	snop  }
0x7c: {  	[tilespmem:s21], [sflag:$0x1] =	stream.indirect_vreg.gather [hbm4b:s3+s2], $0x80, v3, vm0, $0xb8;
	[tilespmem:$0x10080] =	vst v63  }
0x7d: {  	_ = 	snop  }
0x7e: {  	[tilespmem:s22], [sflag:$0x1] =	stream.indirect_vreg.gather [hbm4b:s4+s2], $0x80, v3, vm0, $0xb8;
	[tilespmem:$0x10080] =	vst v63  }
0x7f: {  	v3 =	vld [tilespmem:$0x60];
	_ =	sdelay $0x4  }
0x80: {  	v62 =	vshll.u32 v3, $0x2  }
0x81: {  	v3 =	vand.u32 $0x7, v3;
	v4 =	vand.u32 $0xFFFFFFE0, v62  }
0x82: {  	v3 =	vor.u32 v3, v4  }
0x83: {  	v4 =	vperm.xlane v3, v0;
	_ =	sdelay $0x1  }
0x84: {  	v4 =	vadd.s32 v1, v4;
	_ =	sdelay $0x1  }
0x85: {  	v3 =	vperm.xlane v3, v2;
	_ =	sdelay $0x1  }
0x86: {  	v3 =	vadd.s32 v1, v3  }
0x87: {  	[tilespmem:s23], [sflag:$0x1] =	stream.indirect_vreg.gather [hbm4b:s3+s2], $0x80, v4, vm0, $0xb8;
	[tilespmem:$0x10080] =	vst v63  }
0x88: {  	_ = 	snop  }
0x89: {  	[tilespmem:s24], [sflag:$0x1] =	stream.indirect_vreg.gather [hbm4b:s4+s2], $0x80, v4, vm0, $0xb8;
	[tilespmem:$0x10080] =	vst v63  }
0x8a: {  	_ = 	snop  }
0x8b: {  	[tilespmem:s25], [sflag:$0x1] =	stream.indirect_vreg.gather [hbm4b:s3+s2], $0x80, v3, vm0, $0xb8;
	[tilespmem:$0x10080] =	vst v63  }
0x8c: {  	_ = 	snop  }
0x8d: {  	[tilespmem:s26], [sflag:$0x1] =	stream.indirect_vreg.gather [hbm4b:s4+s2], $0x80, v3, vm0, $0xb8;
	[tilespmem:$0x10080] =	vst v63  }
0x8e: {  	v3 =	vld [tilespmem:$0x70];
	_ =	sdelay $0x4  }
0x8f: {  	v63 =	vshll.u32 v3, $0x2  }
0x90: {  	v3 =	vand.u32 $0x7, v3;
	v4 =	vand.u32 $0xFFFFFFE0, v63  }
0x91: {  	v3 =	vor.u32 v3, v4  }
0x92: {  	v4 =	vperm.xlane v3, v0;
	_ =	sdelay $0x1  }
0x93: {  	v4 =	vadd.s32 v1, v4;
	_ =	sdelay $0x1  }
0x94: {  	v3 =	vperm.xlane v3, v2;
	_ =	sdelay $0x1  }
0x95: {  	v3 =	vadd.s32 v1, v3  }
0x96: {  	[tilespmem:s28], [sflag:$0x1] =	stream.indirect_vreg.gather [hbm4b:s3+s2], $0x80, v4, vm0, $0xb8;
	[tilespmem:$0x10080] =	vst v63  }
0x97: {  	_ = 	snop  }
0x98: {  	[tilespmem:s29], [sflag:$0x1] =	stream.indirect_vreg.gather [hbm4b:s4+s2], $0x80, v4, vm0, $0xb8;
	[tilespmem:$0x10080] =	vst v63  }
0x99: {  	_ = 	snop  }
0x9a: {  	[tilespmem:s30], [sflag:$0x1] =	stream.indirect_vreg.gather [hbm4b:s3+s2], $0x80, v3, vm0, $0xb8;
	[tilespmem:$0x10080] =	vst v63  }
0x9b: {  	_ = 	snop  }
0x9c: {  	[tilespmem:s31], [sflag:$0x1] =	stream.indirect_vreg.gather [hbm4b:s4+s2], $0x80, v3, vm0, $0xb8;
	[tilespmem:$0x10080] =	vst v63  }
0x9d: {  	_ =	swait.ge [sflag:s1], $0x10000  }
0x9e: {  	p0 =	sne.s32 s5, $0x1;
	[sflag:s1] =	ssyncset.done $0x0  }
.Ltmp0:
0x9f: {  	s8 =	rddreg [dreg:$0x4];
	[sflag:s1] =	ssyncadd.s32 $0xFFFF0000;
	(pc) =	sbr.rel @p0 .LBB2_1-.Ltmp0, $4  }
0xa0: {  	[hbm4b:s8+s2] =	stream.linear.scatter [tilespmem:s7], [sflag:$0x2], $0x10000, $0x38;
	[tilespmem:$0x10080] =	vst v63  }
0xa1: {  	_ =	swait.ge [sflag:s6], $0x10000  }
0xa2: {  	[sflag:s6] =	ssyncset.done $0x0  }
0xa3: {  	s5 =	sadd.s32 $0xFFFFFFFF, s5;
	[sflag:s6] =	ssyncadd.s32 $0xFFFF0000  }
0xa4: {  	_ =	sfence.sel $0x180000  }
0xa5: {  	[bflag:$0x0] =	sbarrier.arrive $0xFFFF  }
0xa6: {  	_ =	strace $0x90000053  }
0xa7: {  	s0 =	stileid.u32;
	[bflag:$0x2] =	sbarrier.arrive $0xFFFF  }
0xa8: {  	p0 =	sne.s32 s0, $0x0;
	s0 =	rddreg [dreg:$0x2]  }
0xa9: {  	s0 =	sadd.s32 @!p0 $0x100000, s0  }
0xaa: {  	[sflag:s0] =	ssyncadd.tile.s32 @!p0 $0x1;
	_ =	shalt  }
.Lfunc_end2:
_tile_overlayer_lowered:
.L_overlay_start_2:
0xab: {  	(tag) =	ssettag $0x2  }
0xac: {  	s0 =	rddreg [dreg:$0x0];
	s2 =	stileid.u32  }
0xad: {  	s1 =	rddreg [dreg:$0x1];
	p0 =	sne.s32 s2, $0x0  }
0xae: {  	s3 =	rddreg [dreg:$0x2];
	[bflag:$0x3] =	sbarrier.arrive $0xFFFF;
	s2 =	simm.s32 @!p0 $0x1C02  }
0xaf: {  	[timem:s3], [sflag:s2] =	dma.local @!p0 [hbm:s0], s1  }
0xb0: {  	s0 =	simm.s32 @!p0 $0x2  }
0xb1: {  	_ =	swait.ge @!p0 [sflag:s0], s1  }
0xb2: {  	s1 =	ssub.s32 @!p0 $0x0, s1;
	[sflag:s0] =	ssyncset.done @!p0 $0x0  }
0xb3: {  	[sflag:s0] =	ssyncadd.s32 @!p0 s1  }
0xb4: {  	[bflag:$0x3] =	sbarrier.arrive $0xFFFF  }
0xb5: {  	_ =	shalt  }

// kernel: sparse-core-data-format-call.1.cloned.1.call-start
scs
called_computation.1_lowered:
.L_overlay_start_0:
0x0: {  	s1 =	sld [smem:$0x3FD9]  }
0x1: {  	s2 =	sld [smem:$0x3FFE];
	_ =	sdelay $0x1  }
0x2: {  	s3 =	srdreg.scid  }
0x3: {  	s0 =	sand.u32 $0x1, s3  }
0x4: {  	s17 =	sshll.u32 s0, $0xA;
	s1 =	sadd.s32 s2, s1  }
0x5: {  	s1 =	sadd.s32 s1, s17  }
0x6: {  	[smem:$0x3FBC] =	sst s1  }
0x7: {  	_ = 	snop  }
0x8: {  	(tm) =	ssettm $0x1  }
0x9: {  	s18 =	sld [smem:$0x3FFB];
	_ =	sdelay $0x3  }
0xa: {  	_ =	strace s18  }
0xb: {  	s1 =	sld [smem:$0x3FFC];
	_ =	sdelay $0x3  }
0xc: {  	_ =	strace s1  }
0xd: {  	s1 =	sld [smem:$0x3FFD];
	_ =	sdelay $0x3  }
0xe: {  	_ =	strace s1  }
0xf: {  	_ =	strace $0x8FFFFFFF  }
0x10: {  	s19 =	sld [smem:$0x3FDB];
	_ =	sdelay $0x1  }
0x11: {  	s20 =	simm.s32 $_scs_section_size  }
0x12: {  	s4 =	simm.s32 $_size__tile_overlayer_lowered;
	s5 =	simm.s32 $_tile_overlayer_lowered  }
0x13: {  	s23 =	simm.s32 $0x1BFF;
	s22 =	sshll.u32 s5, $0x1;
	s1 =	sadd.s32 s20, s19  }
0x14: {  	s6 =	simm.s32 $0x0;
	s21 =	sshll.u32 s4, $0x1;
	s4 =	sadd.s32 s22, s1  }
0x15: {  	[timem:s6], [sflag:s23] =	dma.local [hbm:s4], s21  }
0x16: {  	_ =	swait.ge [sflag:s23], s21  }
0x17: {  	s2 =	ssub.s32 $0x0, s21;
	[sflag:s23] =	ssyncset.done $0x0  }
0x18: {  	[sflag:s23] =	ssyncadd.s32 s2;
	_ =	sdelay $0x1  }
0x19: {  	s24 =	simm.s32 $0x1B8B  }
0x1a: {  	_ =	swait.ge [sflag:s24], $0x1  }
0x1b: {  	[sflag:s24] =	ssyncset.done $0x0  }
0x1c: {  	s26 =	simm.s32 $0x1B8E;
	s25 =	sld [smem:$0x3FFE];
	[sflag:s24] =	ssyncadd.s32 $0xFFFFFFFF  }
0x1d: {  	s27 =	simm.s32 $execute0_lowered;
	[smem:$0x3FD2] =	sst s26  }
0x1e: {  	s4 =	sshll.u32 s27, $0x1;
	_ =	strace $0x8000004C;
	[dreg:$0x1] =	wrdreg $0xFFFFFFFF  }
0x1f: {  	s28 =	simm.s32 $_size_execute0_lowered;
	s1 =	sadd.s32 s1, s4;
	[dreg:$0x0] =	wrdreg $0x0  }
0x20: {  	s4 =	sshll.u32 s28, $0x1;
	[dreg:$0x2] =	wrdreg s1  }
0x21: {  	[dreg:$0x3] =	wrdreg s4  }
0x22: {  	[dreg:$0x4] =	wrdreg $0xC0  }
0x23: {  	_ =	task [dreg:s6], $0x5FFFF  }
0x24: {  	[dreg:$0x1] =	wrdreg $0xFFFFFFFF  }
0x25: {  	[dreg:$0x0] =	wrdreg $0x60  }
0x26: {  	[dreg:$0x2] =	wrdreg s25  }
0x27: {  	[dreg:$0x3] =	wrdreg $0x9  }
0x28: {  	_ =	task.clear_ibuf [dreg:s6], $0x4FFFF;
	_ =	strace $0x9000004C  }
0x29: {  	s29 =	simm.s32 $0x9;
	_ =	strace $0x8000004E  }
0x2a: {  	_ =	swait.ge [sflag:s29], $0x1  }
0x2b: {  	[sflag:s29] =	ssyncadd.s32 $0xFFFFFFFF  }
0x2c: {  	_ =	strace $0x9000004E  }
0x2d: {  	_ =	sfence  }
0x2e: {  	s30 =	sld [smem:$0x0];
	_ =	sdelay $0x2  }
0x2f: {  	s31 =	sshll.u32 s3, $0xD;
	s3 =	sshrl.u32 s3, $0x2  }
0x30: {  	s2 =	sand.u32 $0x4000, s31;
	s1 =	sadd.s32 s3, s30  }
0x31: {  	s0 =	sor.u32 s2, s0;
	s1 =	sshll.u32 s1, $0x11  }
0x32: {  	s0 =	sor.u32 s1, s0  }
0x33: {  	s0 =	sadd.s32 $0x8F2B, s0  }
0x34: {  	[sflag:s0] =	ssyncadd.remote.s32 $0x1  }
0x35: {  	_ =	sfence.sel $0xFFFF  }
0x36: {  	[dreg:$0x0] =	wrdreg $0xFFFFFFFF;
	(pc) =	sbr.abs _section_cstart, $3  }
0x37: {  	[dreg:$0x1] =	wrdreg $0xFFFFFFFF  }
0x38: {  	_ =	task.clear_ibuf [dreg:s6], $0x2FFFF;
	_ =	strace $0x9FFFFFFF  }
0x39: {  	(tm) =	ssettm $0x7FFFFFFF  }
tec
execute0_lowered:
.L_overlay_start_1:
0x0: {  	(tag) =	ssettag $0x1  }
0x1: {  	s0 =	stileid.u32;
	s1 =	srdreg.scid  }
0x2: {  	s7 =	rddreg [dreg:$0x0];
	s31 =	simm.s32 $0x2;
	s14 =	simm.s32 $0x0  }
0x3: {  	s13 =	simm.s32 $0x0;
	s12 =	simm.s32 $0x0;
	s2 =	sshll.u32 s0, $0x7  }
0x4: {  	s3 =	sshll.u32 s0, $0x4;
	s1 =	sshll.u32 s1, $0x8;
	s2 =	sand.u32 $0x380, s2  }
0x5: {  	s3 =	sor.u32 s3, s1;
	s1 =	rddreg [dreg:$0x1];
	_ =	strace $0x8000004D  }
0x6: {  	s3 =	sand.u32 $0x180, s3;
	s4 =	ssub.s32 $0x400, s2;
	s11 =	smov.u32 s2  }
0x7: {  	s5 =	sand.u32 $0x380, s4;
	s6 =	ssub.s32 $0x2000, s3;
	s9 =	sshrl.u32 s4, $0xA  }
0x8: {  	p0 =	sne.s32 s5, $0x0;
	s5 =	simm.s32 $0x1;
	s8 =	sand.u32 $0x180, s6  }
0x9: {  	s5 =	simm.s32 @!p0 $0x0;
	p0 =	sne.s32 s8, $0x0;
	s8 =	simm.s32 $0x1  }
.Ltmp0:
0xa: {  	s6 =	sshrl.u32 s6, $0x9;
	s8 =	simm.s32 @!p0 $0x0;
	(pc) =	sbr.rel .LBB1_1-.Ltmp0, $4  }
0xb: {  	s4 =	simm.s32 $0x1;
	s5 =	sadd.s32 s5, s9;
	s6 =	sadd.s32 s8, s6  }
0xc: {  	s10 =	smov.u32 s3;
	[sflag:s4] =	ssyncpa.u1 $0x0;
	s5 =	smul.u32 s5, s6  }
0xd: {  	[sflag:s31] =	ssyncpa.u1 $0x0;
	p0 =	por $0x0, $0x0;
	s9 =	simm.s32 $0x2000  }
0xe: {  	s6 =	sadd.s32 $0x434E00, s7;
	s7 =	sadd.s32 $0x334E00, s7;
	s8 =	sadd.s32 $0x1, s5  }
.LBB1_4:
0xf: {  	v5 =	vld [tilespmem:s18+$0xFFFFFFD0];
	[tilespmem:s17+$0x2040 ss:$0x81] =	vst.msk $0xffff, v1  }
0x10: {  	v58 =	vld [tilespmem:s18+$0xFFFFFFE0];
	[tilespmem:s17+$0x2850 ss:$0x81] =	vst.msk $0xffff, v2  }
0x11: {  	s19 =	sshra.s32 s19, $0x2;
	v59 =	vld [tilespmem:s18+$0xFFFFFFF0];
	[tilespmem:s17+$0x3060 ss:$0x81] =	vst.msk $0xffff, v3  }
0x12: {  	v60 =	vld [tilespmem:s18+$0x0];
	[tilespmem:s17+$0x0 ss:$0x81] =	vst.msk $0xffff, v0;
	s16 =	sadd.s32 s19, s16  }
0x13: {  	v61 =	vld [tilespmem:s18+$0x10];
	[tilespmem:s16+$0x3870 ss:$0x81] =	vst.msk $0xffff, v4  }
0x14: {  	v62 =	vld [tilespmem:s18+$0x20];
	s26 =	sshll.u32 s14, $0xA;
	s27 =	sshll.u32 s13, $0x3;
	[tilespmem:s16+$0x810 ss:$0x81] =	vst.msk $0xffff, v5  }
0x15: {  	v63 =	vld [tilespmem:s18+$0xFFFFFFC0];
	s29 =	sshll.u32 s14, $0x7;
	s17 =	sand.u32 $0x7FE000, s26;
	s28 =	sand.u32 $0x7FFC00, s27;
	[tilespmem:s16+$0x1020 ss:$0x81] =	vst.msk $0xffff, v58  }
0x16: {  	s30 =	sand.u32 $0x78, s13;
	s14 =	sand.u32 $0x380, s29;
	s17 =	sadd.s32 s28, s17;
	[tilespmem:s16+$0x1830 ss:$0x81] =	vst.msk $0xffff, v59  }
0x17: {  	s14 =	sor.u32 s30, s14;
	s17 =	sand.u32 $0x7FFC00, s17;
	[tilespmem:s16+$0x2040 ss:$0x81] =	vst.msk $0xffff, v60  }
0x18: {  	s31 =	sand.u32 $0x7, s13;
	s14 =	sor.u32 s17, s14;
	[tilespmem:s16+$0x2850 ss:$0x81] =	vst.msk $0xffff, v61  }
0x19: {  	s13 =	sshll.u32 s31, $0x12;
	[tilespmem:s16+$0x3060 ss:$0x81] =	vst.msk $0xffff, v62;
	s14 =	sshrl.u32 s14, $0x3  }
0x1a: {  	s13 =	sor.u32 $0x400, s13;
	[tilespmem:s16+$0x0 ss:$0x81] =	vst.msk $0xffff, v63;
	s14 =	sadd.s32 s7, s14  }
0x1b: {  	[hbm4b:s14+s13] =	stream.strided.scatter [tilespmem:s15], [sflag:$0x2], $0x4000, s9, s13, $0x20;
	[tilespmem:$0x10100] =	vst v63  }
.LBB1_5:
0x1c: {  	s15 =	sadd.s32 $0x200, s10  }
0x1d: {  	s13 =	sadd.s32 $0x400, s11;
	s17 =	smov.u32 s11;
	p2 =	sgt.s32 s15, $0x1FFF  }
0x1e: {  	s17 =	smov.u32 @p2 s13  }
0x1f: {  	s15 =	smov.u32 @p2 s3;
	p2 =	sgt.s32 s17, $0x3FF  }
0x20: {  	s17 =	smov.u32 @p2 s2;
	p2 =	sne.s32 s12, s8  }
.Ltmp1:
0x21: {  	p1 =	slt.u32 s12, $0x2;
	(pc) =	sbr.rel @!p2 .LBB1_6-.Ltmp1, $4  }
0x22: {  	s16 =	simm.s32 @!p1 $0x2  }
0x23: {  	s14 =	smov.u32 s10;
	p0 =	por !p0, !p0;
	_ =	swait.ge @!p1 [sflag:s16], $0x4000  }
0x24: {  	s13 =	smov.u32 s11;
	[sflag:s16] =	ssyncset.done @!p1 $0x0;
	s10 =	smov.u32 s15  }
0x25: {  	s12 =	sadd.s32 $0x1, s12;
	[sflag:s16] =	ssyncadd.s32 @!p1 $0xFFFFC000;
	s11 =	smov.u32 s17  }
.LBB1_1:
0x26: {  	p1 =	sge.u32 s12, s5;
	s31 =	sadd.s32 $0xFFFFFFFF, s12  }
0x27: {  	s15 =	sand.u32 @!p1 $0x78, s10;
	s16 =	sshll.u32 @!p1 s11, $0xD;
	s17 =	sshll.u32 @!p1 s11, $0x7  }
0x28: {  	s18 =	sshll.u32 @!p1 s10, $0x3;
	s16 =	sand.u32 @!p1 $0x7F0000, s16;
	s17 =	sand.u32 @!p1 $0x380, s17  }
0x29: {  	s16 =	sadd.s32 @!p1 s16, s18;
	s18 =	sand.u32 @!p1 $0x1C00, s18;
	s15 =	sor.u32 @!p1 s17, s15  }
0x2a: {  	s17 =	sxor.u32 @!p1 $0xFFFFFFFF, s12;
	s16 =	sand.u32 @!p1 $0x7FE000, s16;
	s15 =	sor.u32 @!p1 s18, s15  }
0x2b: {  	s17 =	sshll.u32 @!p1 s17, $0xE;
	s15 =	sor.u32 @!p1 s16, s15;
	s16 =	sand.u32 @!p1 $0x7, s10  }
0x2c: {  	s18 =	simm.s32 @!p1 $0x10000;
	s15 =	sshrl.u32 @!p1 s15, $0x3;
	s16 =	sshll.u32 @!p1 s16, $0x12  }
0x2d: {  	s17 =	sand.u32 @!p1 $0x4000, s17;
	s15 =	sadd.s32 @!p1 s6, s15;
	s16 =	sor.u32 @!p1 $0x400, s16  }
0x2e: {  	[tilespmem:s17], [sflag:$0x1] =	stream.strided.gather @!p1 [hbm4b:s15+s16], $0x4000, s18, s16, $0x38;
	[tilespmem:$0x10100] =	vst v63  }
0x2f: {  	p1 =	sge.u32 s31, s5  }
.Ltmp2:
0x30: {  	_ = 	snop;
	(pc) =	sbr.rel @p1 .LBB1_5-.Ltmp2, $1  }
0x31: {  	_ =	sdelay $0x3  }
0x32: {  	s15 =	simm.s32 $0x1  }
0x33: {  	_ =	swait.ge [sflag:s4], $0x4000;
	s15 =	simm.s32 @!p0 $0x0  }
0x34: {  	[sflag:s4] =	ssyncset.done $0x0;
	s16 =	sshll.u32 s15, $0xE  }
0x35: {  	[sflag:s4] =	ssyncadd.s32 $0xFFFFC000;
	s18 =	sor.u32 $0x40, s16  }
0x36: {  	s15 =	smul.u32 $0x10200, s15;
	v0 =	vld [tilespmem:s18+$0x30]  }
0x37: {  	v3 =	vld [tilespmem:s18+$0xFFFFFFD0]  }
0x38: {  	s15 =	sshrl.u32 s15, $0x2;
	v4 =	vld [tilespmem:s18+$0xFFFFFFE0]  }
0x39: {  	v5 =	vld [tilespmem:s18+$0xFFFFFFF0];
	s16 =	sor.u32 $0x8000, s15  }
0x3a: {  	s31 =	sand.u32 $0x1, s12;
	v1 =	vld [tilespmem:s18+$0x0];
	s17 =	sadd.s32 $0x0, s16  }
0x3b: {  	v2 =	vld [tilespmem:s18+$0x10];
	s15 =	smul.u32 $0x10200, s31;
	[tilespmem:s17+$0x3870 ss:$0x81] =	vst.msk $0xffff, v0  }
0x3c: {  	[tilespmem:s17+$0x810 ss:$0x81] =	vst.msk $0xffff, v3;
	v3 =	vld [tilespmem:s18+$0x20]  }
0x3d: {  	s15 =	sshrl.u32 s15, $0x2;
	v0 =	vld [tilespmem:s18+$0xFFFFFFC0];
	[tilespmem:s17+$0x1020 ss:$0x81] =	vst.msk $0xffff, v4;
	s18 =	sadd.s32 $0x80, s18  }
0x3e: {  	s19 =	simm.s32 $0x4;
	s20 =	simm.s32 $0x8;
	s15 =	sor.u32 $0x8000, s15;
	[tilespmem:s17+$0x1830 ss:$0x81] =	vst.msk $0xffff, v5;
	v4 =	vld [tilespmem:s18+$0x30]  }
.LBB1_3:
0x3f: {  	p1 =	sne.s32 s20, $0x1FC;
	v5 =	vld [tilespmem:s18+$0xFFFFFFD0];
	[tilespmem:s17+$0x2040 ss:$0x81] =	vst.msk $0xffff, v1  }
0x40: {  	v6 =	vld [tilespmem:s18+$0xFFFFFFE0];
	[tilespmem:s17+$0x2850 ss:$0x81] =	vst.msk $0xffff, v2  }
0x41: {  	s21 =	sshra.s32 s19, $0x2;
	s19 =	smov.u32 s20;
	v7 =	vld [tilespmem:s18+$0xFFFFFFF0];
	[tilespmem:s17+$0x3060 ss:$0x81] =	vst.msk $0xffff, v3  }
.Ltmp3:
0x42: {  	v1 =	vld [tilespmem:s18+$0x0];
	[tilespmem:s17+$0x0 ss:$0x81] =	vst.msk $0xffff, v0;
	s17 =	sadd.s32 s21, s16;
	(pc) =	sbr.rel @p1 .LBB1_3-.Ltmp3, $4  }
0x43: {  	v2 =	vld [tilespmem:s18+$0x10];
	[tilespmem:s17+$0x3870 ss:$0x81] =	vst.msk $0xffff, v4  }
0x44: {  	[tilespmem:s17+$0x810 ss:$0x81] =	vst.msk $0xffff, v5;
	v3 =	vld [tilespmem:s18+$0x20]  }
0x45: {  	v0 =	vld [tilespmem:s18+$0xFFFFFFC0];
	[tilespmem:s17+$0x1020 ss:$0x81] =	vst.msk $0xffff, v6;
	s18 =	sadd.s32 $0x80, s18  }
0x46: {  	s20 =	sadd.s32 $0x4, s20;
	v4 =	vld [tilespmem:s18+$0x30];
	[tilespmem:s17+$0x1830 ss:$0x81] =	vst.msk $0xffff, v7  }
.Ltmp4:
0x47: {  	_ = 	snop;
	(pc) =	sbr.rel .LBB1_4-.Ltmp4, $1  }
0x48: {  	_ =	sdelay $0x3  }
.LBB1_6:
0x49: {  	_ =	sfence.sel $0x180000  }
0x4a: {  	s2 =	simm.s32 $0x1;
	[bflag:$0x0] =	sbarrier.arrive $0xFFFF  }
0x4b: {  	s31 =	simm.s32 $0x2;
	[sflag:s2] =	ssyncpa.u1 $0x1  }
0x4c: {  	[sflag:s31] =	ssyncpa.u1 $0x1  }
0x4d: {  	p0 =	sne.s32 s0, $0x0;
	_ =	strace $0x9000004D  }
0x4e: {  	s0 =	sadd.s32 @!p0 $0x100000, s1;
	[bflag:$0x2] =	sbarrier.arrive $0xFFFF  }
0x4f: {  	[sflag:s0] =	ssyncadd.tile.s32 @!p0 $0x1;
	_ =	shalt  }
.Lfunc_end1:
_tile_overlayer_lowered:
.L_overlay_start_2:
0x50: {  	(tag) =	ssettag $0x2  }
0x51: {  	s0 =	rddreg [dreg:$0x0];
	s2 =	stileid.u32  }
0x52: {  	s1 =	rddreg [dreg:$0x1];
	p0 =	sne.s32 s2, $0x0  }
0x53: {  	s3 =	rddreg [dreg:$0x2];
	[bflag:$0x3] =	sbarrier.arrive $0xFFFF;
	s2 =	simm.s32 @!p0 $0x1C01  }
0x54: {  	[timem:s3], [sflag:s2] =	dma.local @!p0 [hbm:s0], s1  }
0x55: {  	s0 =	simm.s32 @!p0 $0x1  }
0x56: {  	_ =	swait.ge @!p0 [sflag:s0], s1  }
0x57: {  	s1 =	ssub.s32 @!p0 $0x0, s1;
	[sflag:s0] =	ssyncset.done @!p0 $0x0  }
0x58: {  	[sflag:s0] =	ssyncadd.s32 @!p0 s1  }
0x59: {  	[bflag:$0x3] =	sbarrier.arrive $0xFFFF  }
0x5a: {  	_ =	shalt  }

// kernel: sparse-core-data-format-call.cloned.1.call-start
scs
called_computation_lowered:
.L_overlay_start_0:
0x0: {  	s1 =	sld [smem:$0x3FD9]  }
0x1: {  	s2 =	sld [smem:$0x3FFE];
	_ =	sdelay $0x1  }
0x2: {  	s3 =	srdreg.scid  }
0x3: {  	s0 =	sand.u32 $0x1, s3  }
0x4: {  	s17 =	sshll.u32 s0, $0xA;
	s1 =	sadd.s32 s2, s1  }
0x5: {  	s1 =	sadd.s32 s1, s17  }
0x6: {  	[smem:$0x3FBC] =	sst s1  }
0x7: {  	_ = 	snop  }
0x8: {  	(tm) =	ssettm $0x1  }
0x9: {  	s18 =	sld [smem:$0x3FFB];
	_ =	sdelay $0x3  }
0xa: {  	_ =	strace s18  }
0xb: {  	s1 =	sld [smem:$0x3FFC];
	_ =	sdelay $0x3  }
0xc: {  	_ =	strace s1  }
0xd: {  	s1 =	sld [smem:$0x3FFD];
	_ =	sdelay $0x3  }
0xe: {  	_ =	strace s1  }
0xf: {  	_ =	strace $0x8FFFFFFF  }
0x10: {  	s19 =	sld [smem:$0x3FDB];
	_ =	sdelay $0x1  }
0x11: {  	s20 =	simm.s32 $_scs_section_size  }
0x12: {  	s4 =	simm.s32 $_size__tile_overlayer_lowered;
	s5 =	simm.s32 $_tile_overlayer_lowered  }
0x13: {  	s23 =	simm.s32 $0x1BFF;
	s22 =	sshll.u32 s5, $0x1;
	s1 =	sadd.s32 s20, s19  }
0x14: {  	s6 =	simm.s32 $0x0;
	s21 =	sshll.u32 s4, $0x1;
	s4 =	sadd.s32 s22, s1  }
0x15: {  	[timem:s6], [sflag:s23] =	dma.local [hbm:s4], s21  }
0x16: {  	_ =	swait.ge [sflag:s23], s21  }
0x17: {  	s2 =	ssub.s32 $0x0, s21;
	[sflag:s23] =	ssyncset.done $0x0  }
0x18: {  	[sflag:s23] =	ssyncadd.s32 s2;
	_ =	sdelay $0x1  }
0x19: {  	s24 =	simm.s32 $0x1B8B  }
0x1a: {  	_ =	swait.ge [sflag:s24], $0x1  }
0x1b: {  	[sflag:s24] =	ssyncset.done $0x0  }
0x1c: {  	s26 =	simm.s32 $0x1B8E;
	s25 =	sld [smem:$0x3FFE];
	[sflag:s24] =	ssyncadd.s32 $0xFFFFFFFF  }
0x1d: {  	s27 =	simm.s32 $execute0_lowered;
	[smem:$0x3FD2] =	sst s26  }
0x1e: {  	s4 =	sshll.u32 s27, $0x1;
	_ =	strace $0x8000004F;
	[dreg:$0x1] =	wrdreg $0xFFFFFFFF  }
0x1f: {  	s28 =	simm.s32 $_size_execute0_lowered;
	s1 =	sadd.s32 s1, s4;
	[dreg:$0x0] =	wrdreg $0x0  }
0x20: {  	s4 =	sshll.u32 s28, $0x1;
	[dreg:$0x2] =	wrdreg s1  }
0x21: {  	[dreg:$0x3] =	wrdreg s4  }
0x22: {  	[dreg:$0x4] =	wrdreg $0xC0  }
0x23: {  	_ =	task [dreg:s6], $0x5FFFF  }
0x24: {  	[dreg:$0x1] =	wrdreg $0xFFFFFFFF  }
0x25: {  	[dreg:$0x0] =	wrdreg $0x60  }
0x26: {  	[dreg:$0x2] =	wrdreg s25  }
0x27: {  	[dreg:$0x3] =	wrdreg $0x9  }
0x28: {  	_ =	task.clear_ibuf [dreg:s6], $0x4FFFF;
	_ =	strace $0x9000004F  }
0x29: {  	s29 =	simm.s32 $0x9;
	_ =	strace $0x80000051  }
0x2a: {  	_ =	swait.ge [sflag:s29], $0x1  }
0x2b: {  	[sflag:s29] =	ssyncadd.s32 $0xFFFFFFFF  }
0x2c: {  	_ =	strace $0x90000051  }
0x2d: {  	_ =	sfence  }
0x2e: {  	s30 =	sld [smem:$0x0];
	_ =	sdelay $0x2  }
0x2f: {  	s31 =	sshll.u32 s3, $0xD;
	s3 =	sshrl.u32 s3, $0x2  }
0x30: {  	s2 =	sand.u32 $0x4000, s31;
	s1 =	sadd.s32 s3, s30  }
0x31: {  	s0 =	sor.u32 s2, s0;
	s1 =	sshll.u32 s1, $0x11  }
0x32: {  	s0 =	sor.u32 s1, s0  }
0x33: {  	s0 =	sadd.s32 $0x8F2B, s0  }
0x34: {  	[sflag:s0] =	ssyncadd.remote.s32 $0x1  }
0x35: {  	_ =	sfence.sel $0xFFFF  }
0x36: {  	[dreg:$0x0] =	wrdreg $0xFFFFFFFF;
	(pc) =	sbr.abs _section_cstart, $3  }
0x37: {  	[dreg:$0x1] =	wrdreg $0xFFFFFFFF  }
0x38: {  	_ =	task.clear_ibuf [dreg:s6], $0x2FFFF;
	_ =	strace $0x9FFFFFFF  }
0x39: {  	(tm) =	ssettm $0x7FFFFFFF  }
tec
execute0_lowered:
.L_overlay_start_1:
0x0: {  	(tag) =	ssettag $0x1  }
0x1: {  	s0 =	srdreg.scid  }
0x2: {  	s1 =	sshll.u32 s0, $0x4  }
0x3: {  	s6 =	rddreg [dreg:$0x0];
	s0 =	stileid.u32;
	s1 =	sand.u32 $0x10, s1  }
0x4: {  	s5 =	simm.s32 $0x1;
	s31 =	simm.s32 $0x2;
	s1 =	sor.u32 s0, s1  }
0x5: {  	s13 =	simm.s32 $0x0;
	s8 =	simm.s32 $0x10000;
	s2 =	sshll.u32 s1, $0x7  }
0x6: {  	s12 =	simm.s32 $0x0;
	s9 =	simm.s32 $0x0;
	s3 =	ssub.s32 $0x2000, s2  }
0x7: {  	s11 =	simm.s32 $0x0;
	s1 =	rddreg [dreg:$0x1];
	s4 =	sand.u32 $0xF80, s3  }
.Ltmp0:
0x8: {  	_ =	strace $0x80000050;
	p0 =	sne.s32 s4, $0x0;
	(pc) =	sbr.rel .LBB1_1-.Ltmp0, $4  }
0x9: {  	s10 =	smov.u32 s2;
	s7 =	sshrl.u32 s3, $0xC;
	s5 =	simm.s32 @!p0 $0x0  }
0xa: {  	s3 =	sadd.s32 $0x54C00, s6;
	s4 =	simm.s32 $0x1;
	s5 =	sadd.s32 s5, s7  }
0xb: {  	s6 =	sadd.s32 $0x154C00, s6;
	[sflag:s4] =	ssyncpa.u1 $0x0;
	s5 =	sshll.u32 s5, $0x3  }
0xc: {  	p0 =	por $0x0, $0x0;
	[sflag:s31] =	ssyncpa.u1 $0x0;
	s7 =	sor.u32 $0x1, s5  }
.LBB1_4:
0xd: {  	v5 =	vld [tilespmem:s16+$0xFFFFFFD0]  }
0xe: {  	[tilespmem:s17+$0x2040 ss:$0x81] =	vst.msk $0xffff, v1;
	v58 =	vld [tilespmem:s16+$0xFFFFFFE0]  }
0xf: {  	[tilespmem:s17+$0x2850 ss:$0x81] =	vst.msk $0xffff, v2;
	v59 =	vld [tilespmem:s16+$0xFFFFFFF0]  }
0x10: {  	s18 =	sshra.s32 s18, $0x2;
	[tilespmem:s17+$0x3060 ss:$0x81] =	vst.msk $0xffff, v3;
	v60 =	vld [tilespmem:s16+$0x0]  }
0x11: {  	[tilespmem:s17+$0x0 ss:$0x81] =	vst.msk $0xffff, v0;
	v61 =	vld [tilespmem:s16+$0x10];
	s15 =	sadd.s32 s18, s15  }
0x12: {  	s26 =	sshll.u32 s13, $0xD;
	v62 =	vld [tilespmem:s16+$0x20];
	[tilespmem:s15+$0x3870 ss:$0x81] =	vst.msk $0xffff, v4  }
0x13: {  	s27 =	sand.u32 $0x78, s12;
	s19 =	sshll.u32 s12, $0x3;
	v63 =	vld [tilespmem:s16+$0xFFFFFFC0];
	s29 =	sshll.u32 s13, $0x7;
	[tilespmem:s15+$0x810 ss:$0x81] =	vst.msk $0xffff, v5  }
0x14: {  	s17 =	sand.u32 $0x7F0000, s26;
	s28 =	sand.u32 $0x7FFC00, s19;
	s19 =	sand.u32 $0x1C00, s19;
	[tilespmem:s15+$0x1020 ss:$0x81] =	vst.msk $0xffff, v58  }
0x15: {  	s13 =	sand.u32 $0x380, s29;
	s16 =	sadd.s32 s28, s17;
	s30 =	sor.u32 s27, s19;
	[tilespmem:s15+$0x1830 ss:$0x81] =	vst.msk $0xffff, v59  }
0x16: {  	s16 =	sand.u32 $0x7FE000, s16;
	s13 =	sor.u32 s13, s30;
	[tilespmem:s15+$0x2040 ss:$0x81] =	vst.msk $0xffff, v60  }
0x17: {  	s31 =	sand.u32 $0x7, s12;
	s13 =	sor.u32 s16, s13;
	[tilespmem:s15+$0x2850 ss:$0x81] =	vst.msk $0xffff, v61  }
0x18: {  	s12 =	sshll.u32 s31, $0x12;
	[tilespmem:s15+$0x3060 ss:$0x81] =	vst.msk $0xffff, v62;
	s13 =	sshrl.u32 s13, $0x3  }
0x19: {  	s12 =	sor.u32 $0x400, s12;
	[tilespmem:s15+$0x0 ss:$0x81] =	vst.msk $0xffff, v63;
	s13 =	sadd.s32 s6, s13  }
0x1a: {  	[hbm4b:s13+s12] =	stream.strided.scatter [tilespmem:s14], [sflag:$0x2], $0x4000, s8, s12, $0x20;
	[tilespmem:$0x10100] =	vst v63  }
.LBB1_5:
0x1b: {  	s14 =	sadd.s32 $0x80, s9  }
0x1c: {  	s12 =	sadd.s32 $0x1000, s10;
	s16 =	smov.u32 s10;
	p2 =	sgt.s32 s14, $0x3FF  }
0x1d: {  	s16 =	smov.u32 @p2 s12  }
0x1e: {  	s14 =	simm.s32 @p2 $0x0;
	p2 =	sgt.s32 s16, $0x1FFF  }
0x1f: {  	s16 =	smov.u32 @p2 s2;
	p2 =	sne.s32 s11, s7  }
.Ltmp1:
0x20: {  	p1 =	slt.u32 s11, $0x2;
	(pc) =	sbr.rel @!p2 .LBB1_6-.Ltmp1, $4  }
0x21: {  	s15 =	simm.s32 @!p1 $0x2  }
0x22: {  	s13 =	smov.u32 s9;
	p0 =	por !p0, !p0;
	_ =	swait.ge @!p1 [sflag:s15], $0x4000  }
0x23: {  	s12 =	smov.u32 s10;
	[sflag:s15] =	ssyncset.done @!p1 $0x0;
	s9 =	smov.u32 s14  }
0x24: {  	s11 =	sadd.s32 $0x1, s11;
	[sflag:s15] =	ssyncadd.s32 @!p1 $0xFFFFC000;
	s10 =	smov.u32 s16  }
.LBB1_1:
0x25: {  	p1 =	sge.u32 s11, s5  }
0x26: {  	s31 =	sadd.s32 $0xFFFFFFFF, s11;
	s14 =	sshll.u32 @!p1 s10, $0xA  }
0x27: {  	s15 =	sshll.u32 @!p1 s9, $0x3;
	s16 =	sshll.u32 @!p1 s10, $0x7;
	s14 =	sand.u32 @!p1 $0x7FE000, s14  }
0x28: {  	s17 =	sand.u32 @!p1 $0x78, s9;
	s14 =	sadd.s32 @!p1 s14, s15;
	s15 =	sand.u32 @!p1 $0x380, s16  }
0x29: {  	s16 =	sxor.u32 @!p1 $0xFFFFFFFF, s11;
	s14 =	sand.u32 @!p1 $0x7FFC00, s14;
	s15 =	sor.u32 @!p1 s15, s17  }
0x2a: {  	s16 =	sshll.u32 @!p1 s16, $0xE;
	s14 =	sor.u32 @!p1 s14, s15;
	s15 =	sand.u32 @!p1 $0x7, s9  }
0x2b: {  	s17 =	simm.s32 @!p1 $0x2000;
	s14 =	sshrl.u32 @!p1 s14, $0x3;
	s15 =	sshll.u32 @!p1 s15, $0x12  }
0x2c: {  	s16 =	sand.u32 @!p1 $0x4000, s16;
	s14 =	sadd.s32 @!p1 s3, s14;
	s15 =	sor.u32 @!p1 $0x400, s15  }
0x2d: {  	[tilespmem:s16], [sflag:$0x1] =	stream.strided.gather @!p1 [hbm4b:s14+s15], $0x4000, s17, s15, $0x38;
	[tilespmem:$0x10100] =	vst v63  }
0x2e: {  	p1 =	sge.u32 s31, s5  }
.Ltmp2:
0x2f: {  	_ = 	snop;
	(pc) =	sbr.rel @p1 .LBB1_5-.Ltmp2, $1  }
0x30: {  	_ =	sdelay $0x3  }
0x31: {  	s14 =	simm.s32 $0x1  }
0x32: {  	_ =	swait.ge [sflag:s4], $0x4000;
	s14 =	simm.s32 @!p0 $0x0  }
0x33: {  	[sflag:s4] =	ssyncset.done $0x0;
	s15 =	sshll.u32 s14, $0xE  }
0x34: {  	[sflag:s4] =	ssyncadd.s32 $0xFFFFC000;
	s16 =	sor.u32 $0x40, s15  }
0x35: {  	s14 =	smul.u32 $0x10200, s14;
	v0 =	vld [tilespmem:s16+$0x30]  }
0x36: {  	v3 =	vld [tilespmem:s16+$0xFFFFFFD0]  }
0x37: {  	s14 =	sshrl.u32 s14, $0x2;
	v4 =	vld [tilespmem:s16+$0xFFFFFFE0]  }
0x38: {  	v5 =	vld [tilespmem:s16+$0xFFFFFFF0];
	s15 =	sor.u32 $0x8000, s14  }
0x39: {  	s31 =	sand.u32 $0x1, s11;
	v1 =	vld [tilespmem:s16+$0x0];
	s17 =	sadd.s32 $0x0, s15  }
0x3a: {  	v2 =	vld [tilespmem:s16+$0x10];
	s14 =	smul.u32 $0x10200, s31;
	[tilespmem:s17+$0x3870 ss:$0x81] =	vst.msk $0xffff, v0  }
0x3b: {  	[tilespmem:s17+$0x810 ss:$0x81] =	vst.msk $0xffff, v3;
	v3 =	vld [tilespmem:s16+$0x20]  }
0x3c: {  	s14 =	sshrl.u32 s14, $0x2;
	v0 =	vld [tilespmem:s16+$0xFFFFFFC0];
	[tilespmem:s17+$0x1020 ss:$0x81] =	vst.msk $0xffff, v4;
	s16 =	sadd.s32 $0x80, s16  }
0x3d: {  	s18 =	simm.s32 $0x4;
	s19 =	simm.s32 $0x8;
	s14 =	sor.u32 $0x8000, s14;
	[tilespmem:s17+$0x1830 ss:$0x81] =	vst.msk $0xffff, v5;
	v4 =	vld [tilespmem:s16+$0x30]  }
.LBB1_3:
0x3e: {  	p1 =	sne.s32 s19, $0x1FC;
	v5 =	vld [tilespmem:s16+$0xFFFFFFD0];
	[tilespmem:s17+$0x2040 ss:$0x81] =	vst.msk $0xffff, v1  }
0x3f: {  	v6 =	vld [tilespmem:s16+$0xFFFFFFE0];
	[tilespmem:s17+$0x2850 ss:$0x81] =	vst.msk $0xffff, v2  }
0x40: {  	s20 =	sshra.s32 s18, $0x2;
	s18 =	smov.u32 s19;
	v7 =	vld [tilespmem:s16+$0xFFFFFFF0];
	[tilespmem:s17+$0x3060 ss:$0x81] =	vst.msk $0xffff, v3  }
.Ltmp3:
0x41: {  	v1 =	vld [tilespmem:s16+$0x0];
	[tilespmem:s17+$0x0 ss:$0x81] =	vst.msk $0xffff, v0;
	s17 =	sadd.s32 s20, s15;
	(pc) =	sbr.rel @p1 .LBB1_3-.Ltmp3, $4  }
0x42: {  	v2 =	vld [tilespmem:s16+$0x10];
	[tilespmem:s17+$0x3870 ss:$0x81] =	vst.msk $0xffff, v4  }
0x43: {  	[tilespmem:s17+$0x810 ss:$0x81] =	vst.msk $0xffff, v5;
	v3 =	vld [tilespmem:s16+$0x20]  }
0x44: {  	v0 =	vld [tilespmem:s16+$0xFFFFFFC0];
	[tilespmem:s17+$0x1020 ss:$0x81] =	vst.msk $0xffff, v6;
	s16 =	sadd.s32 $0x80, s16  }
0x45: {  	s19 =	sadd.s32 $0x4, s19;
	v4 =	vld [tilespmem:s16+$0x30];
	[tilespmem:s17+$0x1830 ss:$0x81] =	vst.msk $0xffff, v7  }
.Ltmp4:
0x46: {  	_ = 	snop;
	(pc) =	sbr.rel .LBB1_4-.Ltmp4, $1  }
0x47: {  	_ =	sdelay $0x3  }
.LBB1_6:
0x48: {  	_ =	sfence.sel $0x180000  }
0x49: {  	s2 =	simm.s32 $0x1;
	[bflag:$0x0] =	sbarrier.arrive $0xFFFF  }
0x4a: {  	s31 =	simm.s32 $0x2;
	[sflag:s2] =	ssyncpa.u1 $0x1  }
0x4b: {  	[sflag:s31] =	ssyncpa.u1 $0x1  }
0x4c: {  	p0 =	sne.s32 s0, $0x0;
	_ =	strace $0x90000050  }
0x4d: {  	s0 =	sadd.s32 @!p0 $0x100000, s1;
	[bflag:$0x2] =	sbarrier.arrive $0xFFFF  }
0x4e: {  	[sflag:s0] =	ssyncadd.tile.s32 @!p0 $0x1;
	_ =	shalt  }
.Lfunc_end1:
_tile_overlayer_lowered:
.L_overlay_start_2:
0x4f: {  	(tag) =	ssettag $0x2  }
0x50: {  	s0 =	rddreg [dreg:$0x0];
	s2 =	stileid.u32  }
0x51: {  	s1 =	rddreg [dreg:$0x1];
	p0 =	sne.s32 s2, $0x0  }
0x52: {  	s3 =	rddreg [dreg:$0x2];
	[bflag:$0x3] =	sbarrier.arrive $0xFFFF;
	s2 =	simm.s32 @!p0 $0x1C01  }
0x53: {  	[timem:s3], [sflag:s2] =	dma.local @!p0 [hbm:s0], s1  }
0x54: {  	s0 =	simm.s32 @!p0 $0x1  }
0x55: {  	_ =	swait.ge @!p0 [sflag:s0], s1  }
0x56: {  	s1 =	ssub.s32 @!p0 $0x0, s1;
	[sflag:s0] =	ssyncset.done @!p0 $0x0  }
0x57: {  	[sflag:s0] =	ssyncadd.s32 @!p0 s1  }
0x58: {  	[bflag:$0x3] =	sbarrier.arrive $0xFFFF  }
0x59: {  	_ =	shalt  }

</sc_bundles>
